<compile_context>
chip_gen: v7x
topology: tpu7x:2x2x1
jax: 0.10.2.dev20260603
libtpu: 0.0.44.dev20260713+nightly
codegen_flags: <defaults>
</compile_context>

<pallas_src>
import jax
import jax.numpy as jnp
from jax import lax
from jax.experimental import pallas as pl
from jax.experimental.pallas import tpu as pltpu
from jax.experimental.pallas import tpu_sc as plsc

_CH = 12
_WS = 160
_XYZ_MIN = -1.0
_XYZ_MAX = 1.0
_ROW = 128
_NCELL = _WS * _WS * _WS
_NPAIR = _NCELL // 2

_NC = 2
_NS = 16
_NW = _NC * _NS

_P = 32
_G = _P // 16
_RPC = 8 * _P

_COFF = (0, _WS, _WS * _WS, _WS * _WS + _WS)


def _make_kernel(npts):
    ppw = npts // _NW
    nchunk = ppw // _P
    assert ppw * _NW == npts and nchunk * _P == ppw

    mesh = plsc.VectorSubcoreMesh(core_axis_name="c", subcore_axis_name="s",
                                  num_cores=_NC, num_subcores=_NS)

    def body(xs_hbm, ys_hbm, zs_hbm, tab_hbm, out_hbm,
             xs_v, ys_v, zs_v, fx_v, fy_v, fz_v, par_v, idx_v, rows_v,
             outb_v,
             xsem0, xsem1, gsem0, gsem1, osem0, osem1):
        xsem = (xsem0, xsem1)
        gsem = (gsem0, gsem1)
        osem = (osem0, osem1)
        wid = lax.axis_index("s") * _NC + lax.axis_index("c")
        base0 = wid * ppw
        iota = lax.iota(jnp.int32, 16)
        half = jnp.float32(1.0 / (_XYZ_MAX - _XYZ_MIN))
        scale = jnp.float32(_WS - 1)

        def xyz_copies(i, s):
            gb = base0 + i * _P
            sl = pl.ds(gb, _P)
            dsl = pl.ds(s * _P, _P)
            return ((xs_hbm.at[sl], xs_v.at[dsl]),
                    (ys_hbm.at[sl], ys_v.at[dsl]),
                    (zs_hbm.at[sl], zs_v.at[dsl]))

        def fire_xyz(i, s):
            @pl.when(i < nchunk)
            def _():
                for src, dst in xyz_copies(i, s):
                    pltpu.async_copy(src, dst, xsem[s])

        def prep(i, s):
            @pl.when(i < nchunk)
            def _():
                for src, dst in xyz_copies(i, s):
                    pltpu.make_async_copy(src, dst, xsem[s]).wait()

                def grp(g, carry):
                    p0 = g * 16
                    q = s * _P + p0
                    xv = xs_v[pl.ds(q, 16)]
                    yv = ys_v[pl.ds(q, 16)]
                    zv = zs_v[pl.ds(q, 16)]
                    px = (xv - _XYZ_MIN) * half * scale
                    py = (yv - _XYZ_MIN) * half * scale
                    pz = (zv - _XYZ_MIN) * half * scale
                    xi = jnp.clip(px.astype(jnp.int32), 0, _WS - 2)
                    yi = jnp.clip(py.astype(jnp.int32), 0, _WS - 2)
                    zi = jnp.clip(pz.astype(jnp.int32), 0, _WS - 2)
                    fx_v[pl.ds(q, 16)] = px - xi.astype(jnp.float32)
                    fy_v[pl.ds(q, 16)] = py - yi.astype(jnp.float32)
                    fz_v[pl.ds(q, 16)] = pz - zi.astype(jnp.float32)
                    base = xi * (_WS * _WS) + yi * _WS + zi
                    for k in range(4):
                        fl = base + _COFF[k]
                        r0 = lax.shift_right_logical(fl, 1)
                        qi = s * _RPC + (2 * k) * _P + p0
                        idx_v[pl.ds(qi, 16)] = r0
                        idx_v[pl.ds(qi + _P, 16)] = r0 + 1
                        par_v[pl.ds((s * 4 + k) * _P + p0, 16)] = (
                            jnp.bitwise_and(fl, 1))
                    return carry

                lax.fori_loop(0, _G, grp, None)

                pltpu.async_copy(
                    tab_hbm.at[idx_v.at[pl.ds(s * _RPC, _RPC)]],
                    rows_v.at[pl.ds(s * _RPC, _RPC), :],
                    gsem[s])

        def blendout(i, s):
            gb = base0 + i * _P
            pltpu.make_async_copy(
                tab_hbm.at[idx_v.at[pl.ds(s * _RPC, _RPC)]],
                rows_v.at[pl.ds(s * _RPC, _RPC), :],
                gsem[s]).wait()
            @pl.when(i >= 2)
            def _():
                pltpu.make_async_copy(outb_v.at[pl.ds(s * _P, _P), :],
                                      out_hbm.at[pl.ds(0, _P), :],
                                      osem[s]).wait()

            def grp(g, carry):
                p0 = g * 16
                q = s * _P + p0
                fx = fx_v[pl.ds(q, 16)]
                fy = fy_v[pl.ds(q, 16)]
                fz = fz_v[pl.ds(q, 16)]
                one = jnp.float32(1.0)
                gx = one - fx
                gy = one - fy
                gz = one - fz
                wa = gx * gy
                wb = gx * fy
                wc = fx * gy
                wd = fx * fy
                w = (wa * gz, wa * fz, wb * gz, wb * fz,
                     wc * gz, wc * fz, wd * gz, wd * fz)
                pv = p0 + iota
                acc = [None] * _CH
                for k in range(4):
                    par = par_v[pl.ds((s * 4 + k) * _P + p0, 16)]
                    c0 = par * _CH
                    c1 = _CH - c0
                    rk0 = s * _RPC + (2 * k) * _P + pv
                    rk1 = rk0 + par * _P
                    for dz in range(2):
                        row = rk0 if dz == 0 else rk1
                        cb = c0 if dz == 0 else c1
                        wv = w[2 * k + dz]
                        for c in range(_CH):
                            val = plsc.load_gather(rows_v, [row, cb + c])
                            if acc[c] is None:
                                acc[c] = wv * val
                            else:
                                acc[c] = acc[c] + wv * val
                for c in range(_CH):
                    plsc.store_scatter(outb_v, [q + iota, jnp.full((16,), c, jnp.int32)],
                                       acc[c])
                return carry

            lax.fori_loop(0, _G, grp, None)
            pltpu.async_copy(outb_v.at[pl.ds(s * _P, _P), :],
                             out_hbm.at[pl.ds(gb, _P), :], osem[s])

        fire_xyz(0, 0)
        fire_xyz(1, 1)
        prep(0, 0)
        fire_xyz(2, 0)

        def step(i, s):
            prep(i + 1, s ^ 1)
            fire_xyz(i + 3, s ^ 1)
            blendout(i, s)

        def dbl(j, carry):
            i = j * 2
            step(i, 0)
            step(i + 1, 1)
            return carry

        lax.fori_loop(0, nchunk // 2, dbl, None)

        for s in (0, 1):
            pltpu.make_async_copy(outb_v.at[pl.ds(s * _P, _P), :],
                                  out_hbm.at[pl.ds(0, _P), :], osem[s]).wait()

    scratch = [
        pltpu.VMEM((2 * _P,), jnp.float32),
        pltpu.VMEM((2 * _P,), jnp.float32),
        pltpu.VMEM((2 * _P,), jnp.float32),
        pltpu.VMEM((2 * _P,), jnp.float32),
        pltpu.VMEM((2 * _P,), jnp.float32),
        pltpu.VMEM((2 * _P,), jnp.float32),
        pltpu.VMEM((2 * 4 * _P,), jnp.int32),
        pltpu.VMEM((2 * _RPC,), jnp.int32),
        pltpu.VMEM((2 * _RPC, _ROW), jnp.float32),
        pltpu.VMEM((2 * _P, _CH), jnp.float32),
        pltpu.SemaphoreType.DMA,
        pltpu.SemaphoreType.DMA,
        pltpu.SemaphoreType.DMA,
        pltpu.SemaphoreType.DMA,
        pltpu.SemaphoreType.DMA,
        pltpu.SemaphoreType.DMA,
    ]
    return pl.kernel(body,
                     out_type=jax.ShapeDtypeStruct((npts, _CH), jnp.float32),
                     mesh=mesh,
                     compiler_params=pltpu.CompilerParams(
                         needs_layout_passes=False),
                     scratch_types=scratch)


def kernel(xyz, grid):
    npts = xyz.shape[0]
    xs = xyz[:, 0]
    ys = xyz[:, 1]
    zs = xyz[:, 2]
    tab = jnp.pad(grid.reshape(_NPAIR, 2 * _CH),
                  ((0, 0), (0, _ROW - 2 * _CH)))
    return _make_kernel(npts)(xs, ys, zs, tab)

# --- scband reference (transcript-rebuilt; emitter-appended) ---
"""Pipeline reference for scband-vdbgrid-54073638256774 (READ-ONLY COPY).

The authoritative reference and input builder live on the scoring server;
editing this copy changes nothing except your own understanding.
"""

import jax, jax.numpy as jnp
import numpy as np

CH = 12
WS = 160
XYZ_MIN = -1.0
XYZ_MAX = 1.0
N = 1048576


def setup_inputs(seed: int = 0) -> dict:
    key = jax.random.key(seed)
    k1, k2 = jax.random.split(key)
    # xyz in [0,1) which lies inside [xyz_min, xyz_max] = [-1, 1]
    xyz = jax.random.uniform(k1, (N, 3), dtype=jnp.float32)
    # learned sparse-grid values, materialized densely: [X, Y, Z, C]
    grid = jax.random.normal(k2, (WS, WS, WS, CH), dtype=jnp.float32) * 0.1
    return {"xyz": xyz, "grid": grid}


def reference(xyz, grid):
    # VDBGrid.forward: world coords -> continuous grid indices, then
    # trilinear query of the grid at those indices (QueryVerticalInVDB).
    shape = xyz.shape[:-1]
    pts = (xyz - XYZ_MIN) / (XYZ_MAX - XYZ_MIN) * (WS - 1)
    pts = pts.reshape(-1, 3)
    idx0 = jnp.clip(jnp.floor(pts).astype(jnp.int32), 0, WS - 2)
    frac = pts - idx0.astype(jnp.float32)
    x0, y0, z0 = idx0[:, 0], idx0[:, 1], idx0[:, 2]
    fx, fy, fz = frac[:, 0:1], frac[:, 1:2], frac[:, 2:3]
    flat_grid = grid.reshape(-1, CH)

    def g(ix, iy, iz):
        flat = (ix * WS + iy) * WS + iz
        return jnp.take(flat_grid, flat, axis=0)

    c000 = g(x0, y0, z0)
    c001 = g(x0, y0, z0 + 1)
    c010 = g(x0, y0 + 1, z0)
    c011 = g(x0, y0 + 1, z0 + 1)
    c100 = g(x0 + 1, y0, z0)
    c101 = g(x0 + 1, y0, z0 + 1)
    c110 = g(x0 + 1, y0 + 1, z0)
    c111 = g(x0 + 1, y0 + 1, z0 + 1)

    c00 = c000 * (1 - fz) + c001 * fz
    c01 = c010 * (1 - fz) + c011 * fz
    c10 = c100 * (1 - fz) + c101 * fz
    c11 = c110 * (1 - fz) + c111 * fz
    c0 = c00 * (1 - fy) + c01 * fy
    c1 = c10 * (1 - fy) + c11 * fy
    out = c0 * (1 - fx) + c1 * fx

    out = out.reshape((*shape, CH))
    # channels > 1, so no squeeze
    return out

if __name__ == "__main__":
    import jax
    _d = setup_inputs()
    print(jax.jit(kernel)(*tuple(_d.values())))

</pallas_src>

<mosaic_0001>
#map = affine_map<(d0, d1) -> (0)>
#map1 = affine_map<(d0, d1) -> (0, 0)>
module attributes {stable_mosaic.version = 14 : i64} {
  func.func @body(%arg0: i32, %arg1: i32, %arg2: memref<1048576xf32, #tpu.memory_space<hbm>>, %arg3: memref<1048576xf32, #tpu.memory_space<hbm>>, %arg4: memref<1048576xf32, #tpu.memory_space<hbm>>, %arg5: memref<2048000x128xf32, #tpu.memory_space<hbm>>, %arg6: memref<1048576x12xf32, #tpu.memory_space<hbm>>, %arg7: memref<64xf32, #tpu.memory_space<vmem>>, %arg8: memref<64xf32, #tpu.memory_space<vmem>>, %arg9: memref<64xf32, #tpu.memory_space<vmem>>, %arg10: memref<64xf32, #tpu.memory_space<vmem>>, %arg11: memref<64xf32, #tpu.memory_space<vmem>>, %arg12: memref<64xf32, #tpu.memory_space<vmem>>, %arg13: memref<256xi32, #tpu.memory_space<vmem>>, %arg14: memref<512xi32, #tpu.memory_space<vmem>>, %arg15: memref<512x128xf32, #tpu.memory_space<vmem>>, %arg16: memref<64x12xf32, #tpu.memory_space<vmem>>, %arg17: memref<!tpu.dma_semaphore, #tpu.memory_space<semaphore_mem>>, %arg18: memref<!tpu.dma_semaphore, #tpu.memory_space<semaphore_mem>>, %arg19: memref<!tpu.dma_semaphore, #tpu.memory_space<semaphore_mem>>, %arg20: memref<!tpu.dma_semaphore, #tpu.memory_space<semaphore_mem>>, %arg21: memref<!tpu.dma_semaphore, #tpu.memory_space<semaphore_mem>>, %arg22: memref<!tpu.dma_semaphore, #tpu.memory_space<semaphore_mem>>) attributes {dimension_semantics = [#tpu.dimension_semantics<core_parallel>, #tpu.dimension_semantics<subcore_parallel>], iteration_bounds = array<i64: 2, 16>, scalar_prefetch = 0 : i64, scratch_operands = 16 : i64, tpu.core_type = #tpu.core_type<sc_vector_subcore>, window_params = [{transform_indices = #map}, {transform_indices = #map}, {transform_indices = #map}, {transform_indices = #map1}, {transform_indices = #map1}]} {
    %mul3A = arith.constant 2 : i32
    %mul3A_0 = arith.muli %arg1, %mul3A : i32
    %add3A = arith.addi %mul3A_0, %arg0 : i32
    %mul3A_1 = arith.constant 32768 : i32
    %mul3A_2 = arith.muli %add3A, %mul3A_1 : i32
    %iota3A = tpu.iota {dimensions = array<i32: 0>} : vector<16xi32>
    %add3A_3 = arith.constant 0 : i32
    %add3A_4 = arith.addi %mul3A_2, %add3A_3 : i32
    %dma_start3A = arith.constant 0 : i32
    %dma_start3A_5 = tpu.memref_slice %arg7[%dma_start3A] : memref<64xf32, #tpu.memory_space<vmem>> -> memref<32xf32, #tpu.memory_space<vmem>>
    %dma_start3A_6 = tpu.memref_slice %arg2[%add3A_4] : memref<1048576xf32, #tpu.memory_space<hbm>> -> memref<32xf32, #tpu.memory_space<hbm>>
    %dma_start3A_7 = arith.constant 0 : i32
    %dma_start3A_8 = tpu.memref_slice %arg7[%dma_start3A_7] : memref<64xf32, #tpu.memory_space<vmem>> -> memref<32xf32, #tpu.memory_space<vmem>>
    %dma_start3A_9 = tpu.memref_slice %arg2[%add3A_4] : memref<1048576xf32, #tpu.memory_space<hbm>> -> memref<32xf32, #tpu.memory_space<hbm>>
    tpu.enqueue_dma source(%dma_start3A_9 : memref<32xf32, #tpu.memory_space<hbm>>) target(%dma_start3A_8 : memref<32xf32, #tpu.memory_space<vmem>>) target_semaphore(%arg17 : memref<!tpu.dma_semaphore, #tpu.memory_space<semaphore_mem>>)
    %dma_start3A_10 = arith.constant 0 : i32
    %dma_start3A_11 = tpu.memref_slice %arg8[%dma_start3A_10] : memref<64xf32, #tpu.memory_space<vmem>> -> memref<32xf32, #tpu.memory_space<vmem>>
    %dma_start3A_12 = tpu.memref_slice %arg3[%add3A_4] : memref<1048576xf32, #tpu.memory_space<hbm>> -> memref<32xf32, #tpu.memory_space<hbm>>
    %dma_start3A_13 = arith.constant 0 : i32
    %dma_start3A_14 = tpu.memref_slice %arg8[%dma_start3A_13] : memref<64xf32, #tpu.memory_space<vmem>> -> memref<32xf32, #tpu.memory_space<vmem>>
    %dma_start3A_15 = tpu.memref_slice %arg3[%add3A_4] : memref<1048576xf32, #tpu.memory_space<hbm>> -> memref<32xf32, #tpu.memory_space<hbm>>
    tpu.enqueue_dma source(%dma_start3A_15 : memref<32xf32, #tpu.memory_space<hbm>>) target(%dma_start3A_14 : memref<32xf32, #tpu.memory_space<vmem>>) target_semaphore(%arg17 : memref<!tpu.dma_semaphore, #tpu.memory_space<semaphore_mem>>)
    %dma_start3A_16 = arith.constant 0 : i32
    %dma_start3A_17 = tpu.memref_slice %arg9[%dma_start3A_16] : memref<64xf32, #tpu.memory_space<vmem>> -> memref<32xf32, #tpu.memory_space<vmem>>
    %dma_start3A_18 = tpu.memref_slice %arg4[%add3A_4] : memref<1048576xf32, #tpu.memory_space<hbm>> -> memref<32xf32, #tpu.memory_space<hbm>>
    %dma_start3A_19 = arith.constant 0 : i32
    %dma_start3A_20 = tpu.memref_slice %arg9[%dma_start3A_19] : memref<64xf32, #tpu.memory_space<vmem>> -> memref<32xf32, #tpu.memory_space<vmem>>
    %dma_start3A_21 = tpu.memref_slice %arg4[%add3A_4] : memref<1048576xf32, #tpu.memory_space<hbm>> -> memref<32xf32, #tpu.memory_space<hbm>>
    tpu.enqueue_dma source(%dma_start3A_21 : memref<32xf32, #tpu.memory_space<hbm>>) target(%dma_start3A_20 : memref<32xf32, #tpu.memory_space<vmem>>) target_semaphore(%arg17 : memref<!tpu.dma_semaphore, #tpu.memory_space<semaphore_mem>>)
    %add3A_22 = arith.constant 32 : i32
    %add3A_23 = arith.addi %mul3A_2, %add3A_22 : i32
    %dma_start3A_24 = arith.constant 32 : i32
    %dma_start3A_25 = tpu.memref_slice %arg7[%dma_start3A_24] : memref<64xf32, #tpu.memory_space<vmem>> -> memref<32xf32, #tpu.memory_space<vmem>>
    %dma_start3A_26 = tpu.memref_slice %arg2[%add3A_23] : memref<1048576xf32, #tpu.memory_space<hbm>> -> memref<32xf32, #tpu.memory_space<hbm>>
    %dma_start3A_27 = arith.constant 32 : i32
    %dma_start3A_28 = tpu.memref_slice %arg7[%dma_start3A_27] : memref<64xf32, #tpu.memory_space<vmem>> -> memref<32xf32, #tpu.memory_space<vmem>>
    %dma_start3A_29 = tpu.memref_slice %arg2[%add3A_23] : memref<1048576xf32, #tpu.memory_space<hbm>> -> memref<32xf32, #tpu.memory_space<hbm>>
    tpu.enqueue_dma source(%dma_start3A_29 : memref<32xf32, #tpu.memory_space<hbm>>) target(%dma_start3A_28 : memref<32xf32, #tpu.memory_space<vmem>>) target_semaphore(%arg18 : memref<!tpu.dma_semaphore, #tpu.memory_space<semaphore_mem>>)
    %dma_start3A_30 = arith.constant 32 : i32
    %dma_start3A_31 = tpu.memref_slice %arg8[%dma_start3A_30] : memref<64xf32, #tpu.memory_space<vmem>> -> memref<32xf32, #tpu.memory_space<vmem>>
    %dma_start3A_32 = tpu.memref_slice %arg3[%add3A_23] : memref<1048576xf32, #tpu.memory_space<hbm>> -> memref<32xf32, #tpu.memory_space<hbm>>
    %dma_start3A_33 = arith.constant 32 : i32
    %dma_start3A_34 = tpu.memref_slice %arg8[%dma_start3A_33] : memref<64xf32, #tpu.memory_space<vmem>> -> memref<32xf32, #tpu.memory_space<vmem>>
    %dma_start3A_35 = tpu.memref_slice %arg3[%add3A_23] : memref<1048576xf32, #tpu.memory_space<hbm>> -> memref<32xf32, #tpu.memory_space<hbm>>
    tpu.enqueue_dma source(%dma_start3A_35 : memref<32xf32, #tpu.memory_space<hbm>>) target(%dma_start3A_34 : memref<32xf32, #tpu.memory_space<vmem>>) target_semaphore(%arg18 : memref<!tpu.dma_semaphore, #tpu.memory_space<semaphore_mem>>)
    %dma_start3A_36 = arith.constant 32 : i32
    %dma_start3A_37 = tpu.memref_slice %arg9[%dma_start3A_36] : memref<64xf32, #tpu.memory_space<vmem>> -> memref<32xf32, #tpu.memory_space<vmem>>
    %dma_start3A_38 = tpu.memref_slice %arg4[%add3A_23] : memref<1048576xf32, #tpu.memory_space<hbm>> -> memref<32xf32, #tpu.memory_space<hbm>>
    %dma_start3A_39 = arith.constant 32 : i32
    %dma_start3A_40 = tpu.memref_slice %arg9[%dma_start3A_39] : memref<64xf32, #tpu.memory_space<vmem>> -> memref<32xf32, #tpu.memory_space<vmem>>
    %dma_start3A_41 = tpu.memref_slice %arg4[%add3A_23] : memref<1048576xf32, #tpu.memory_space<hbm>> -> memref<32xf32, #tpu.memory_space<hbm>>
    tpu.enqueue_dma source(%dma_start3A_41 : memref<32xf32, #tpu.memory_space<hbm>>) target(%dma_start3A_40 : memref<32xf32, #tpu.memory_space<vmem>>) target_semaphore(%arg18 : memref<!tpu.dma_semaphore, #tpu.memory_space<semaphore_mem>>)
    %add3A_42 = arith.constant 0 : i32
    %add3A_43 = arith.addi %mul3A_2, %add3A_42 : i32
    %dma_wait3A = arith.constant 0 : i32
    %dma_wait3A_44 = tpu.memref_slice %arg7[%dma_wait3A] : memref<64xf32, #tpu.memory_space<vmem>> -> memref<32xf32, #tpu.memory_space<vmem>>
    %dma_wait3A_45 = tpu.memref_slice %arg2[%add3A_43] : memref<1048576xf32, #tpu.memory_space<hbm>> -> memref<32xf32, #tpu.memory_space<hbm>>
    %dma_wait3A_46 = arith.constant 0 : i32
    %dma_wait3A_47 = tpu.memref_slice %arg7[%dma_wait3A_46] : memref<64xf32, #tpu.memory_space<vmem>> -> memref<32xf32, #tpu.memory_space<vmem>>
    %dma_wait3A_48 = tpu.memref_slice %arg2[%add3A_43] : memref<1048576xf32, #tpu.memory_space<hbm>> -> memref<32xf32, #tpu.memory_space<hbm>>
    tpu.wait_dma2 semaphore(%arg17 : memref<!tpu.dma_semaphore, #tpu.memory_space<semaphore_mem>>) src(%dma_wait3A_48 : memref<32xf32, #tpu.memory_space<hbm>>) dst(%dma_wait3A_47 : memref<32xf32, #tpu.memory_space<vmem>>)
    %dma_wait3A_49 = arith.constant 0 : i32
    %dma_wait3A_50 = tpu.memref_slice %arg8[%dma_wait3A_49] : memref<64xf32, #tpu.memory_space<vmem>> -> memref<32xf32, #tpu.memory_space<vmem>>
    %dma_wait3A_51 = tpu.memref_slice %arg3[%add3A_43] : memref<1048576xf32, #tpu.memory_space<hbm>> -> memref<32xf32, #tpu.memory_space<hbm>>
    %dma_wait3A_52 = arith.constant 0 : i32
    %dma_wait3A_53 = tpu.memref_slice %arg8[%dma_wait3A_52] : memref<64xf32, #tpu.memory_space<vmem>> -> memref<32xf32, #tpu.memory_space<vmem>>
    %dma_wait3A_54 = tpu.memref_slice %arg3[%add3A_43] : memref<1048576xf32, #tpu.memory_space<hbm>> -> memref<32xf32, #tpu.memory_space<hbm>>
    tpu.wait_dma2 semaphore(%arg17 : memref<!tpu.dma_semaphore, #tpu.memory_space<semaphore_mem>>) src(%dma_wait3A_54 : memref<32xf32, #tpu.memory_space<hbm>>) dst(%dma_wait3A_53 : memref<32xf32, #tpu.memory_space<vmem>>)
    %dma_wait3A_55 = arith.constant 0 : i32
    %dma_wait3A_56 = tpu.memref_slice %arg9[%dma_wait3A_55] : memref<64xf32, #tpu.memory_space<vmem>> -> memref<32xf32, #tpu.memory_space<vmem>>
    %dma_wait3A_57 = tpu.memref_slice %arg4[%add3A_43] : memref<1048576xf32, #tpu.memory_space<hbm>> -> memref<32xf32, #tpu.memory_space<hbm>>
    %dma_wait3A_58 = arith.constant 0 : i32
    %dma_wait3A_59 = tpu.memref_slice %arg9[%dma_wait3A_58] : memref<64xf32, #tpu.memory_space<vmem>> -> memref<32xf32, #tpu.memory_space<vmem>>
    %dma_wait3A_60 = tpu.memref_slice %arg4[%add3A_43] : memref<1048576xf32, #tpu.memory_space<hbm>> -> memref<32xf32, #tpu.memory_space<hbm>>
    tpu.wait_dma2 semaphore(%arg17 : memref<!tpu.dma_semaphore, #tpu.memory_space<semaphore_mem>>) src(%dma_wait3A_60 : memref<32xf32, #tpu.memory_space<hbm>>) dst(%dma_wait3A_59 : memref<32xf32, #tpu.memory_space<vmem>>)
    %scan3A = arith.constant 5.000000e-01 : f32
    %scan3A_61 = arith.constant 1.590000e+02 : f32
    %scan3A_62 = arith.constant 0 : i32
    %scan3A_63 = arith.constant 2 : i32
    %scan3A_64 = arith.addi %scan3A_62, %scan3A_63 : i32
    %scan3A_65 = arith.constant 1 : i32
    scf.for %scan3A_126 = %scan3A_62 to %scan3A_64 step %scan3A_65  : i32 {
      %mul3A_127 = arith.constant 16 : i32
      %mul3A_128 = arith.muli %scan3A_126, %mul3A_127 : i32
      %add3A_129 = arith.constant 0 : i32
      %add3A_130 = arith.addi %add3A_129, %mul3A_128 : i32
      %get3A = arith.index_cast %add3A_130 : i32 to index
      %get3A_131 = tpu.vector_load %arg7[%get3A] {strides = array<i32>} : memref<64xf32, #tpu.memory_space<vmem>>, vector<16xf32>,
      %get3A_132 = arith.index_cast %add3A_130 : i32 to index
      %get3A_133 = tpu.vector_load %arg8[%get3A_132] {strides = array<i32>} : memref<64xf32, #tpu.memory_space<vmem>>, vector<16xf32>,
      %get3A_134 = arith.index_cast %add3A_130 : i32 to index
      %get3A_135 = tpu.vector_load %arg9[%get3A_134] {strides = array<i32>} : memref<64xf32, #tpu.memory_space<vmem>>, vector<16xf32>,
      %sub3A = arith.constant -1.000000e+00 : f32
      %sub3A_136 = vector.broadcast %sub3A : f32 to vector<16xf32>
      %sub3A_137 = arith.subf %get3A_131, %sub3A_136 : vector<16xf32>
      %mul3A_138 = vector.broadcast %scan3A : f32 to vector<16xf32>
      %mul3A_139 = arith.mulf %sub3A_137, %mul3A_138 : vector<16xf32>
      %mul3A_140 = vector.broadcast %scan3A_61 : f32 to vector<16xf32>
      %mul3A_141 = arith.mulf %mul3A_139, %mul3A_140 : vector<16xf32>
      %sub3A_142 = arith.constant -1.000000e+00 : f32
      %sub3A_143 = vector.broadcast %sub3A_142 : f32 to vector<16xf32>
      %sub3A_144 = arith.subf %get3A_133, %sub3A_143 : vector<16xf32>
      %mul3A_145 = vector.broadcast %scan3A : f32 to vector<16xf32>
      %mul3A_146 = arith.mulf %sub3A_144, %mul3A_145 : vector<16xf32>
      %mul3A_147 = vector.broadcast %scan3A_61 : f32 to vector<16xf32>
      %mul3A_148 = arith.mulf %mul3A_146, %mul3A_147 : vector<16xf32>
      %sub3A_149 = arith.constant -1.000000e+00 : f32
      %sub3A_150 = vector.broadcast %sub3A_149 : f32 to vector<16xf32>
      %sub3A_151 = arith.subf %get3A_135, %sub3A_150 : vector<16xf32>
      %mul3A_152 = vector.broadcast %scan3A : f32 to vector<16xf32>
      %mul3A_153 = arith.mulf %sub3A_151, %mul3A_152 : vector<16xf32>
      %mul3A_154 = vector.broadcast %scan3A_61 : f32 to vector<16xf32>
      %mul3A_155 = arith.mulf %mul3A_153, %mul3A_154 : vector<16xf32>
      %convert_element_type3A = arith.fptosi %mul3A_141 : vector<16xf32> to vector<16xi32>
      %jit3A = arith.constant 0 : i32
      %jit3A_156 = arith.constant 158 : i32
      %max3A = vector.broadcast %jit3A : i32 to vector<16xi32>
      %max3A_157 = arith.maxsi %max3A, %convert_element_type3A : vector<16xi32>
      %min3A = vector.broadcast %jit3A_156 : i32 to vector<16xi32>
      %min3A_158 = arith.minsi %min3A, %max3A_157 : vector<16xi32>
      %convert_element_type3A_159 = arith.fptosi %mul3A_148 : vector<16xf32> to vector<16xi32>
      %jit3A_160 = arith.constant 0 : i32
      %jit3A_161 = arith.constant 158 : i32
      %max3A_162 = vector.broadcast %jit3A_160 : i32 to vector<16xi32>
      %max3A_163 = arith.maxsi %max3A_162, %convert_element_type3A_159 : vector<16xi32>
      %min3A_164 = vector.broadcast %jit3A_161 : i32 to vector<16xi32>
      %min3A_165 = arith.minsi %min3A_164, %max3A_163 : vector<16xi32>
      %convert_element_type3A_166 = arith.fptosi %mul3A_155 : vector<16xf32> to vector<16xi32>
      %jit3A_167 = arith.constant 0 : i32
      %jit3A_168 = arith.constant 158 : i32
      %max3A_169 = vector.broadcast %jit3A_167 : i32 to vector<16xi32>
      %max3A_170 = arith.maxsi %max3A_169, %convert_element_type3A_166 : vector<16xi32>
      %min3A_171 = vector.broadcast %jit3A_168 : i32 to vector<16xi32>
      %min3A_172 = arith.minsi %min3A_171, %max3A_170 : vector<16xi32>
      %convert_element_type3A_173 = arith.sitofp %min3A_158 : vector<16xi32> to vector<16xf32>
      %sub3A_174 = arith.subf %mul3A_141, %convert_element_type3A_173 : vector<16xf32>
      %swap3A = arith.index_cast %add3A_130 : i32 to index
      %swap3A_175 = tpu.vector_load %arg10[%swap3A] {strides = array<i32>} : memref<64xf32, #tpu.memory_space<vmem>>, vector<16xf32>,
      tpu.vector_store %arg10[%swap3A], %sub3A_174 {strides = array<i32>} : memref<64xf32, #tpu.memory_space<vmem>>, vector<16xf32>,
      %convert_element_type3A_176 = arith.sitofp %min3A_165 : vector<16xi32> to vector<16xf32>
      %sub3A_177 = arith.subf %mul3A_148, %convert_element_type3A_176 : vector<16xf32>
      %swap3A_178 = arith.index_cast %add3A_130 : i32 to index
      %swap3A_179 = tpu.vector_load %arg11[%swap3A_178] {strides = array<i32>} : memref<64xf32, #tpu.memory_space<vmem>>, vector<16xf32>,
      tpu.vector_store %arg11[%swap3A_178], %sub3A_177 {strides = array<i32>} : memref<64xf32, #tpu.memory_space<vmem>>, vector<16xf32>,
      %convert_element_type3A_180 = arith.sitofp %min3A_172 : vector<16xi32> to vector<16xf32>
      %sub3A_181 = arith.subf %mul3A_155, %convert_element_type3A_180 : vector<16xf32>
      %swap3A_182 = arith.index_cast %add3A_130 : i32 to index
      %swap3A_183 = tpu.vector_load %arg12[%swap3A_182] {strides = array<i32>} : memref<64xf32, #tpu.memory_space<vmem>>, vector<16xf32>,
      tpu.vector_store %arg12[%swap3A_182], %sub3A_181 {strides = array<i32>} : memref<64xf32, #tpu.memory_space<vmem>>, vector<16xf32>,
      %mul3A_184 = arith.constant 25600 : i32
      %mul3A_185 = vector.broadcast %mul3A_184 : i32 to vector<16xi32>
      %mul3A_186 = arith.muli %min3A_158, %mul3A_185 : vector<16xi32>
      %mul3A_187 = arith.constant 160 : i32
      %mul3A_188 = vector.broadcast %mul3A_187 : i32 to vector<16xi32>
      %mul3A_189 = arith.muli %min3A_165, %mul3A_188 : vector<16xi32>
      %add3A_190 = arith.addi %mul3A_186, %mul3A_189 : vector<16xi32>
      %add3A_191 = arith.addi %add3A_190, %min3A_172 : vector<16xi32>
      %add3A_192 = arith.constant 0 : i32
      %add3A_193 = vector.broadcast %add3A_192 : i32 to vector<16xi32>
      %add3A_194 = arith.addi %add3A_191, %add3A_193 : vector<16xi32>
      %shift_right_logical3A = arith.constant 1 : i32
      %shift_right_logical3A_195 = vector.broadcast %shift_right_logical3A : i32 to vector<16xi32>
      %shift_right_logical3A_196 = arith.shrui %add3A_194, %shift_right_logical3A_195 : vector<16xi32>
      %add3A_197 = arith.constant 0 : i32
      %add3A_198 = arith.addi %add3A_197, %mul3A_128 : i32
      %swap3A_199 = arith.index_cast %add3A_198 : i32 to index
      %swap3A_200 = tpu.vector_load %arg14[%swap3A_199] {strides = array<i32>} : memref<512xi32, #tpu.memory_space<vmem>>, vector<16xi32>,
      tpu.vector_store %arg14[%swap3A_199], %shift_right_logical3A_196 {strides = array<i32>} : memref<512xi32, #tpu.memory_space<vmem>>, vector<16xi32>,
      %add3A_201 = arith.constant 1 : i32
      %add3A_202 = vector.broadcast %add3A_201 : i32 to vector<16xi32>
      %add3A_203 = arith.addi %shift_right_logical3A_196, %add3A_202 : vector<16xi32>
      %add3A_204 = arith.constant 32 : i32
      %add3A_205 = arith.addi %add3A_198, %add3A_204 : i32
      %swap3A_206 = arith.index_cast %add3A_205 : i32 to index
      %swap3A_207 = tpu.vector_load %arg14[%swap3A_206] {strides = array<i32>} : memref<512xi32, #tpu.memory_space<vmem>>, vector<16xi32>,
      tpu.vector_store %arg14[%swap3A_206], %add3A_203 {strides = array<i32>} : memref<512xi32, #tpu.memory_space<vmem>>, vector<16xi32>,
      %and3A = arith.constant 1 : i32
      %and3A_208 = vector.broadcast %and3A : i32 to vector<16xi32>
      %and3A_209 = arith.andi %add3A_194, %and3A_208 : vector<16xi32>
      %add3A_210 = arith.constant 0 : i32
      %add3A_211 = arith.addi %add3A_210, %mul3A_128 : i32
      %swap3A_212 = arith.index_cast %add3A_211 : i32 to index
      %swap3A_213 = tpu.vector_load %arg13[%swap3A_212] {strides = array<i32>} : memref<256xi32, #tpu.memory_space<vmem>>, vector<16xi32>,
      tpu.vector_store %arg13[%swap3A_212], %and3A_209 {strides = array<i32>} : memref<256xi32, #tpu.memory_space<vmem>>, vector<16xi32>,
      %add3A_214 = arith.constant 160 : i32
      %add3A_215 = vector.broadcast %add3A_214 : i32 to vector<16xi32>
      %add3A_216 = arith.addi %add3A_191, %add3A_215 : vector<16xi32>
      %shift_right_logical3A_217 = arith.constant 1 : i32
      %shift_right_logical3A_218 = vector.broadcast %shift_right_logical3A_217 : i32 to vector<16xi32>
      %shift_right_logical3A_219 = arith.shrui %add3A_216, %shift_right_logical3A_218 : vector<16xi32>
      %add3A_220 = arith.constant 64 : i32
      %add3A_221 = arith.addi %add3A_220, %mul3A_128 : i32
      %swap3A_222 = arith.index_cast %add3A_221 : i32 to index
      %swap3A_223 = tpu.vector_load %arg14[%swap3A_222] {strides = array<i32>} : memref<512xi32, #tpu.memory_space<vmem>>, vector<16xi32>,
      tpu.vector_store %arg14[%swap3A_222], %shift_right_logical3A_219 {strides = array<i32>} : memref<512xi32, #tpu.memory_space<vmem>>, vector<16xi32>,
      %add3A_224 = arith.constant 1 : i32
      %add3A_225 = vector.broadcast %add3A_224 : i32 to vector<16xi32>
      %add3A_226 = arith.addi %shift_right_logical3A_219, %add3A_225 : vector<16xi32>
      %add3A_227 = arith.constant 32 : i32
      %add3A_228 = arith.addi %add3A_221, %add3A_227 : i32
      %swap3A_229 = arith.index_cast %add3A_228 : i32 to index
      %swap3A_230 = tpu.vector_load %arg14[%swap3A_229] {strides = array<i32>} : memref<512xi32, #tpu.memory_space<vmem>>, vector<16xi32>,
      tpu.vector_store %arg14[%swap3A_229], %add3A_226 {strides = array<i32>} : memref<512xi32, #tpu.memory_space<vmem>>, vector<16xi32>,
      %and3A_231 = arith.constant 1 : i32
      %and3A_232 = vector.broadcast %and3A_231 : i32 to vector<16xi32>
      %and3A_233 = arith.andi %add3A_216, %and3A_232 : vector<16xi32>
      %add3A_234 = arith.constant 32 : i32
      %add3A_235 = arith.addi %add3A_234, %mul3A_128 : i32
      %swap3A_236 = arith.index_cast %add3A_235 : i32 to index
      %swap3A_237 = tpu.vector_load %arg13[%swap3A_236] {strides = array<i32>} : memref<256xi32, #tpu.memory_space<vmem>>, vector<16xi32>,
      tpu.vector_store %arg13[%swap3A_236], %and3A_233 {strides = array<i32>} : memref<256xi32, #tpu.memory_space<vmem>>, vector<16xi32>,
      %add3A_238 = arith.constant 25600 : i32
      %add3A_239 = vector.broadcast %add3A_238 : i32 to vector<16xi32>
      %add3A_240 = arith.addi %add3A_191, %add3A_239 : vector<16xi32>
      %shift_right_logical3A_241 = arith.constant 1 : i32
      %shift_right_logical3A_242 = vector.broadcast %shift_right_logical3A_241 : i32 to vector<16xi32>
      %shift_right_logical3A_243 = arith.shrui %add3A_240, %shift_right_logical3A_242 : vector<16xi32>
      %add3A_244 = arith.constant 128 : i32
      %add3A_245 = arith.addi %add3A_244, %mul3A_128 : i32
      %swap3A_246 = arith.index_cast %add3A_245 : i32 to index
      %swap3A_247 = tpu.vector_load %arg14[%swap3A_246] {strides = array<i32>} : memref<512xi32, #tpu.memory_space<vmem>>, vector<16xi32>,
      tpu.vector_store %arg14[%swap3A_246], %shift_right_logical3A_243 {strides = array<i32>} : memref<512xi32, #tpu.memory_space<vmem>>, vector<16xi32>,
      %add3A_248 = arith.constant 1 : i32
      %add3A_249 = vector.broadcast %add3A_248 : i32 to vector<16xi32>
      %add3A_250 = arith.addi %shift_right_logical3A_243, %add3A_249 : vector<16xi32>
      %add3A_251 = arith.constant 32 : i32
      %add3A_252 = arith.addi %add3A_245, %add3A_251 : i32
      %swap3A_253 = arith.index_cast %add3A_252 : i32 to index
      %swap3A_254 = tpu.vector_load %arg14[%swap3A_253] {strides = array<i32>} : memref<512xi32, #tpu.memory_space<vmem>>, vector<16xi32>,
      tpu.vector_store %arg14[%swap3A_253], %add3A_250 {strides = array<i32>} : memref<512xi32, #tpu.memory_space<vmem>>, vector<16xi32>,
      %and3A_255 = arith.constant 1 : i32
      %and3A_256 = vector.broadcast %and3A_255 : i32 to vector<16xi32>
      %and3A_257 = arith.andi %add3A_240, %and3A_256 : vector<16xi32>
      %add3A_258 = arith.constant 64 : i32
      %add3A_259 = arith.addi %add3A_258, %mul3A_128 : i32
      %swap3A_260 = arith.index_cast %add3A_259 : i32 to index
      %swap3A_261 = tpu.vector_load %arg13[%swap3A_260] {strides = array<i32>} : memref<256xi32, #tpu.memory_space<vmem>>, vector<16xi32>,
      tpu.vector_store %arg13[%swap3A_260], %and3A_257 {strides = array<i32>} : memref<256xi32, #tpu.memory_space<vmem>>, vector<16xi32>,
      %add3A_262 = arith.constant 25760 : i32
      %add3A_263 = vector.broadcast %add3A_262 : i32 to vector<16xi32>
      %add3A_264 = arith.addi %add3A_191, %add3A_263 : vector<16xi32>
      %shift_right_logical3A_265 = arith.constant 1 : i32
      %shift_right_logical3A_266 = vector.broadcast %shift_right_logical3A_265 : i32 to vector<16xi32>
      %shift_right_logical3A_267 = arith.shrui %add3A_264, %shift_right_logical3A_266 : vector<16xi32>
      %add3A_268 = arith.constant 192 : i32
      %add3A_269 = arith.addi %add3A_268, %mul3A_128 : i32
      %swap3A_270 = arith.index_cast %add3A_269 : i32 to index
      %swap3A_271 = tpu.vector_load %arg14[%swap3A_270] {strides = array<i32>} : memref<512xi32, #tpu.memory_space<vmem>>, vector<16xi32>,
      tpu.vector_store %arg14[%swap3A_270], %shift_right_logical3A_267 {strides = array<i32>} : memref<512xi32, #tpu.memory_space<vmem>>, vector<16xi32>,
      %add3A_272 = arith.constant 1 : i32
      %add3A_273 = vector.broadcast %add3A_272 : i32 to vector<16xi32>
      %add3A_274 = arith.addi %shift_right_logical3A_267, %add3A_273 : vector<16xi32>
      %add3A_275 = arith.constant 32 : i32
      %add3A_276 = arith.addi %add3A_269, %add3A_275 : i32
      %swap3A_277 = arith.index_cast %add3A_276 : i32 to index
      %swap3A_278 = tpu.vector_load %arg14[%swap3A_277] {strides = array<i32>} : memref<512xi32, #tpu.memory_space<vmem>>, vector<16xi32>,
      tpu.vector_store %arg14[%swap3A_277], %add3A_274 {strides = array<i32>} : memref<512xi32, #tpu.memory_space<vmem>>, vector<16xi32>,
      %and3A_279 = arith.constant 1 : i32
      %and3A_280 = vector.broadcast %and3A_279 : i32 to vector<16xi32>
      %and3A_281 = arith.andi %add3A_264, %and3A_280 : vector<16xi32>
      %add3A_282 = arith.constant 96 : i32
      %add3A_283 = arith.addi %add3A_282, %mul3A_128 : i32
      %swap3A_284 = arith.index_cast %add3A_283 : i32 to index
      %swap3A_285 = tpu.vector_load %arg13[%swap3A_284] {strides = array<i32>} : memref<256xi32, #tpu.memory_space<vmem>>, vector<16xi32>,
      tpu.vector_store %arg13[%swap3A_284], %and3A_281 {strides = array<i32>} : memref<256xi32, #tpu.memory_space<vmem>>, vector<16xi32>,
    }
    %scan3A_66 = arith.constant 2 : i32
    %dma_start3A_67 = arith.constant 0 : i32
    %dma_start3A_68 = arith.constant 0 : i32
    %dma_start3A_69 = tpu.memref_slice %arg15[%dma_start3A_67, %dma_start3A_68] : memref<512x128xf32, #tpu.memory_space<vmem>> -> memref<256x128xf32, #tpu.memory_space<vmem>>
    %dma_start3A_70 = arith.constant 0 : i32
    %dma_start3A_71 = tpu.memref_slice %arg14[%dma_start3A_70] : memref<512xi32, #tpu.memory_space<vmem>> -> memref<256xi32, #tpu.memory_space<vmem>>
    %dma_start3A_72 = arith.constant 0 : i32
    %dma_start3A_73 = arith.constant 0 : i32
    %dma_start3A_74 = tpu.memref_slice %arg5[%dma_start3A_72, %dma_start3A_73] : memref<2048000x128xf32, #tpu.memory_space<hbm>> -> memref<2048000x128xf32, #tpu.memory_space<hbm>>
    tpu.enqueue_indirect_dma source(%dma_start3A_74 : memref<2048000x128xf32, #tpu.memory_space<hbm>>) target(%dma_start3A_69 : memref<256x128xf32, #tpu.memory_space<vmem>>) offsets(%dma_start3A_71 : memref<256xi32, #tpu.memory_space<vmem>>) semaphore(%arg19 : memref<!tpu.dma_semaphore, #tpu.memory_space<semaphore_mem>>)
    %add3A_75 = arith.constant 64 : i32
    %add3A_76 = arith.addi %mul3A_2, %add3A_75 : i32
    %dma_start3A_77 = arith.constant 0 : i32
    %dma_start3A_78 = tpu.memref_slice %arg7[%dma_start3A_77] : memref<64xf32, #tpu.memory_space<vmem>> -> memref<32xf32, #tpu.memory_space<vmem>>
    %dma_start3A_79 = tpu.memref_slice %arg2[%add3A_76] : memref<1048576xf32, #tpu.memory_space<hbm>> -> memref<32xf32, #tpu.memory_space<hbm>>
    %dma_start3A_80 = arith.constant 0 : i32
    %dma_start3A_81 = tpu.memref_slice %arg7[%dma_start3A_80] : memref<64xf32, #tpu.memory_space<vmem>> -> memref<32xf32, #tpu.memory_space<vmem>>
    %dma_start3A_82 = tpu.memref_slice %arg2[%add3A_76] : memref<1048576xf32, #tpu.memory_space<hbm>> -> memref<32xf32, #tpu.memory_space<hbm>>
    tpu.enqueue_dma source(%dma_start3A_82 : memref<32xf32, #tpu.memory_space<hbm>>) target(%dma_start3A_81 : memref<32xf32, #tpu.memory_space<vmem>>) target_semaphore(%arg17 : memref<!tpu.dma_semaphore, #tpu.memory_space<semaphore_mem>>)
    %dma_start3A_83 = arith.constant 0 : i32
    %dma_start3A_84 = tpu.memref_slice %arg8[%dma_start3A_83] : memref<64xf32, #tpu.memory_space<vmem>> -> memref<32xf32, #tpu.memory_space<vmem>>
    %dma_start3A_85 = tpu.memref_slice %arg3[%add3A_76] : memref<1048576xf32, #tpu.memory_space<hbm>> -> memref<32xf32, #tpu.memory_space<hbm>>
    %dma_start3A_86 = arith.constant 0 : i32
    %dma_start3A_87 = tpu.memref_slice %arg8[%dma_start3A_86] : memref<64xf32, #tpu.memory_space<vmem>> -> memref<32xf32, #tpu.memory_space<vmem>>
    %dma_start3A_88 = tpu.memref_slice %arg3[%add3A_76] : memref<1048576xf32, #tpu.memory_space<hbm>> -> memref<32xf32, #tpu.memory_space<hbm>>
    tpu.enqueue_dma source(%dma_start3A_88 : memref<32xf32, #tpu.memory_space<hbm>>) target(%dma_start3A_87 : memref<32xf32, #tpu.memory_space<vmem>>) target_semaphore(%arg17 : memref<!tpu.dma_semaphore, #tpu.memory_space<semaphore_mem>>)
    %dma_start3A_89 = arith.constant 0 : i32
    %dma_start3A_90 = tpu.memref_slice %arg9[%dma_start3A_89] : memref<64xf32, #tpu.memory_space<vmem>> -> memref<32xf32, #tpu.memory_space<vmem>>
    %dma_start3A_91 = tpu.memref_slice %arg4[%add3A_76] : memref<1048576xf32, #tpu.memory_space<hbm>> -> memref<32xf32, #tpu.memory_space<hbm>>
    %dma_start3A_92 = arith.constant 0 : i32
    %dma_start3A_93 = tpu.memref_slice %arg9[%dma_start3A_92] : memref<64xf32, #tpu.memory_space<vmem>> -> memref<32xf32, #tpu.memory_space<vmem>>
    %dma_start3A_94 = tpu.memref_slice %arg4[%add3A_76] : memref<1048576xf32, #tpu.memory_space<hbm>> -> memref<32xf32, #tpu.memory_space<hbm>>
    tpu.enqueue_dma source(%dma_start3A_94 : memref<32xf32, #tpu.memory_space<hbm>>) target(%dma_start3A_93 : memref<32xf32, #tpu.memory_space<vmem>>) target_semaphore(%arg17 : memref<!tpu.dma_semaphore, #tpu.memory_space<semaphore_mem>>)
    %scan3A_95 = arith.constant 5.000000e-01 : f32
    %scan3A_96 = arith.constant 1.590000e+02 : f32
    %scan3A_97 = arith.constant 0 : i32
    %scan3A_98 = arith.constant 512 : i32
    %scan3A_99 = arith.addi %scan3A_97, %scan3A_98 : i32
    %scan3A_100 = arith.constant 1 : i32
    scf.for %scan3A_126 = %scan3A_97 to %scan3A_99 step %scan3A_100  : i32 {
      %mul3A_127 = arith.constant 2 : i32
      %mul3A_128 = arith.muli %scan3A_126, %mul3A_127 : i32
      %add3A_129 = arith.constant 1 : i32
      %add3A_130 = arith.addi %mul3A_128, %add3A_129 : i32
      %lt3A = arith.constant 1024 : i32
      %lt3A_131 = arith.cmpi slt, %add3A_130, %lt3A : i32
      %convert_element_type3A = arith.extui %lt3A_131 : i1 to i32
      %cond3A = arith.constant 0 : i32
      %cond3A_132 = arith.cmpi ne, %convert_element_type3A, %cond3A : i32
      scf.if %cond3A_132 {
        %mul3A_217 = arith.constant 32 : i32
        %mul3A_218 = arith.muli %add3A_130, %mul3A_217 : i32
        %add3A_219 = arith.addi %mul3A_2, %mul3A_218 : i32
        %dma_wait3A_220 = arith.constant 32 : i32
        %dma_wait3A_221 = tpu.memref_slice %arg7[%dma_wait3A_220] : memref<64xf32, #tpu.memory_space<vmem>> -> memref<32xf32, #tpu.memory_space<vmem>>
        %dma_wait3A_222 = tpu.memref_slice %arg2[%add3A_219] : memref<1048576xf32, #tpu.memory_space<hbm>> -> memref<32xf32, #tpu.memory_space<hbm>>
        %dma_wait3A_223 = arith.constant 32 : i32
        %dma_wait3A_224 = tpu.memref_slice %arg7[%dma_wait3A_223] : memref<64xf32, #tpu.memory_space<vmem>> -> memref<32xf32, #tpu.memory_space<vmem>>
        %dma_wait3A_225 = tpu.memref_slice %arg2[%add3A_219] : memref<1048576xf32, #tpu.memory_space<hbm>> -> memref<32xf32, #tpu.memory_space<hbm>>
        tpu.wait_dma2 semaphore(%arg18 : memref<!tpu.dma_semaphore, #tpu.memory_space<semaphore_mem>>) src(%dma_wait3A_225 : memref<32xf32, #tpu.memory_space<hbm>>) dst(%dma_wait3A_224 : memref<32xf32, #tpu.memory_space<vmem>>)
        %dma_wait3A_226 = arith.constant 32 : i32
        %dma_wait3A_227 = tpu.memref_slice %arg8[%dma_wait3A_226] : memref<64xf32, #tpu.memory_space<vmem>> -> memref<32xf32, #tpu.memory_space<vmem>>
        %dma_wait3A_228 = tpu.memref_slice %arg3[%add3A_219] : memref<1048576xf32, #tpu.memory_space<hbm>> -> memref<32xf32, #tpu.memory_space<hbm>>
        %dma_wait3A_229 = arith.constant 32 : i32
        %dma_wait3A_230 = tpu.memref_slice %arg8[%dma_wait3A_229] : memref<64xf32, #tpu.memory_space<vmem>> -> memref<32xf32, #tpu.memory_space<vmem>>
        %dma_wait3A_231 = tpu.memref_slice %arg3[%add3A_219] : memref<1048576xf32, #tpu.memory_space<hbm>> -> memref<32xf32, #tpu.memory_space<hbm>>
        tpu.wait_dma2 semaphore(%arg18 : memref<!tpu.dma_semaphore, #tpu.memory_space<semaphore_mem>>) src(%dma_wait3A_231 : memref<32xf32, #tpu.memory_space<hbm>>) dst(%dma_wait3A_230 : memref<32xf32, #tpu.memory_space<vmem>>)
        %dma_wait3A_232 = arith.constant 32 : i32
        %dma_wait3A_233 = tpu.memref_slice %arg9[%dma_wait3A_232] : memref<64xf32, #tpu.memory_space<vmem>> -> memref<32xf32, #tpu.memory_space<vmem>>
        %dma_wait3A_234 = tpu.memref_slice %arg4[%add3A_219] : memref<1048576xf32, #tpu.memory_space<hbm>> -> memref<32xf32, #tpu.memory_space<hbm>>
        %dma_wait3A_235 = arith.constant 32 : i32
        %dma_wait3A_236 = tpu.memref_slice %arg9[%dma_wait3A_235] : memref<64xf32, #tpu.memory_space<vmem>> -> memref<32xf32, #tpu.memory_space<vmem>>
        %dma_wait3A_237 = tpu.memref_slice %arg4[%add3A_219] : memref<1048576xf32, #tpu.memory_space<hbm>> -> memref<32xf32, #tpu.memory_space<hbm>>
        tpu.wait_dma2 semaphore(%arg18 : memref<!tpu.dma_semaphore, #tpu.memory_space<semaphore_mem>>) src(%dma_wait3A_237 : memref<32xf32, #tpu.memory_space<hbm>>) dst(%dma_wait3A_236 : memref<32xf32, #tpu.memory_space<vmem>>)
        %scan3A_238 = arith.constant 0 : i32
        %scan3A_239 = arith.constant 2 : i32
        %scan3A_240 = arith.addi %scan3A_238, %scan3A_239 : i32
        %scan3A_241 = arith.constant 1 : i32
        scf.for %scan3A_251 = %scan3A_238 to %scan3A_240 step %scan3A_241  : i32 {
          %mul3A_252 = arith.constant 16 : i32
          %mul3A_253 = arith.muli %scan3A_251, %mul3A_252 : i32
          %add3A_254 = arith.constant 32 : i32
          %add3A_255 = arith.addi %add3A_254, %mul3A_253 : i32
          %get3A = arith.index_cast %add3A_255 : i32 to index
          %get3A_256 = tpu.vector_load %arg7[%get3A] {strides = array<i32>} : memref<64xf32, #tpu.memory_space<vmem>>, vector<16xf32>,
          %get3A_257 = arith.index_cast %add3A_255 : i32 to index
          %get3A_258 = tpu.vector_load %arg8[%get3A_257] {strides = array<i32>} : memref<64xf32, #tpu.memory_space<vmem>>, vector<16xf32>,
          %get3A_259 = arith.index_cast %add3A_255 : i32 to index
          %get3A_260 = tpu.vector_load %arg9[%get3A_259] {strides = array<i32>} : memref<64xf32, #tpu.memory_space<vmem>>, vector<16xf32>,
          %sub3A = arith.constant -1.000000e+00 : f32
          %sub3A_261 = vector.broadcast %sub3A : f32 to vector<16xf32>
          %sub3A_262 = arith.subf %get3A_256, %sub3A_261 : vector<16xf32>
          %mul3A_263 = vector.broadcast %scan3A_95 : f32 to vector<16xf32>
          %mul3A_264 = arith.mulf %sub3A_262, %mul3A_263 : vector<16xf32>
          %mul3A_265 = vector.broadcast %scan3A_96 : f32 to vector<16xf32>
          %mul3A_266 = arith.mulf %mul3A_264, %mul3A_265 : vector<16xf32>
          %sub3A_267 = arith.constant -1.000000e+00 : f32
          %sub3A_268 = vector.broadcast %sub3A_267 : f32 to vector<16xf32>
          %sub3A_269 = arith.subf %get3A_258, %sub3A_268 : vector<16xf32>
          %mul3A_270 = vector.broadcast %scan3A_95 : f32 to vector<16xf32>
          %mul3A_271 = arith.mulf %sub3A_269, %mul3A_270 : vector<16xf32>
          %mul3A_272 = vector.broadcast %scan3A_96 : f32 to vector<16xf32>
          %mul3A_273 = arith.mulf %mul3A_271, %mul3A_272 : vector<16xf32>
          %sub3A_274 = arith.constant -1.000000e+00 : f32
          %sub3A_275 = vector.broadcast %sub3A_274 : f32 to vector<16xf32>
          %sub3A_276 = arith.subf %get3A_260, %sub3A_275 : vector<16xf32>
          %mul3A_277 = vector.broadcast %scan3A_95 : f32 to vector<16xf32>
          %mul3A_278 = arith.mulf %sub3A_276, %mul3A_277 : vector<16xf32>
          %mul3A_279 = vector.broadcast %scan3A_96 : f32 to vector<16xf32>
          %mul3A_280 = arith.mulf %mul3A_278, %mul3A_279 : vector<16xf32>
          %convert_element_type3A_281 = arith.fptosi %mul3A_266 : vector<16xf32> to vector<16xi32>
          %jit3A = arith.constant 0 : i32
          %jit3A_282 = arith.constant 158 : i32
          %max3A = vector.broadcast %jit3A : i32 to vector<16xi32>
          %max3A_283 = arith.maxsi %max3A, %convert_element_type3A_281 : vector<16xi32>
          %min3A = vector.broadcast %jit3A_282 : i32 to vector<16xi32>
          %min3A_284 = arith.minsi %min3A, %max3A_283 : vector<16xi32>
          %convert_element_type3A_285 = arith.fptosi %mul3A_273 : vector<16xf32> to vector<16xi32>
          %jit3A_286 = arith.constant 0 : i32
          %jit3A_287 = arith.constant 158 : i32
          %max3A_288 = vector.broadcast %jit3A_286 : i32 to vector<16xi32>
          %max3A_289 = arith.maxsi %max3A_288, %convert_element_type3A_285 : vector<16xi32>
          %min3A_290 = vector.broadcast %jit3A_287 : i32 to vector<16xi32>
          %min3A_291 = arith.minsi %min3A_290, %max3A_289 : vector<16xi32>
          %convert_element_type3A_292 = arith.fptosi %mul3A_280 : vector<16xf32> to vector<16xi32>
          %jit3A_293 = arith.constant 0 : i32
          %jit3A_294 = arith.constant 158 : i32
          %max3A_295 = vector.broadcast %jit3A_293 : i32 to vector<16xi32>
          %max3A_296 = arith.maxsi %max3A_295, %convert_element_type3A_292 : vector<16xi32>
          %min3A_297 = vector.broadcast %jit3A_294 : i32 to vector<16xi32>
          %min3A_298 = arith.minsi %min3A_297, %max3A_296 : vector<16xi32>
          %convert_element_type3A_299 = arith.sitofp %min3A_284 : vector<16xi32> to vector<16xf32>
          %sub3A_300 = arith.subf %mul3A_266, %convert_element_type3A_299 : vector<16xf32>
          %swap3A = arith.index_cast %add3A_255 : i32 to index
          %swap3A_301 = tpu.vector_load %arg10[%swap3A] {strides = array<i32>} : memref<64xf32, #tpu.memory_space<vmem>>, vector<16xf32>,
          tpu.vector_store %arg10[%swap3A], %sub3A_300 {strides = array<i32>} : memref<64xf32, #tpu.memory_space<vmem>>, vector<16xf32>,
          %convert_element_type3A_302 = arith.sitofp %min3A_291 : vector<16xi32> to vector<16xf32>
          %sub3A_303 = arith.subf %mul3A_273, %convert_element_type3A_302 : vector<16xf32>
          %swap3A_304 = arith.index_cast %add3A_255 : i32 to index
          %swap3A_305 = tpu.vector_load %arg11[%swap3A_304] {strides = array<i32>} : memref<64xf32, #tpu.memory_space<vmem>>, vector<16xf32>,
          tpu.vector_store %arg11[%swap3A_304], %sub3A_303 {strides = array<i32>} : memref<64xf32, #tpu.memory_space<vmem>>, vector<16xf32>,
          %convert_element_type3A_306 = arith.sitofp %min3A_298 : vector<16xi32> to vector<16xf32>
          %sub3A_307 = arith.subf %mul3A_280, %convert_element_type3A_306 : vector<16xf32>
          %swap3A_308 = arith.index_cast %add3A_255 : i32 to index
          %swap3A_309 = tpu.vector_load %arg12[%swap3A_308] {strides = array<i32>} : memref<64xf32, #tpu.memory_space<vmem>>, vector<16xf32>,
          tpu.vector_store %arg12[%swap3A_308], %sub3A_307 {strides = array<i32>} : memref<64xf32, #tpu.memory_space<vmem>>, vector<16xf32>,
          %mul3A_310 = arith.constant 25600 : i32
          %mul3A_311 = vector.broadcast %mul3A_310 : i32 to vector<16xi32>
          %mul3A_312 = arith.muli %min3A_284, %mul3A_311 : vector<16xi32>
          %mul3A_313 = arith.constant 160 : i32
          %mul3A_314 = vector.broadcast %mul3A_313 : i32 to vector<16xi32>
          %mul3A_315 = arith.muli %min3A_291, %mul3A_314 : vector<16xi32>
          %add3A_316 = arith.addi %mul3A_312, %mul3A_315 : vector<16xi32>
          %add3A_317 = arith.addi %add3A_316, %min3A_298 : vector<16xi32>
          %add3A_318 = arith.constant 0 : i32
          %add3A_319 = vector.broadcast %add3A_318 : i32 to vector<16xi32>
          %add3A_320 = arith.addi %add3A_317, %add3A_319 : vector<16xi32>
          %shift_right_logical3A = arith.constant 1 : i32
          %shift_right_logical3A_321 = vector.broadcast %shift_right_logical3A : i32 to vector<16xi32>
          %shift_right_logical3A_322 = arith.shrui %add3A_320, %shift_right_logical3A_321 : vector<16xi32>
          %add3A_323 = arith.constant 256 : i32
          %add3A_324 = arith.addi %add3A_323, %mul3A_253 : i32
          %swap3A_325 = arith.index_cast %add3A_324 : i32 to index
          %swap3A_326 = tpu.vector_load %arg14[%swap3A_325] {strides = array<i32>} : memref<512xi32, #tpu.memory_space<vmem>>, vector<16xi32>,
          tpu.vector_store %arg14[%swap3A_325], %shift_right_logical3A_322 {strides = array<i32>} : memref<512xi32, #tpu.memory_space<vmem>>, vector<16xi32>,
          %add3A_327 = arith.constant 1 : i32
          %add3A_328 = vector.broadcast %add3A_327 : i32 to vector<16xi32>
          %add3A_329 = arith.addi %shift_right_logical3A_322, %add3A_328 : vector<16xi32>
          %add3A_330 = arith.constant 32 : i32
          %add3A_331 = arith.addi %add3A_324, %add3A_330 : i32
          %swap3A_332 = arith.index_cast %add3A_331 : i32 to index
          %swap3A_333 = tpu.vector_load %arg14[%swap3A_332] {strides = array<i32>} : memref<512xi32, #tpu.memory_space<vmem>>, vector<16xi32>,
          tpu.vector_store %arg14[%swap3A_332], %add3A_329 {strides = array<i32>} : memref<512xi32, #tpu.memory_space<vmem>>, vector<16xi32>,
          %and3A = arith.constant 1 : i32
          %and3A_334 = vector.broadcast %and3A : i32 to vector<16xi32>
          %and3A_335 = arith.andi %add3A_320, %and3A_334 : vector<16xi32>
          %add3A_336 = arith.constant 128 : i32
          %add3A_337 = arith.addi %add3A_336, %mul3A_253 : i32
          %swap3A_338 = arith.index_cast %add3A_337 : i32 to index
          %swap3A_339 = tpu.vector_load %arg13[%swap3A_338] {strides = array<i32>} : memref<256xi32, #tpu.memory_space<vmem>>, vector<16xi32>,
          tpu.vector_store %arg13[%swap3A_338], %and3A_335 {strides = array<i32>} : memref<256xi32, #tpu.memory_space<vmem>>, vector<16xi32>,
          %add3A_340 = arith.constant 160 : i32
          %add3A_341 = vector.broadcast %add3A_340 : i32 to vector<16xi32>
          %add3A_342 = arith.addi %add3A_317, %add3A_341 : vector<16xi32>
          %shift_right_logical3A_343 = arith.constant 1 : i32
          %shift_right_logical3A_344 = vector.broadcast %shift_right_logical3A_343 : i32 to vector<16xi32>
          %shift_right_logical3A_345 = arith.shrui %add3A_342, %shift_right_logical3A_344 : vector<16xi32>
          %add3A_346 = arith.constant 320 : i32
          %add3A_347 = arith.addi %add3A_346, %mul3A_253 : i32
          %swap3A_348 = arith.index_cast %add3A_347 : i32 to index
          %swap3A_349 = tpu.vector_load %arg14[%swap3A_348] {strides = array<i32>} : memref<512xi32, #tpu.memory_space<vmem>>, vector<16xi32>,
          tpu.vector_store %arg14[%swap3A_348], %shift_right_logical3A_345 {strides = array<i32>} : memref<512xi32, #tpu.memory_space<vmem>>, vector<16xi32>,
          %add3A_350 = arith.constant 1 : i32
          %add3A_351 = vector.broadcast %add3A_350 : i32 to vector<16xi32>
          %add3A_352 = arith.addi %shift_right_logical3A_345, %add3A_351 : vector<16xi32>
          %add3A_353 = arith.constant 32 : i32
          %add3A_354 = arith.addi %add3A_347, %add3A_353 : i32
          %swap3A_355 = arith.index_cast %add3A_354 : i32 to index
          %swap3A_356 = tpu.vector_load %arg14[%swap3A_355] {strides = array<i32>} : memref<512xi32, #tpu.memory_space<vmem>>, vector<16xi32>,
          tpu.vector_store %arg14[%swap3A_355], %add3A_352 {strides = array<i32>} : memref<512xi32, #tpu.memory_space<vmem>>, vector<16xi32>,
          %and3A_357 = arith.constant 1 : i32
          %and3A_358 = vector.broadcast %and3A_357 : i32 to vector<16xi32>
          %and3A_359 = arith.andi %add3A_342, %and3A_358 : vector<16xi32>
          %add3A_360 = arith.constant 160 : i32
          %add3A_361 = arith.addi %add3A_360, %mul3A_253 : i32
          %swap3A_362 = arith.index_cast %add3A_361 : i32 to index
          %swap3A_363 = tpu.vector_load %arg13[%swap3A_362] {strides = array<i32>} : memref<256xi32, #tpu.memory_space<vmem>>, vector<16xi32>,
          tpu.vector_store %arg13[%swap3A_362], %and3A_359 {strides = array<i32>} : memref<256xi32, #tpu.memory_space<vmem>>, vector<16xi32>,
          %add3A_364 = arith.constant 25600 : i32
          %add3A_365 = vector.broadcast %add3A_364 : i32 to vector<16xi32>
          %add3A_366 = arith.addi %add3A_317, %add3A_365 : vector<16xi32>
          %shift_right_logical3A_367 = arith.constant 1 : i32
          %shift_right_logical3A_368 = vector.broadcast %shift_right_logical3A_367 : i32 to vector<16xi32>
          %shift_right_logical3A_369 = arith.shrui %add3A_366, %shift_right_logical3A_368 : vector<16xi32>
          %add3A_370 = arith.constant 384 : i32
          %add3A_371 = arith.addi %add3A_370, %mul3A_253 : i32
          %swap3A_372 = arith.index_cast %add3A_371 : i32 to index
          %swap3A_373 = tpu.vector_load %arg14[%swap3A_372] {strides = array<i32>} : memref<512xi32, #tpu.memory_space<vmem>>, vector<16xi32>,
          tpu.vector_store %arg14[%swap3A_372], %shift_right_logical3A_369 {strides = array<i32>} : memref<512xi32, #tpu.memory_space<vmem>>, vector<16xi32>,
          %add3A_374 = arith.constant 1 : i32
          %add3A_375 = vector.broadcast %add3A_374 : i32 to vector<16xi32>
          %add3A_376 = arith.addi %shift_right_logical3A_369, %add3A_375 : vector<16xi32>
          %add3A_377 = arith.constant 32 : i32
          %add3A_378 = arith.addi %add3A_371, %add3A_377 : i32
          %swap3A_379 = arith.index_cast %add3A_378 : i32 to index
          %swap3A_380 = tpu.vector_load %arg14[%swap3A_379] {strides = array<i32>} : memref<512xi32, #tpu.memory_space<vmem>>, vector<16xi32>,
          tpu.vector_store %arg14[%swap3A_379], %add3A_376 {strides = array<i32>} : memref<512xi32, #tpu.memory_space<vmem>>, vector<16xi32>,
          %and3A_381 = arith.constant 1 : i32
          %and3A_382 = vector.broadcast %and3A_381 : i32 to vector<16xi32>
          %and3A_383 = arith.andi %add3A_366, %and3A_382 : vector<16xi32>
          %add3A_384 = arith.constant 192 : i32
          %add3A_385 = arith.addi %add3A_384, %mul3A_253 : i32
          %swap3A_386 = arith.index_cast %add3A_385 : i32 to index
          %swap3A_387 = tpu.vector_load %arg13[%swap3A_386] {strides = array<i32>} : memref<256xi32, #tpu.memory_space<vmem>>, vector<16xi32>,
          tpu.vector_store %arg13[%swap3A_386], %and3A_383 {strides = array<i32>} : memref<256xi32, #tpu.memory_space<vmem>>, vector<16xi32>,
          %add3A_388 = arith.constant 25760 : i32
          %add3A_389 = vector.broadcast %add3A_388 : i32 to vector<16xi32>
          %add3A_390 = arith.addi %add3A_317, %add3A_389 : vector<16xi32>
          %shift_right_logical3A_391 = arith.constant 1 : i32
          %shift_right_logical3A_392 = vector.broadcast %shift_right_logical3A_391 : i32 to vector<16xi32>
          %shift_right_logical3A_393 = arith.shrui %add3A_390, %shift_right_logical3A_392 : vector<16xi32>
          %add3A_394 = arith.constant 448 : i32
          %add3A_395 = arith.addi %add3A_394, %mul3A_253 : i32
          %swap3A_396 = arith.index_cast %add3A_395 : i32 to index
          %swap3A_397 = tpu.vector_load %arg14[%swap3A_396] {strides = array<i32>} : memref<512xi32, #tpu.memory_space<vmem>>, vector<16xi32>,
          tpu.vector_store %arg14[%swap3A_396], %shift_right_logical3A_393 {strides = array<i32>} : memref<512xi32, #tpu.memory_space<vmem>>, vector<16xi32>,
          %add3A_398 = arith.constant 1 : i32
          %add3A_399 = vector.broadcast %add3A_398 : i32 to vector<16xi32>
          %add3A_400 = arith.addi %shift_right_logical3A_393, %add3A_399 : vector<16xi32>
          %add3A_401 = arith.constant 32 : i32
          %add3A_402 = arith.addi %add3A_395, %add3A_401 : i32
          %swap3A_403 = arith.index_cast %add3A_402 : i32 to index
          %swap3A_404 = tpu.vector_load %arg14[%swap3A_403] {strides = array<i32>} : memref<512xi32, #tpu.memory_space<vmem>>, vector<16xi32>,
          tpu.vector_store %arg14[%swap3A_403], %add3A_400 {strides = array<i32>} : memref<512xi32, #tpu.memory_space<vmem>>, vector<16xi32>,
          %and3A_405 = arith.constant 1 : i32
          %and3A_406 = vector.broadcast %and3A_405 : i32 to vector<16xi32>
          %and3A_407 = arith.andi %add3A_390, %and3A_406 : vector<16xi32>
          %add3A_408 = arith.constant 224 : i32
          %add3A_409 = arith.addi %add3A_408, %mul3A_253 : i32
          %swap3A_410 = arith.index_cast %add3A_409 : i32 to index
          %swap3A_411 = tpu.vector_load %arg13[%swap3A_410] {strides = array<i32>} : memref<256xi32, #tpu.memory_space<vmem>>, vector<16xi32>,
          tpu.vector_store %arg13[%swap3A_410], %and3A_407 {strides = array<i32>} : memref<256xi32, #tpu.memory_space<vmem>>, vector<16xi32>,
        }
        %scan3A_242 = arith.constant 2 : i32
        %dma_start3A_243 = arith.constant 256 : i32
        %dma_start3A_244 = arith.constant 0 : i32
        %dma_start3A_245 = tpu.memref_slice %arg15[%dma_start3A_243, %dma_start3A_244] : memref<512x128xf32, #tpu.memory_space<vmem>> -> memref<256x128xf32, #tpu.memory_space<vmem>>
        %dma_start3A_246 = arith.constant 256 : i32
        %dma_start3A_247 = tpu.memref_slice %arg14[%dma_start3A_246] : memref<512xi32, #tpu.memory_space<vmem>> -> memref<256xi32, #tpu.memory_space<vmem>>
        %dma_start3A_248 = arith.constant 0 : i32
        %dma_start3A_249 = arith.constant 0 : i32
        %dma_start3A_250 = tpu.memref_slice %arg5[%dma_start3A_248, %dma_start3A_249] : memref<2048000x128xf32, #tpu.memory_space<hbm>> -> memref<2048000x128xf32, #tpu.memory_space<hbm>>
        tpu.enqueue_indirect_dma source(%dma_start3A_250 : memref<2048000x128xf32, #tpu.memory_space<hbm>>) target(%dma_start3A_245 : memref<256x128xf32, #tpu.memory_space<vmem>>) offsets(%dma_start3A_247 : memref<256xi32, #tpu.memory_space<vmem>>) semaphore(%arg20 : memref<!tpu.dma_semaphore, #tpu.memory_space<semaphore_mem>>)
      } else {
      }
      %add3A_133 = arith.constant 3 : i32
      %add3A_134 = arith.addi %mul3A_128, %add3A_133 : i32
      %lt3A_135 = arith.constant 1024 : i32
      %lt3A_136 = arith.cmpi slt, %add3A_134, %lt3A_135 : i32
      %convert_element_type3A_137 = arith.extui %lt3A_136 : i1 to i32
      %cond3A_138 = arith.constant 0 : i32
      %cond3A_139 = arith.cmpi ne, %convert_element_type3A_137, %cond3A_138 : i32
      scf.if %cond3A_139 {
        %mul3A_217 = arith.constant 32 : i32
        %mul3A_218 = arith.muli %add3A_134, %mul3A_217 : i32
        %add3A_219 = arith.addi %mul3A_2, %mul3A_218 : i32
        %dma_start3A_220 = arith.constant 32 : i32
        %dma_start3A_221 = tpu.memref_slice %arg7[%dma_start3A_220] : memref<64xf32, #tpu.memory_space<vmem>> -> memref<32xf32, #tpu.memory_space<vmem>>
        %dma_start3A_222 = tpu.memref_slice %arg2[%add3A_219] : memref<1048576xf32, #tpu.memory_space<hbm>> -> memref<32xf32, #tpu.memory_space<hbm>>
        %dma_start3A_223 = arith.constant 32 : i32
        %dma_start3A_224 = tpu.memref_slice %arg7[%dma_start3A_223] : memref<64xf32, #tpu.memory_space<vmem>> -> memref<32xf32, #tpu.memory_space<vmem>>
        %dma_start3A_225 = tpu.memref_slice %arg2[%add3A_219] : memref<1048576xf32, #tpu.memory_space<hbm>> -> memref<32xf32, #tpu.memory_space<hbm>>
        tpu.enqueue_dma source(%dma_start3A_225 : memref<32xf32, #tpu.memory_space<hbm>>) target(%dma_start3A_224 : memref<32xf32, #tpu.memory_space<vmem>>) target_semaphore(%arg18 : memref<!tpu.dma_semaphore, #tpu.memory_space<semaphore_mem>>)
        %dma_start3A_226 = arith.constant 32 : i32
        %dma_start3A_227 = tpu.memref_slice %arg8[%dma_start3A_226] : memref<64xf32, #tpu.memory_space<vmem>> -> memref<32xf32, #tpu.memory_space<vmem>>
        %dma_start3A_228 = tpu.memref_slice %arg3[%add3A_219] : memref<1048576xf32, #tpu.memory_space<hbm>> -> memref<32xf32, #tpu.memory_space<hbm>>
        %dma_start3A_229 = arith.constant 32 : i32
        %dma_start3A_230 = tpu.memref_slice %arg8[%dma_start3A_229] : memref<64xf32, #tpu.memory_space<vmem>> -> memref<32xf32, #tpu.memory_space<vmem>>
        %dma_start3A_231 = tpu.memref_slice %arg3[%add3A_219] : memref<1048576xf32, #tpu.memory_space<hbm>> -> memref<32xf32, #tpu.memory_space<hbm>>
        tpu.enqueue_dma source(%dma_start3A_231 : memref<32xf32, #tpu.memory_space<hbm>>) target(%dma_start3A_230 : memref<32xf32, #tpu.memory_space<vmem>>) target_semaphore(%arg18 : memref<!tpu.dma_semaphore, #tpu.memory_space<semaphore_mem>>)
        %dma_start3A_232 = arith.constant 32 : i32
        %dma_start3A_233 = tpu.memref_slice %arg9[%dma_start3A_232] : memref<64xf32, #tpu.memory_space<vmem>> -> memref<32xf32, #tpu.memory_space<vmem>>
        %dma_start3A_234 = tpu.memref_slice %arg4[%add3A_219] : memref<1048576xf32, #tpu.memory_space<hbm>> -> memref<32xf32, #tpu.memory_space<hbm>>
        %dma_start3A_235 = arith.constant 32 : i32
        %dma_start3A_236 = tpu.memref_slice %arg9[%dma_start3A_235] : memref<64xf32, #tpu.memory_space<vmem>> -> memref<32xf32, #tpu.memory_space<vmem>>
        %dma_start3A_237 = tpu.memref_slice %arg4[%add3A_219] : memref<1048576xf32, #tpu.memory_space<hbm>> -> memref<32xf32, #tpu.memory_space<hbm>>
        tpu.enqueue_dma source(%dma_start3A_237 : memref<32xf32, #tpu.memory_space<hbm>>) target(%dma_start3A_236 : memref<32xf32, #tpu.memory_space<vmem>>) target_semaphore(%arg18 : memref<!tpu.dma_semaphore, #tpu.memory_space<semaphore_mem>>)
      } else {
      }
      %mul3A_140 = arith.constant 32 : i32
      %mul3A_141 = arith.muli %mul3A_128, %mul3A_140 : i32
      %add3A_142 = arith.addi %mul3A_2, %mul3A_141 : i32
      %dma_wait3A_143 = arith.constant 0 : i32
      %dma_wait3A_144 = arith.constant 0 : i32
      %dma_wait3A_145 = tpu.memref_slice %arg15[%dma_wait3A_143, %dma_wait3A_144] : memref<512x128xf32, #tpu.memory_space<vmem>> -> memref<256x128xf32, #tpu.memory_space<vmem>>
      %dma_wait3A_146 = arith.constant 0 : i32
      %dma_wait3A_147 = tpu.memref_slice %arg14[%dma_wait3A_146] : memref<512xi32, #tpu.memory_space<vmem>> -> memref<256xi32, #tpu.memory_space<vmem>>
      %dma_wait3A_148 = arith.constant 0 : i32
      %dma_wait3A_149 = arith.constant 0 : i32
      %dma_wait3A_150 = tpu.memref_slice %arg5[%dma_wait3A_148, %dma_wait3A_149] : memref<2048000x128xf32, #tpu.memory_space<hbm>> -> memref<2048000x128xf32, #tpu.memory_space<hbm>>
      tpu.wait_indirect_dma semaphore(%arg19 : memref<!tpu.dma_semaphore, #tpu.memory_space<semaphore_mem>>) src(%dma_wait3A_150 : memref<2048000x128xf32, #tpu.memory_space<hbm>>) dst(%dma_wait3A_145 : memref<256x128xf32, #tpu.memory_space<vmem>>)
      %ge3A = arith.constant 2 : i32
      %ge3A_151 = arith.cmpi sge, %mul3A_128, %ge3A : i32
      %convert_element_type3A_152 = arith.extui %ge3A_151 : i1 to i32
      %cond3A_153 = arith.constant 0 : i32
      %cond3A_154 = arith.cmpi ne, %convert_element_type3A_152, %cond3A_153 : i32
      scf.if %cond3A_154 {
        %dma_wait3A_217 = arith.constant 0 : i32
        %dma_wait3A_218 = arith.constant 0 : i32
        %dma_wait3A_219 = tpu.memref_slice %arg16[%dma_wait3A_217, %dma_wait3A_218] : memref<64x12xf32, #tpu.memory_space<vmem>> -> memref<32x12xf32, #tpu.memory_space<vmem>>
        %dma_wait3A_220 = arith.constant 0 : i32
        %dma_wait3A_221 = arith.constant 0 : i32
        %dma_wait3A_222 = tpu.memref_slice %arg6[%dma_wait3A_220, %dma_wait3A_221] : memref<1048576x12xf32, #tpu.memory_space<hbm>> -> memref<32x12xf32, #tpu.memory_space<hbm>>
        %dma_wait3A_223 = arith.constant 0 : i32
        %dma_wait3A_224 = arith.constant 0 : i32
        %dma_wait3A_225 = tpu.memref_slice %arg6[%dma_wait3A_223, %dma_wait3A_224] : memref<1048576x12xf32, #tpu.memory_space<hbm>> -> memref<32x12xf32, #tpu.memory_space<hbm>>
        %dma_wait3A_226 = arith.constant 0 : i32
        %dma_wait3A_227 = arith.constant 0 : i32
        %dma_wait3A_228 = tpu.memref_slice %arg16[%dma_wait3A_226, %dma_wait3A_227] : memref<64x12xf32, #tpu.memory_space<vmem>> -> memref<32x12xf32, #tpu.memory_space<vmem>>
        tpu.wait_dma2 semaphore(%arg21 : memref<!tpu.dma_semaphore, #tpu.memory_space<semaphore_mem>>) src(%dma_wait3A_228 : memref<32x12xf32, #tpu.memory_space<vmem>>) dst(%dma_wait3A_225 : memref<32x12xf32, #tpu.memory_space<hbm>>)
      } else {
      }
      %scan3A_155 = arith.constant 0 : i32
      %scan3A_156 = arith.constant 2 : i32
      %scan3A_157 = arith.addi %scan3A_155, %scan3A_156 : i32
      %scan3A_158 = arith.constant 1 : i32
      scf.for %scan3A_217 = %scan3A_155 to %scan3A_157 step %scan3A_158  : i32 {
        %mul3A_218 = arith.constant 16 : i32
        %mul3A_219 = arith.muli %scan3A_217, %mul3A_218 : i32
        %add3A_220 = arith.constant 0 : i32
        %add3A_221 = arith.addi %add3A_220, %mul3A_219 : i32
        %get3A = arith.index_cast %add3A_221 : i32 to index
        %get3A_222 = tpu.vector_load %arg10[%get3A] {strides = array<i32>} : memref<64xf32, #tpu.memory_space<vmem>>, vector<16xf32>,
        %get3A_223 = arith.index_cast %add3A_221 : i32 to index
        %get3A_224 = tpu.vector_load %arg11[%get3A_223] {strides = array<i32>} : memref<64xf32, #tpu.memory_space<vmem>>, vector<16xf32>,
        %get3A_225 = arith.index_cast %add3A_221 : i32 to index
        %get3A_226 = tpu.vector_load %arg12[%get3A_225] {strides = array<i32>} : memref<64xf32, #tpu.memory_space<vmem>>, vector<16xf32>,
        %sub3A = arith.constant 1.000000e+00 : f32
        %sub3A_227 = vector.broadcast %sub3A : f32 to vector<16xf32>
        %sub3A_228 = arith.subf %sub3A_227, %get3A_222 : vector<16xf32>
        %sub3A_229 = arith.constant 1.000000e+00 : f32
        %sub3A_230 = vector.broadcast %sub3A_229 : f32 to vector<16xf32>
        %sub3A_231 = arith.subf %sub3A_230, %get3A_224 : vector<16xf32>
        %sub3A_232 = arith.constant 1.000000e+00 : f32
        %sub3A_233 = vector.broadcast %sub3A_232 : f32 to vector<16xf32>
        %sub3A_234 = arith.subf %sub3A_233, %get3A_226 : vector<16xf32>
        %mul3A_235 = arith.mulf %sub3A_228, %sub3A_231 : vector<16xf32>
        %mul3A_236 = arith.mulf %sub3A_228, %get3A_224 : vector<16xf32>
        %mul3A_237 = arith.mulf %get3A_222, %sub3A_231 : vector<16xf32>
        %mul3A_238 = arith.mulf %get3A_222, %get3A_224 : vector<16xf32>
        %mul3A_239 = arith.mulf %mul3A_235, %sub3A_234 : vector<16xf32>
        %mul3A_240 = arith.mulf %mul3A_235, %get3A_226 : vector<16xf32>
        %mul3A_241 = arith.mulf %mul3A_236, %sub3A_234 : vector<16xf32>
        %mul3A_242 = arith.mulf %mul3A_236, %get3A_226 : vector<16xf32>
        %mul3A_243 = arith.mulf %mul3A_237, %sub3A_234 : vector<16xf32>
        %mul3A_244 = arith.mulf %mul3A_237, %get3A_226 : vector<16xf32>
        %mul3A_245 = arith.mulf %mul3A_238, %sub3A_234 : vector<16xf32>
        %mul3A_246 = arith.mulf %mul3A_238, %get3A_226 : vector<16xf32>
        %add3A_247 = vector.broadcast %mul3A_219 : i32 to vector<16xi32>
        %add3A_248 = arith.addi %add3A_247, %iota3A : vector<16xi32>
        %add3A_249 = arith.constant 0 : i32
        %add3A_250 = arith.addi %add3A_249, %mul3A_219 : i32
        %get3A_251 = arith.index_cast %add3A_250 : i32 to index
        %get3A_252 = tpu.vector_load %arg13[%get3A_251] {strides = array<i32>} : memref<256xi32, #tpu.memory_space<vmem>>, vector<16xi32>,
        %mul3A_253 = arith.constant 12 : i32
        %mul3A_254 = vector.broadcast %mul3A_253 : i32 to vector<16xi32>
        %mul3A_255 = arith.muli %get3A_252, %mul3A_254 : vector<16xi32>
        %sub3A_256 = arith.constant 12 : i32
        %sub3A_257 = vector.broadcast %sub3A_256 : i32 to vector<16xi32>
        %sub3A_258 = arith.subi %sub3A_257, %mul3A_255 : vector<16xi32>
        %add3A_259 = arith.constant 0 : i32
        %add3A_260 = vector.broadcast %add3A_259 : i32 to vector<16xi32>
        %add3A_261 = arith.addi %add3A_260, %add3A_248 : vector<16xi32>
        %mul3A_262 = arith.constant 32 : i32
        %mul3A_263 = vector.broadcast %mul3A_262 : i32 to vector<16xi32>
        %mul3A_264 = arith.muli %get3A_252, %mul3A_263 : vector<16xi32>
        %add3A_265 = arith.addi %add3A_261, %mul3A_264 : vector<16xi32>
        %add3A_266 = arith.constant 0 : i32
        %add3A_267 = vector.broadcast %add3A_266 : i32 to vector<16xi32>
        %add3A_268 = arith.addi %mul3A_255, %add3A_267 : vector<16xi32>
        %gather3A = tpu.vector_load_idx %arg15[%add3A_261, %add3A_268] : memref<512x128xf32, #tpu.memory_space<vmem>>[vector<16xi32>, vector<16xi32>], vector<16xf32>,
        %mul3A_269 = arith.mulf %mul3A_239, %gather3A : vector<16xf32>
        %add3A_270 = arith.constant 1 : i32
        %add3A_271 = vector.broadcast %add3A_270 : i32 to vector<16xi32>
        %add3A_272 = arith.addi %mul3A_255, %add3A_271 : vector<16xi32>
        %gather3A_273 = tpu.vector_load_idx %arg15[%add3A_261, %add3A_272] : memref<512x128xf32, #tpu.memory_space<vmem>>[vector<16xi32>, vector<16xi32>], vector<16xf32>,
        %mul3A_274 = arith.mulf %mul3A_239, %gather3A_273 : vector<16xf32>
        %add3A_275 = arith.constant 2 : i32
        %add3A_276 = vector.broadcast %add3A_275 : i32 to vector<16xi32>
        %add3A_277 = arith.addi %mul3A_255, %add3A_276 : vector<16xi32>
        %gather3A_278 = tpu.vector_load_idx %arg15[%add3A_261, %add3A_277] : memref<512x128xf32, #tpu.memory_space<vmem>>[vector<16xi32>, vector<16xi32>], vector<16xf32>,
        %mul3A_279 = arith.mulf %mul3A_239, %gather3A_278 : vector<16xf32>
        %add3A_280 = arith.constant 3 : i32
        %add3A_281 = vector.broadcast %add3A_280 : i32 to vector<16xi32>
        %add3A_282 = arith.addi %mul3A_255, %add3A_281 : vector<16xi32>
        %gather3A_283 = tpu.vector_load_idx %arg15[%add3A_261, %add3A_282] : memref<512x128xf32, #tpu.memory_space<vmem>>[vector<16xi32>, vector<16xi32>], vector<16xf32>,
        %mul3A_284 = arith.mulf %mul3A_239, %gather3A_283 : vector<16xf32>
        %add3A_285 = arith.constant 4 : i32
        %add3A_286 = vector.broadcast %add3A_285 : i32 to vector<16xi32>
        %add3A_287 = arith.addi %mul3A_255, %add3A_286 : vector<16xi32>
        %gather3A_288 = tpu.vector_load_idx %arg15[%add3A_261, %add3A_287] : memref<512x128xf32, #tpu.memory_space<vmem>>[vector<16xi32>, vector<16xi32>], vector<16xf32>,
        %mul3A_289 = arith.mulf %mul3A_239, %gather3A_288 : vector<16xf32>
        %add3A_290 = arith.constant 5 : i32
        %add3A_291 = vector.broadcast %add3A_290 : i32 to vector<16xi32>
        %add3A_292 = arith.addi %mul3A_255, %add3A_291 : vector<16xi32>
        %gather3A_293 = tpu.vector_load_idx %arg15[%add3A_261, %add3A_292] : memref<512x128xf32, #tpu.memory_space<vmem>>[vector<16xi32>, vector<16xi32>], vector<16xf32>,
        %mul3A_294 = arith.mulf %mul3A_239, %gather3A_293 : vector<16xf32>
        %add3A_295 = arith.constant 6 : i32
        %add3A_296 = vector.broadcast %add3A_295 : i32 to vector<16xi32>
        %add3A_297 = arith.addi %mul3A_255, %add3A_296 : vector<16xi32>
        %gather3A_298 = tpu.vector_load_idx %arg15[%add3A_261, %add3A_297] : memref<512x128xf32, #tpu.memory_space<vmem>>[vector<16xi32>, vector<16xi32>], vector<16xf32>,
        %mul3A_299 = arith.mulf %mul3A_239, %gather3A_298 : vector<16xf32>
        %add3A_300 = arith.constant 7 : i32
        %add3A_301 = vector.broadcast %add3A_300 : i32 to vector<16xi32>
        %add3A_302 = arith.addi %mul3A_255, %add3A_301 : vector<16xi32>
        %gather3A_303 = tpu.vector_load_idx %arg15[%add3A_261, %add3A_302] : memref<512x128xf32, #tpu.memory_space<vmem>>[vector<16xi32>, vector<16xi32>], vector<16xf32>,
        %mul3A_304 = arith.mulf %mul3A_239, %gather3A_303 : vector<16xf32>
        %add3A_305 = arith.constant 8 : i32
        %add3A_306 = vector.broadcast %add3A_305 : i32 to vector<16xi32>
        %add3A_307 = arith.addi %mul3A_255, %add3A_306 : vector<16xi32>
        %gather3A_308 = tpu.vector_load_idx %arg15[%add3A_261, %add3A_307] : memref<512x128xf32, #tpu.memory_space<vmem>>[vector<16xi32>, vector<16xi32>], vector<16xf32>,
        %mul3A_309 = arith.mulf %mul3A_239, %gather3A_308 : vector<16xf32>
        %add3A_310 = arith.constant 9 : i32
        %add3A_311 = vector.broadcast %add3A_310 : i32 to vector<16xi32>
        %add3A_312 = arith.addi %mul3A_255, %add3A_311 : vector<16xi32>
        %gather3A_313 = tpu.vector_load_idx %arg15[%add3A_261, %add3A_312] : memref<512x128xf32, #tpu.memory_space<vmem>>[vector<16xi32>, vector<16xi32>], vector<16xf32>,
        %mul3A_314 = arith.mulf %mul3A_239, %gather3A_313 : vector<16xf32>
        %add3A_315 = arith.constant 10 : i32
        %add3A_316 = vector.broadcast %add3A_315 : i32 to vector<16xi32>
        %add3A_317 = arith.addi %mul3A_255, %add3A_316 : vector<16xi32>
        %gather3A_318 = tpu.vector_load_idx %arg15[%add3A_261, %add3A_317] : memref<512x128xf32, #tpu.memory_space<vmem>>[vector<16xi32>, vector<16xi32>], vector<16xf32>,
        %mul3A_319 = arith.mulf %mul3A_239, %gather3A_318 : vector<16xf32>
        %add3A_320 = arith.constant 11 : i32
        %add3A_321 = vector.broadcast %add3A_320 : i32 to vector<16xi32>
        %add3A_322 = arith.addi %mul3A_255, %add3A_321 : vector<16xi32>
        %gather3A_323 = tpu.vector_load_idx %arg15[%add3A_261, %add3A_322] : memref<512x128xf32, #tpu.memory_space<vmem>>[vector<16xi32>, vector<16xi32>], vector<16xf32>,
        %mul3A_324 = arith.mulf %mul3A_239, %gather3A_323 : vector<16xf32>
        %add3A_325 = arith.constant 0 : i32
        %add3A_326 = vector.broadcast %add3A_325 : i32 to vector<16xi32>
        %add3A_327 = arith.addi %sub3A_258, %add3A_326 : vector<16xi32>
        %gather3A_328 = tpu.vector_load_idx %arg15[%add3A_265, %add3A_327] : memref<512x128xf32, #tpu.memory_space<vmem>>[vector<16xi32>, vector<16xi32>], vector<16xf32>,
        %mul3A_329 = arith.mulf %mul3A_240, %gather3A_328 : vector<16xf32>
        %add3A_330 = arith.addf %mul3A_269, %mul3A_329 : vector<16xf32>
        %add3A_331 = arith.constant 1 : i32
        %add3A_332 = vector.broadcast %add3A_331 : i32 to vector<16xi32>
        %add3A_333 = arith.addi %sub3A_258, %add3A_332 : vector<16xi32>
        %gather3A_334 = tpu.vector_load_idx %arg15[%add3A_265, %add3A_333] : memref<512x128xf32, #tpu.memory_space<vmem>>[vector<16xi32>, vector<16xi32>], vector<16xf32>,
        %mul3A_335 = arith.mulf %mul3A_240, %gather3A_334 : vector<16xf32>
        %add3A_336 = arith.addf %mul3A_274, %mul3A_335 : vector<16xf32>
        %add3A_337 = arith.constant 2 : i32
        %add3A_338 = vector.broadcast %add3A_337 : i32 to vector<16xi32>
        %add3A_339 = arith.addi %sub3A_258, %add3A_338 : vector<16xi32>
        %gather3A_340 = tpu.vector_load_idx %arg15[%add3A_265, %add3A_339] : memref<512x128xf32, #tpu.memory_space<vmem>>[vector<16xi32>, vector<16xi32>], vector<16xf32>,
        %mul3A_341 = arith.mulf %mul3A_240, %gather3A_340 : vector<16xf32>
        %add3A_342 = arith.addf %mul3A_279, %mul3A_341 : vector<16xf32>
        %add3A_343 = arith.constant 3 : i32
        %add3A_344 = vector.broadcast %add3A_343 : i32 to vector<16xi32>
        %add3A_345 = arith.addi %sub3A_258, %add3A_344 : vector<16xi32>
        %gather3A_346 = tpu.vector_load_idx %arg15[%add3A_265, %add3A_345] : memref<512x128xf32, #tpu.memory_space<vmem>>[vector<16xi32>, vector<16xi32>], vector<16xf32>,
        %mul3A_347 = arith.mulf %mul3A_240, %gather3A_346 : vector<16xf32>
        %add3A_348 = arith.addf %mul3A_284, %mul3A_347 : vector<16xf32>
        %add3A_349 = arith.constant 4 : i32
        %add3A_350 = vector.broadcast %add3A_349 : i32 to vector<16xi32>
        %add3A_351 = arith.addi %sub3A_258, %add3A_350 : vector<16xi32>
        %gather3A_352 = tpu.vector_load_idx %arg15[%add3A_265, %add3A_351] : memref<512x128xf32, #tpu.memory_space<vmem>>[vector<16xi32>, vector<16xi32>], vector<16xf32>,
        %mul3A_353 = arith.mulf %mul3A_240, %gather3A_352 : vector<16xf32>
        %add3A_354 = arith.addf %mul3A_289, %mul3A_353 : vector<16xf32>
        %add3A_355 = arith.constant 5 : i32
        %add3A_356 = vector.broadcast %add3A_355 : i32 to vector<16xi32>
        %add3A_357 = arith.addi %sub3A_258, %add3A_356 : vector<16xi32>
        %gather3A_358 = tpu.vector_load_idx %arg15[%add3A_265, %add3A_357] : memref<512x128xf32, #tpu.memory_space<vmem>>[vector<16xi32>, vector<16xi32>], vector<16xf32>,
        %mul3A_359 = arith.mulf %mul3A_240, %gather3A_358 : vector<16xf32>
        %add3A_360 = arith.addf %mul3A_294, %mul3A_359 : vector<16xf32>
        %add3A_361 = arith.constant 6 : i32
        %add3A_362 = vector.broadcast %add3A_361 : i32 to vector<16xi32>
        %add3A_363 = arith.addi %sub3A_258, %add3A_362 : vector<16xi32>
        %gather3A_364 = tpu.vector_load_idx %arg15[%add3A_265, %add3A_363] : memref<512x128xf32, #tpu.memory_space<vmem>>[vector<16xi32>, vector<16xi32>], vector<16xf32>,
        %mul3A_365 = arith.mulf %mul3A_240, %gather3A_364 : vector<16xf32>
        %add3A_366 = arith.addf %mul3A_299, %mul3A_365 : vector<16xf32>
        %add3A_367 = arith.constant 7 : i32
        %add3A_368 = vector.broadcast %add3A_367 : i32 to vector<16xi32>
        %add3A_369 = arith.addi %sub3A_258, %add3A_368 : vector<16xi32>
        %gather3A_370 = tpu.vector_load_idx %arg15[%add3A_265, %add3A_369] : memref<512x128xf32, #tpu.memory_space<vmem>>[vector<16xi32>, vector<16xi32>], vector<16xf32>,
        %mul3A_371 = arith.mulf %mul3A_240, %gather3A_370 : vector<16xf32>
        %add3A_372 = arith.addf %mul3A_304, %mul3A_371 : vector<16xf32>
        %add3A_373 = arith.constant 8 : i32
        %add3A_374 = vector.broadcast %add3A_373 : i32 to vector<16xi32>
        %add3A_375 = arith.addi %sub3A_258, %add3A_374 : vector<16xi32>
        %gather3A_376 = tpu.vector_load_idx %arg15[%add3A_265, %add3A_375] : memref<512x128xf32, #tpu.memory_space<vmem>>[vector<16xi32>, vector<16xi32>], vector<16xf32>,
        %mul3A_377 = arith.mulf %mul3A_240, %gather3A_376 : vector<16xf32>
        %add3A_378 = arith.addf %mul3A_309, %mul3A_377 : vector<16xf32>
        %add3A_379 = arith.constant 9 : i32
        %add3A_380 = vector.broadcast %add3A_379 : i32 to vector<16xi32>
        %add3A_381 = arith.addi %sub3A_258, %add3A_380 : vector<16xi32>
        %gather3A_382 = tpu.vector_load_idx %arg15[%add3A_265, %add3A_381] : memref<512x128xf32, #tpu.memory_space<vmem>>[vector<16xi32>, vector<16xi32>], vector<16xf32>,
        %mul3A_383 = arith.mulf %mul3A_240, %gather3A_382 : vector<16xf32>
        %add3A_384 = arith.addf %mul3A_314, %mul3A_383 : vector<16xf32>
        %add3A_385 = arith.constant 10 : i32
        %add3A_386 = vector.broadcast %add3A_385 : i32 to vector<16xi32>
        %add3A_387 = arith.addi %sub3A_258, %add3A_386 : vector<16xi32>
        %gather3A_388 = tpu.vector_load_idx %arg15[%add3A_265, %add3A_387] : memref<512x128xf32, #tpu.memory_space<vmem>>[vector<16xi32>, vector<16xi32>], vector<16xf32>,
        %mul3A_389 = arith.mulf %mul3A_240, %gather3A_388 : vector<16xf32>
        %add3A_390 = arith.addf %mul3A_319, %mul3A_389 : vector<16xf32>
        %add3A_391 = arith.constant 11 : i32
        %add3A_392 = vector.broadcast %add3A_391 : i32 to vector<16xi32>
        %add3A_393 = arith.addi %sub3A_258, %add3A_392 : vector<16xi32>
        %gather3A_394 = tpu.vector_load_idx %arg15[%add3A_265, %add3A_393] : memref<512x128xf32, #tpu.memory_space<vmem>>[vector<16xi32>, vector<16xi32>], vector<16xf32>,
        %mul3A_395 = arith.mulf %mul3A_240, %gather3A_394 : vector<16xf32>
        %add3A_396 = arith.addf %mul3A_324, %mul3A_395 : vector<16xf32>
        %add3A_397 = arith.constant 32 : i32
        %add3A_398 = arith.addi %add3A_397, %mul3A_219 : i32
        %get3A_399 = arith.index_cast %add3A_398 : i32 to index
        %get3A_400 = tpu.vector_load %arg13[%get3A_399] {strides = array<i32>} : memref<256xi32, #tpu.memory_space<vmem>>, vector<16xi32>,
        %mul3A_401 = arith.constant 12 : i32
        %mul3A_402 = vector.broadcast %mul3A_401 : i32 to vector<16xi32>
        %mul3A_403 = arith.muli %get3A_400, %mul3A_402 : vector<16xi32>
        %sub3A_404 = arith.constant 12 : i32
        %sub3A_405 = vector.broadcast %sub3A_404 : i32 to vector<16xi32>
        %sub3A_406 = arith.subi %sub3A_405, %mul3A_403 : vector<16xi32>
        %add3A_407 = arith.constant 64 : i32
        %add3A_408 = vector.broadcast %add3A_407 : i32 to vector<16xi32>
        %add3A_409 = arith.addi %add3A_408, %add3A_248 : vector<16xi32>
        %mul3A_410 = arith.constant 32 : i32
        %mul3A_411 = vector.broadcast %mul3A_410 : i32 to vector<16xi32>
        %mul3A_412 = arith.muli %get3A_400, %mul3A_411 : vector<16xi32>
        %add3A_413 = arith.addi %add3A_409, %mul3A_412 : vector<16xi32>
        %add3A_414 = arith.constant 0 : i32
        %add3A_415 = vector.broadcast %add3A_414 : i32 to vector<16xi32>
        %add3A_416 = arith.addi %mul3A_403, %add3A_415 : vector<16xi32>
        %gather3A_417 = tpu.vector_load_idx %arg15[%add3A_409, %add3A_416] : memref<512x128xf32, #tpu.memory_space<vmem>>[vector<16xi32>, vector<16xi32>], vector<16xf32>,
        %mul3A_418 = arith.mulf %mul3A_241, %gather3A_417 : vector<16xf32>
        %add3A_419 = arith.addf %add3A_330, %mul3A_418 : vector<16xf32>
        %add3A_420 = arith.constant 1 : i32
        %add3A_421 = vector.broadcast %add3A_420 : i32 to vector<16xi32>
        %add3A_422 = arith.addi %mul3A_403, %add3A_421 : vector<16xi32>
        %gather3A_423 = tpu.vector_load_idx %arg15[%add3A_409, %add3A_422] : memref<512x128xf32, #tpu.memory_space<vmem>>[vector<16xi32>, vector<16xi32>], vector<16xf32>,
        %mul3A_424 = arith.mulf %mul3A_241, %gather3A_423 : vector<16xf32>
        %add3A_425 = arith.addf %add3A_336, %mul3A_424 : vector<16xf32>
        %add3A_426 = arith.constant 2 : i32
        %add3A_427 = vector.broadcast %add3A_426 : i32 to vector<16xi32>
        %add3A_428 = arith.addi %mul3A_403, %add3A_427 : vector<16xi32>
        %gather3A_429 = tpu.vector_load_idx %arg15[%add3A_409, %add3A_428] : memref<512x128xf32, #tpu.memory_space<vmem>>[vector<16xi32>, vector<16xi32>], vector<16xf32>,
        %mul3A_430 = arith.mulf %mul3A_241, %gather3A_429 : vector<16xf32>
        %add3A_431 = arith.addf %add3A_342, %mul3A_430 : vector<16xf32>
        %add3A_432 = arith.constant 3 : i32
        %add3A_433 = vector.broadcast %add3A_432 : i32 to vector<16xi32>
        %add3A_434 = arith.addi %mul3A_403, %add3A_433 : vector<16xi32>
        %gather3A_435 = tpu.vector_load_idx %arg15[%add3A_409, %add3A_434] : memref<512x128xf32, #tpu.memory_space<vmem>>[vector<16xi32>, vector<16xi32>], vector<16xf32>,
        %mul3A_436 = arith.mulf %mul3A_241, %gather3A_435 : vector<16xf32>
        %add3A_437 = arith.addf %add3A_348, %mul3A_436 : vector<16xf32>
        %add3A_438 = arith.constant 4 : i32
        %add3A_439 = vector.broadcast %add3A_438 : i32 to vector<16xi32>
        %add3A_440 = arith.addi %mul3A_403, %add3A_439 : vector<16xi32>
        %gather3A_441 = tpu.vector_load_idx %arg15[%add3A_409, %add3A_440] : memref<512x128xf32, #tpu.memory_space<vmem>>[vector<16xi32>, vector<16xi32>], vector<16xf32>,
        %mul3A_442 = arith.mulf %mul3A_241, %gather3A_441 : vector<16xf32>
        %add3A_443 = arith.addf %add3A_354, %mul3A_442 : vector<16xf32>
        %add3A_444 = arith.constant 5 : i32
        %add3A_445 = vector.broadcast %add3A_444 : i32 to vector<16xi32>
        %add3A_446 = arith.addi %mul3A_403, %add3A_445 : vector<16xi32>
        %gather3A_447 = tpu.vector_load_idx %arg15[%add3A_409, %add3A_446] : memref<512x128xf32, #tpu.memory_space<vmem>>[vector<16xi32>, vector<16xi32>], vector<16xf32>,
        %mul3A_448 = arith.mulf %mul3A_241, %gather3A_447 : vector<16xf32>
        %add3A_449 = arith.addf %add3A_360, %mul3A_448 : vector<16xf32>
        %add3A_450 = arith.constant 6 : i32
        %add3A_451 = vector.broadcast %add3A_450 : i32 to vector<16xi32>
        %add3A_452 = arith.addi %mul3A_403, %add3A_451 : vector<16xi32>
        %gather3A_453 = tpu.vector_load_idx %arg15[%add3A_409, %add3A_452] : memref<512x128xf32, #tpu.memory_space<vmem>>[vector<16xi32>, vector<16xi32>], vector<16xf32>,
        %mul3A_454 = arith.mulf %mul3A_241, %gather3A_453 : vector<16xf32>
        %add3A_455 = arith.addf %add3A_366, %mul3A_454 : vector<16xf32>
        %add3A_456 = arith.constant 7 : i32
        %add3A_457 = vector.broadcast %add3A_456 : i32 to vector<16xi32>
        %add3A_458 = arith.addi %mul3A_403, %add3A_457 : vector<16xi32>
        %gather3A_459 = tpu.vector_load_idx %arg15[%add3A_409, %add3A_458] : memref<512x128xf32, #tpu.memory_space<vmem>>[vector<16xi32>, vector<16xi32>], vector<16xf32>,
        %mul3A_460 = arith.mulf %mul3A_241, %gather3A_459 : vector<16xf32>
        %add3A_461 = arith.addf %add3A_372, %mul3A_460 : vector<16xf32>
        %add3A_462 = arith.constant 8 : i32
        %add3A_463 = vector.broadcast %add3A_462 : i32 to vector<16xi32>
        %add3A_464 = arith.addi %mul3A_403, %add3A_463 : vector<16xi32>
        %gather3A_465 = tpu.vector_load_idx %arg15[%add3A_409, %add3A_464] : memref<512x128xf32, #tpu.memory_space<vmem>>[vector<16xi32>, vector<16xi32>], vector<16xf32>,
        %mul3A_466 = arith.mulf %mul3A_241, %gather3A_465 : vector<16xf32>
        %add3A_467 = arith.addf %add3A_378, %mul3A_466 : vector<16xf32>
        %add3A_468 = arith.constant 9 : i32
        %add3A_469 = vector.broadcast %add3A_468 : i32 to vector<16xi32>
        %add3A_470 = arith.addi %mul3A_403, %add3A_469 : vector<16xi32>
        %gather3A_471 = tpu.vector_load_idx %arg15[%add3A_409, %add3A_470] : memref<512x128xf32, #tpu.memory_space<vmem>>[vector<16xi32>, vector<16xi32>], vector<16xf32>,
        %mul3A_472 = arith.mulf %mul3A_241, %gather3A_471 : vector<16xf32>
        %add3A_473 = arith.addf %add3A_384, %mul3A_472 : vector<16xf32>
        %add3A_474 = arith.constant 10 : i32
        %add3A_475 = vector.broadcast %add3A_474 : i32 to vector<16xi32>
        %add3A_476 = arith.addi %mul3A_403, %add3A_475 : vector<16xi32>
        %gather3A_477 = tpu.vector_load_idx %arg15[%add3A_409, %add3A_476] : memref<512x128xf32, #tpu.memory_space<vmem>>[vector<16xi32>, vector<16xi32>], vector<16xf32>,
        %mul3A_478 = arith.mulf %mul3A_241, %gather3A_477 : vector<16xf32>
        %add3A_479 = arith.addf %add3A_390, %mul3A_478 : vector<16xf32>
        %add3A_480 = arith.constant 11 : i32
        %add3A_481 = vector.broadcast %add3A_480 : i32 to vector<16xi32>
        %add3A_482 = arith.addi %mul3A_403, %add3A_481 : vector<16xi32>
        %gather3A_483 = tpu.vector_load_idx %arg15[%add3A_409, %add3A_482] : memref<512x128xf32, #tpu.memory_space<vmem>>[vector<16xi32>, vector<16xi32>], vector<16xf32>,
        %mul3A_484 = arith.mulf %mul3A_241, %gather3A_483 : vector<16xf32>
        %add3A_485 = arith.addf %add3A_396, %mul3A_484 : vector<16xf32>
        %add3A_486 = arith.constant 0 : i32
        %add3A_487 = vector.broadcast %add3A_486 : i32 to vector<16xi32>
        %add3A_488 = arith.addi %sub3A_406, %add3A_487 : vector<16xi32>
        %gather3A_489 = tpu.vector_load_idx %arg15[%add3A_413, %add3A_488] : memref<512x128xf32, #tpu.memory_space<vmem>>[vector<16xi32>, vector<16xi32>], vector<16xf32>,
        %mul3A_490 = arith.mulf %mul3A_242, %gather3A_489 : vector<16xf32>
        %add3A_491 = arith.addf %add3A_419, %mul3A_490 : vector<16xf32>
        %add3A_492 = arith.constant 1 : i32
        %add3A_493 = vector.broadcast %add3A_492 : i32 to vector<16xi32>
        %add3A_494 = arith.addi %sub3A_406, %add3A_493 : vector<16xi32>
        %gather3A_495 = tpu.vector_load_idx %arg15[%add3A_413, %add3A_494] : memref<512x128xf32, #tpu.memory_space<vmem>>[vector<16xi32>, vector<16xi32>], vector<16xf32>,
        %mul3A_496 = arith.mulf %mul3A_242, %gather3A_495 : vector<16xf32>
        %add3A_497 = arith.addf %add3A_425, %mul3A_496 : vector<16xf32>
        %add3A_498 = arith.constant 2 : i32
        %add3A_499 = vector.broadcast %add3A_498 : i32 to vector<16xi32>
        %add3A_500 = arith.addi %sub3A_406, %add3A_499 : vector<16xi32>
        %gather3A_501 = tpu.vector_load_idx %arg15[%add3A_413, %add3A_500] : memref<512x128xf32, #tpu.memory_space<vmem>>[vector<16xi32>, vector<16xi32>], vector<16xf32>,
        %mul3A_502 = arith.mulf %mul3A_242, %gather3A_501 : vector<16xf32>
        %add3A_503 = arith.addf %add3A_431, %mul3A_502 : vector<16xf32>
        %add3A_504 = arith.constant 3 : i32
        %add3A_505 = vector.broadcast %add3A_504 : i32 to vector<16xi32>
        %add3A_506 = arith.addi %sub3A_406, %add3A_505 : vector<16xi32>
        %gather3A_507 = tpu.vector_load_idx %arg15[%add3A_413, %add3A_506] : memref<512x128xf32, #tpu.memory_space<vmem>>[vector<16xi32>, vector<16xi32>], vector<16xf32>,
        %mul3A_508 = arith.mulf %mul3A_242, %gather3A_507 : vector<16xf32>
        %add3A_509 = arith.addf %add3A_437, %mul3A_508 : vector<16xf32>
        %add3A_510 = arith.constant 4 : i32
        %add3A_511 = vector.broadcast %add3A_510 : i32 to vector<16xi32>
        %add3A_512 = arith.addi %sub3A_406, %add3A_511 : vector<16xi32>
        %gather3A_513 = tpu.vector_load_idx %arg15[%add3A_413, %add3A_512] : memref<512x128xf32, #tpu.memory_space<vmem>>[vector<16xi32>, vector<16xi32>], vector<16xf32>,
        %mul3A_514 = arith.mulf %mul3A_242, %gather3A_513 : vector<16xf32>
        %add3A_515 = arith.addf %add3A_443, %mul3A_514 : vector<16xf32>
        %add3A_516 = arith.constant 5 : i32
        %add3A_517 = vector.broadcast %add3A_516 : i32 to vector<16xi32>
        %add3A_518 = arith.addi %sub3A_406, %add3A_517 : vector<16xi32>
        %gather3A_519 = tpu.vector_load_idx %arg15[%add3A_413, %add3A_518] : memref<512x128xf32, #tpu.memory_space<vmem>>[vector<16xi32>, vector<16xi32>], vector<16xf32>,
        %mul3A_520 = arith.mulf %mul3A_242, %gather3A_519 : vector<16xf32>
        %add3A_521 = arith.addf %add3A_449, %mul3A_520 : vector<16xf32>
        %add3A_522 = arith.constant 6 : i32
        %add3A_523 = vector.broadcast %add3A_522 : i32 to vector<16xi32>
        %add3A_524 = arith.addi %sub3A_406, %add3A_523 : vector<16xi32>
        %gather3A_525 = tpu.vector_load_idx %arg15[%add3A_413, %add3A_524] : memref<512x128xf32, #tpu.memory_space<vmem>>[vector<16xi32>, vector<16xi32>], vector<16xf32>,
        %mul3A_526 = arith.mulf %mul3A_242, %gather3A_525 : vector<16xf32>
        %add3A_527 = arith.addf %add3A_455, %mul3A_526 : vector<16xf32>
        %add3A_528 = arith.constant 7 : i32
        %add3A_529 = vector.broadcast %add3A_528 : i32 to vector<16xi32>
        %add3A_530 = arith.addi %sub3A_406, %add3A_529 : vector<16xi32>
        %gather3A_531 = tpu.vector_load_idx %arg15[%add3A_413, %add3A_530] : memref<512x128xf32, #tpu.memory_space<vmem>>[vector<16xi32>, vector<16xi32>], vector<16xf32>,
        %mul3A_532 = arith.mulf %mul3A_242, %gather3A_531 : vector<16xf32>
        %add3A_533 = arith.addf %add3A_461, %mul3A_532 : vector<16xf32>
        %add3A_534 = arith.constant 8 : i32
        %add3A_535 = vector.broadcast %add3A_534 : i32 to vector<16xi32>
        %add3A_536 = arith.addi %sub3A_406, %add3A_535 : vector<16xi32>
        %gather3A_537 = tpu.vector_load_idx %arg15[%add3A_413, %add3A_536] : memref<512x128xf32, #tpu.memory_space<vmem>>[vector<16xi32>, vector<16xi32>], vector<16xf32>,
        %mul3A_538 = arith.mulf %mul3A_242, %gather3A_537 : vector<16xf32>
        %add3A_539 = arith.addf %add3A_467, %mul3A_538 : vector<16xf32>
        %add3A_540 = arith.constant 9 : i32
        %add3A_541 = vector.broadcast %add3A_540 : i32 to vector<16xi32>
        %add3A_542 = arith.addi %sub3A_406, %add3A_541 : vector<16xi32>
        %gather3A_543 = tpu.vector_load_idx %arg15[%add3A_413, %add3A_542] : memref<512x128xf32, #tpu.memory_space<vmem>>[vector<16xi32>, vector<16xi32>], vector<16xf32>,
        %mul3A_544 = arith.mulf %mul3A_242, %gather3A_543 : vector<16xf32>
        %add3A_545 = arith.addf %add3A_473, %mul3A_544 : vector<16xf32>
        %add3A_546 = arith.constant 10 : i32
        %add3A_547 = vector.broadcast %add3A_546 : i32 to vector<16xi32>
        %add3A_548 = arith.addi %sub3A_406, %add3A_547 : vector<16xi32>
        %gather3A_549 = tpu.vector_load_idx %arg15[%add3A_413, %add3A_548] : memref<512x128xf32, #tpu.memory_space<vmem>>[vector<16xi32>, vector<16xi32>], vector<16xf32>,
        %mul3A_550 = arith.mulf %mul3A_242, %gather3A_549 : vector<16xf32>
        %add3A_551 = arith.addf %add3A_479, %mul3A_550 : vector<16xf32>
        %add3A_552 = arith.constant 11 : i32
        %add3A_553 = vector.broadcast %add3A_552 : i32 to vector<16xi32>
        %add3A_554 = arith.addi %sub3A_406, %add3A_553 : vector<16xi32>
        %gather3A_555 = tpu.vector_load_idx %arg15[%add3A_413, %add3A_554] : memref<512x128xf32, #tpu.memory_space<vmem>>[vector<16xi32>, vector<16xi32>], vector<16xf32>,
        %mul3A_556 = arith.mulf %mul3A_242, %gather3A_555 : vector<16xf32>
        %add3A_557 = arith.addf %add3A_485, %mul3A_556 : vector<16xf32>
        %add3A_558 = arith.constant 64 : i32
        %add3A_559 = arith.addi %add3A_558, %mul3A_219 : i32
        %get3A_560 = arith.index_cast %add3A_559 : i32 to index
        %get3A_561 = tpu.vector_load %arg13[%get3A_560] {strides = array<i32>} : memref<256xi32, #tpu.memory_space<vmem>>, vector<16xi32>,
        %mul3A_562 = arith.constant 12 : i32
        %mul3A_563 = vector.broadcast %mul3A_562 : i32 to vector<16xi32>
        %mul3A_564 = arith.muli %get3A_561, %mul3A_563 : vector<16xi32>
        %sub3A_565 = arith.constant 12 : i32
        %sub3A_566 = vector.broadcast %sub3A_565 : i32 to vector<16xi32>
        %sub3A_567 = arith.subi %sub3A_566, %mul3A_564 : vector<16xi32>
        %add3A_568 = arith.constant 128 : i32
        %add3A_569 = vector.broadcast %add3A_568 : i32 to vector<16xi32>
        %add3A_570 = arith.addi %add3A_569, %add3A_248 : vector<16xi32>
        %mul3A_571 = arith.constant 32 : i32
        %mul3A_572 = vector.broadcast %mul3A_571 : i32 to vector<16xi32>
        %mul3A_573 = arith.muli %get3A_561, %mul3A_572 : vector<16xi32>
        %add3A_574 = arith.addi %add3A_570, %mul3A_573 : vector<16xi32>
        %add3A_575 = arith.constant 0 : i32
        %add3A_576 = vector.broadcast %add3A_575 : i32 to vector<16xi32>
        %add3A_577 = arith.addi %mul3A_564, %add3A_576 : vector<16xi32>
        %gather3A_578 = tpu.vector_load_idx %arg15[%add3A_570, %add3A_577] : memref<512x128xf32, #tpu.memory_space<vmem>>[vector<16xi32>, vector<16xi32>], vector<16xf32>,
        %mul3A_579 = arith.mulf %mul3A_243, %gather3A_578 : vector<16xf32>
        %add3A_580 = arith.addf %add3A_491, %mul3A_579 : vector<16xf32>
        %add3A_581 = arith.constant 1 : i32
        %add3A_582 = vector.broadcast %add3A_581 : i32 to vector<16xi32>
        %add3A_583 = arith.addi %mul3A_564, %add3A_582 : vector<16xi32>
        %gather3A_584 = tpu.vector_load_idx %arg15[%add3A_570, %add3A_583] : memref<512x128xf32, #tpu.memory_space<vmem>>[vector<16xi32>, vector<16xi32>], vector<16xf32>,
        %mul3A_585 = arith.mulf %mul3A_243, %gather3A_584 : vector<16xf32>
        %add3A_586 = arith.addf %add3A_497, %mul3A_585 : vector<16xf32>
        %add3A_587 = arith.constant 2 : i32
        %add3A_588 = vector.broadcast %add3A_587 : i32 to vector<16xi32>
        %add3A_589 = arith.addi %mul3A_564, %add3A_588 : vector<16xi32>
        %gather3A_590 = tpu.vector_load_idx %arg15[%add3A_570, %add3A_589] : memref<512x128xf32, #tpu.memory_space<vmem>>[vector<16xi32>, vector<16xi32>], vector<16xf32>,
        %mul3A_591 = arith.mulf %mul3A_243, %gather3A_590 : vector<16xf32>
        %add3A_592 = arith.addf %add3A_503, %mul3A_591 : vector<16xf32>
        %add3A_593 = arith.constant 3 : i32
        %add3A_594 = vector.broadcast %add3A_593 : i32 to vector<16xi32>
        %add3A_595 = arith.addi %mul3A_564, %add3A_594 : vector<16xi32>
        %gather3A_596 = tpu.vector_load_idx %arg15[%add3A_570, %add3A_595] : memref<512x128xf32, #tpu.memory_space<vmem>>[vector<16xi32>, vector<16xi32>], vector<16xf32>,
        %mul3A_597 = arith.mulf %mul3A_243, %gather3A_596 : vector<16xf32>
        %add3A_598 = arith.addf %add3A_509, %mul3A_597 : vector<16xf32>
        %add3A_599 = arith.constant 4 : i32
        %add3A_600 = vector.broadcast %add3A_599 : i32 to vector<16xi32>
        %add3A_601 = arith.addi %mul3A_564, %add3A_600 : vector<16xi32>
        %gather3A_602 = tpu.vector_load_idx %arg15[%add3A_570, %add3A_601] : memref<512x128xf32, #tpu.memory_space<vmem>>[vector<16xi32>, vector<16xi32>], vector<16xf32>,
        %mul3A_603 = arith.mulf %mul3A_243, %gather3A_602 : vector<16xf32>
        %add3A_604 = arith.addf %add3A_515, %mul3A_603 : vector<16xf32>
        %add3A_605 = arith.constant 5 : i32
        %add3A_606 = vector.broadcast %add3A_605 : i32 to vector<16xi32>
        %add3A_607 = arith.addi %mul3A_564, %add3A_606 : vector<16xi32>
        %gather3A_608 = tpu.vector_load_idx %arg15[%add3A_570, %add3A_607] : memref<512x128xf32, #tpu.memory_space<vmem>>[vector<16xi32>, vector<16xi32>], vector<16xf32>,
        %mul3A_609 = arith.mulf %mul3A_243, %gather3A_608 : vector<16xf32>
        %add3A_610 = arith.addf %add3A_521, %mul3A_609 : vector<16xf32>
        %add3A_611 = arith.constant 6 : i32
        %add3A_612 = vector.broadcast %add3A_611 : i32 to vector<16xi32>
        %add3A_613 = arith.addi %mul3A_564, %add3A_612 : vector<16xi32>
        %gather3A_614 = tpu.vector_load_idx %arg15[%add3A_570, %add3A_613] : memref<512x128xf32, #tpu.memory_space<vmem>>[vector<16xi32>, vector<16xi32>], vector<16xf32>,
        %mul3A_615 = arith.mulf %mul3A_243, %gather3A_614 : vector<16xf32>
        %add3A_616 = arith.addf %add3A_527, %mul3A_615 : vector<16xf32>
        %add3A_617 = arith.constant 7 : i32
        %add3A_618 = vector.broadcast %add3A_617 : i32 to vector<16xi32>
        %add3A_619 = arith.addi %mul3A_564, %add3A_618 : vector<16xi32>
        %gather3A_620 = tpu.vector_load_idx %arg15[%add3A_570, %add3A_619] : memref<512x128xf32, #tpu.memory_space<vmem>>[vector<16xi32>, vector<16xi32>], vector<16xf32>,
        %mul3A_621 = arith.mulf %mul3A_243, %gather3A_620 : vector<16xf32>
        %add3A_622 = arith.addf %add3A_533, %mul3A_621 : vector<16xf32>
        %add3A_623 = arith.constant 8 : i32
        %add3A_624 = vector.broadcast %add3A_623 : i32 to vector<16xi32>
        %add3A_625 = arith.addi %mul3A_564, %add3A_624 : vector<16xi32>
        %gather3A_626 = tpu.vector_load_idx %arg15[%add3A_570, %add3A_625] : memref<512x128xf32, #tpu.memory_space<vmem>>[vector<16xi32>, vector<16xi32>], vector<16xf32>,
        %mul3A_627 = arith.mulf %mul3A_243, %gather3A_626 : vector<16xf32>
        %add3A_628 = arith.addf %add3A_539, %mul3A_627 : vector<16xf32>
        %add3A_629 = arith.constant 9 : i32
        %add3A_630 = vector.broadcast %add3A_629 : i32 to vector<16xi32>
        %add3A_631 = arith.addi %mul3A_564, %add3A_630 : vector<16xi32>
        %gather3A_632 = tpu.vector_load_idx %arg15[%add3A_570, %add3A_631] : memref<512x128xf32, #tpu.memory_space<vmem>>[vector<16xi32>, vector<16xi32>], vector<16xf32>,
        %mul3A_633 = arith.mulf %mul3A_243, %gather3A_632 : vector<16xf32>
        %add3A_634 = arith.addf %add3A_545, %mul3A_633 : vector<16xf32>
        %add3A_635 = arith.constant 10 : i32
        %add3A_636 = vector.broadcast %add3A_635 : i32 to vector<16xi32>
        %add3A_637 = arith.addi %mul3A_564, %add3A_636 : vector<16xi32>
        %gather3A_638 = tpu.vector_load_idx %arg15[%add3A_570, %add3A_637] : memref<512x128xf32, #tpu.memory_space<vmem>>[vector<16xi32>, vector<16xi32>], vector<16xf32>,
        %mul3A_639 = arith.mulf %mul3A_243, %gather3A_638 : vector<16xf32>
        %add3A_640 = arith.addf %add3A_551, %mul3A_639 : vector<16xf32>
        %add3A_641 = arith.constant 11 : i32
        %add3A_642 = vector.broadcast %add3A_641 : i32 to vector<16xi32>
        %add3A_643 = arith.addi %mul3A_564, %add3A_642 : vector<16xi32>
        %gather3A_644 = tpu.vector_load_idx %arg15[%add3A_570, %add3A_643] : memref<512x128xf32, #tpu.memory_space<vmem>>[vector<16xi32>, vector<16xi32>], vector<16xf32>,
        %mul3A_645 = arith.mulf %mul3A_243, %gather3A_644 : vector<16xf32>
        %add3A_646 = arith.addf %add3A_557, %mul3A_645 : vector<16xf32>
        %add3A_647 = arith.constant 0 : i32
        %add3A_648 = vector.broadcast %add3A_647 : i32 to vector<16xi32>
        %add3A_649 = arith.addi %sub3A_567, %add3A_648 : vector<16xi32>
        %gather3A_650 = tpu.vector_load_idx %arg15[%add3A_574, %add3A_649] : memref<512x128xf32, #tpu.memory_space<vmem>>[vector<16xi32>, vector<16xi32>], vector<16xf32>,
        %mul3A_651 = arith.mulf %mul3A_244, %gather3A_650 : vector<16xf32>
        %add3A_652 = arith.addf %add3A_580, %mul3A_651 : vector<16xf32>
        %add3A_653 = arith.constant 1 : i32
        %add3A_654 = vector.broadcast %add3A_653 : i32 to vector<16xi32>
        %add3A_655 = arith.addi %sub3A_567, %add3A_654 : vector<16xi32>
        %gather3A_656 = tpu.vector_load_idx %arg15[%add3A_574, %add3A_655] : memref<512x128xf32, #tpu.memory_space<vmem>>[vector<16xi32>, vector<16xi32>], vector<16xf32>,
        %mul3A_657 = arith.mulf %mul3A_244, %gather3A_656 : vector<16xf32>
        %add3A_658 = arith.addf %add3A_586, %mul3A_657 : vector<16xf32>
        %add3A_659 = arith.constant 2 : i32
        %add3A_660 = vector.broadcast %add3A_659 : i32 to vector<16xi32>
        %add3A_661 = arith.addi %sub3A_567, %add3A_660 : vector<16xi32>
        %gather3A_662 = tpu.vector_load_idx %arg15[%add3A_574, %add3A_661] : memref<512x128xf32, #tpu.memory_space<vmem>>[vector<16xi32>, vector<16xi32>], vector<16xf32>,
        %mul3A_663 = arith.mulf %mul3A_244, %gather3A_662 : vector<16xf32>
        %add3A_664 = arith.addf %add3A_592, %mul3A_663 : vector<16xf32>
        %add3A_665 = arith.constant 3 : i32
        %add3A_666 = vector.broadcast %add3A_665 : i32 to vector<16xi32>
        %add3A_667 = arith.addi %sub3A_567, %add3A_666 : vector<16xi32>
        %gather3A_668 = tpu.vector_load_idx %arg15[%add3A_574, %add3A_667] : memref<512x128xf32, #tpu.memory_space<vmem>>[vector<16xi32>, vector<16xi32>], vector<16xf32>,
        %mul3A_669 = arith.mulf %mul3A_244, %gather3A_668 : vector<16xf32>
        %add3A_670 = arith.addf %add3A_598, %mul3A_669 : vector<16xf32>
        %add3A_671 = arith.constant 4 : i32
        %add3A_672 = vector.broadcast %add3A_671 : i32 to vector<16xi32>
        %add3A_673 = arith.addi %sub3A_567, %add3A_672 : vector<16xi32>
        %gather3A_674 = tpu.vector_load_idx %arg15[%add3A_574, %add3A_673] : memref<512x128xf32, #tpu.memory_space<vmem>>[vector<16xi32>, vector<16xi32>], vector<16xf32>,
        %mul3A_675 = arith.mulf %mul3A_244, %gather3A_674 : vector<16xf32>
        %add3A_676 = arith.addf %add3A_604, %mul3A_675 : vector<16xf32>
        %add3A_677 = arith.constant 5 : i32
        %add3A_678 = vector.broadcast %add3A_677 : i32 to vector<16xi32>
        %add3A_679 = arith.addi %sub3A_567, %add3A_678 : vector<16xi32>
        %gather3A_680 = tpu.vector_load_idx %arg15[%add3A_574, %add3A_679] : memref<512x128xf32, #tpu.memory_space<vmem>>[vector<16xi32>, vector<16xi32>], vector<16xf32>,
        %mul3A_681 = arith.mulf %mul3A_244, %gather3A_680 : vector<16xf32>
        %add3A_682 = arith.addf %add3A_610, %mul3A_681 : vector<16xf32>
        %add3A_683 = arith.constant 6 : i32
        %add3A_684 = vector.broadcast %add3A_683 : i32 to vector<16xi32>
        %add3A_685 = arith.addi %sub3A_567, %add3A_684 : vector<16xi32>
        %gather3A_686 = tpu.vector_load_idx %arg15[%add3A_574, %add3A_685] : memref<512x128xf32, #tpu.memory_space<vmem>>[vector<16xi32>, vector<16xi32>], vector<16xf32>,
        %mul3A_687 = arith.mulf %mul3A_244, %gather3A_686 : vector<16xf32>
        %add3A_688 = arith.addf %add3A_616, %mul3A_687 : vector<16xf32>
        %add3A_689 = arith.constant 7 : i32
        %add3A_690 = vector.broadcast %add3A_689 : i32 to vector<16xi32>
        %add3A_691 = arith.addi %sub3A_567, %add3A_690 : vector<16xi32>
        %gather3A_692 = tpu.vector_load_idx %arg15[%add3A_574, %add3A_691] : memref<512x128xf32, #tpu.memory_space<vmem>>[vector<16xi32>, vector<16xi32>], vector<16xf32>,
        %mul3A_693 = arith.mulf %mul3A_244, %gather3A_692 : vector<16xf32>
        %add3A_694 = arith.addf %add3A_622, %mul3A_693 : vector<16xf32>
        %add3A_695 = arith.constant 8 : i32
        %add3A_696 = vector.broadcast %add3A_695 : i32 to vector<16xi32>
        %add3A_697 = arith.addi %sub3A_567, %add3A_696 : vector<16xi32>
        %gather3A_698 = tpu.vector_load_idx %arg15[%add3A_574, %add3A_697] : memref<512x128xf32, #tpu.memory_space<vmem>>[vector<16xi32>, vector<16xi32>], vector<16xf32>,
        %mul3A_699 = arith.mulf %mul3A_244, %gather3A_698 : vector<16xf32>
        %add3A_700 = arith.addf %add3A_628, %mul3A_699 : vector<16xf32>
        %add3A_701 = arith.constant 9 : i32
        %add3A_702 = vector.broadcast %add3A_701 : i32 to vector<16xi32>
        %add3A_703 = arith.addi %sub3A_567, %add3A_702 : vector<16xi32>
        %gather3A_704 = tpu.vector_load_idx %arg15[%add3A_574, %add3A_703] : memref<512x128xf32, #tpu.memory_space<vmem>>[vector<16xi32>, vector<16xi32>], vector<16xf32>,
        %mul3A_705 = arith.mulf %mul3A_244, %gather3A_704 : vector<16xf32>
        %add3A_706 = arith.addf %add3A_634, %mul3A_705 : vector<16xf32>
        %add3A_707 = arith.constant 10 : i32
        %add3A_708 = vector.broadcast %add3A_707 : i32 to vector<16xi32>
        %add3A_709 = arith.addi %sub3A_567, %add3A_708 : vector<16xi32>
        %gather3A_710 = tpu.vector_load_idx %arg15[%add3A_574, %add3A_709] : memref<512x128xf32, #tpu.memory_space<vmem>>[vector<16xi32>, vector<16xi32>], vector<16xf32>,
        %mul3A_711 = arith.mulf %mul3A_244, %gather3A_710 : vector<16xf32>
        %add3A_712 = arith.addf %add3A_640, %mul3A_711 : vector<16xf32>
        %add3A_713 = arith.constant 11 : i32
        %add3A_714 = vector.broadcast %add3A_713 : i32 to vector<16xi32>
        %add3A_715 = arith.addi %sub3A_567, %add3A_714 : vector<16xi32>
        %gather3A_716 = tpu.vector_load_idx %arg15[%add3A_574, %add3A_715] : memref<512x128xf32, #tpu.memory_space<vmem>>[vector<16xi32>, vector<16xi32>], vector<16xf32>,
        %mul3A_717 = arith.mulf %mul3A_244, %gather3A_716 : vector<16xf32>
        %add3A_718 = arith.addf %add3A_646, %mul3A_717 : vector<16xf32>
        %add3A_719 = arith.constant 96 : i32
        %add3A_720 = arith.addi %add3A_719, %mul3A_219 : i32
        %get3A_721 = arith.index_cast %add3A_720 : i32 to index
        %get3A_722 = tpu.vector_load %arg13[%get3A_721] {strides = array<i32>} : memref<256xi32, #tpu.memory_space<vmem>>, vector<16xi32>,
        %mul3A_723 = arith.constant 12 : i32
        %mul3A_724 = vector.broadcast %mul3A_723 : i32 to vector<16xi32>
        %mul3A_725 = arith.muli %get3A_722, %mul3A_724 : vector<16xi32>
        %sub3A_726 = arith.constant 12 : i32
        %sub3A_727 = vector.broadcast %sub3A_726 : i32 to vector<16xi32>
        %sub3A_728 = arith.subi %sub3A_727, %mul3A_725 : vector<16xi32>
        %add3A_729 = arith.constant 192 : i32
        %add3A_730 = vector.broadcast %add3A_729 : i32 to vector<16xi32>
        %add3A_731 = arith.addi %add3A_730, %add3A_248 : vector<16xi32>
        %mul3A_732 = arith.constant 32 : i32
        %mul3A_733 = vector.broadcast %mul3A_732 : i32 to vector<16xi32>
        %mul3A_734 = arith.muli %get3A_722, %mul3A_733 : vector<16xi32>
        %add3A_735 = arith.addi %add3A_731, %mul3A_734 : vector<16xi32>
        %add3A_736 = arith.constant 0 : i32
        %add3A_737 = vector.broadcast %add3A_736 : i32 to vector<16xi32>
        %add3A_738 = arith.addi %mul3A_725, %add3A_737 : vector<16xi32>
        %gather3A_739 = tpu.vector_load_idx %arg15[%add3A_731, %add3A_738] : memref<512x128xf32, #tpu.memory_space<vmem>>[vector<16xi32>, vector<16xi32>], vector<16xf32>,
        %mul3A_740 = arith.mulf %mul3A_245, %gather3A_739 : vector<16xf32>
        %add3A_741 = arith.addf %add3A_652, %mul3A_740 : vector<16xf32>
        %add3A_742 = arith.constant 1 : i32
        %add3A_743 = vector.broadcast %add3A_742 : i32 to vector<16xi32>
        %add3A_744 = arith.addi %mul3A_725, %add3A_743 : vector<16xi32>
        %gather3A_745 = tpu.vector_load_idx %arg15[%add3A_731, %add3A_744] : memref<512x128xf32, #tpu.memory_space<vmem>>[vector<16xi32>, vector<16xi32>], vector<16xf32>,
        %mul3A_746 = arith.mulf %mul3A_245, %gather3A_745 : vector<16xf32>
        %add3A_747 = arith.addf %add3A_658, %mul3A_746 : vector<16xf32>
        %add3A_748 = arith.constant 2 : i32
        %add3A_749 = vector.broadcast %add3A_748 : i32 to vector<16xi32>
        %add3A_750 = arith.addi %mul3A_725, %add3A_749 : vector<16xi32>
        %gather3A_751 = tpu.vector_load_idx %arg15[%add3A_731, %add3A_750] : memref<512x128xf32, #tpu.memory_space<vmem>>[vector<16xi32>, vector<16xi32>], vector<16xf32>,
        %mul3A_752 = arith.mulf %mul3A_245, %gather3A_751 : vector<16xf32>
        %add3A_753 = arith.addf %add3A_664, %mul3A_752 : vector<16xf32>
        %add3A_754 = arith.constant 3 : i32
        %add3A_755 = vector.broadcast %add3A_754 : i32 to vector<16xi32>
        %add3A_756 = arith.addi %mul3A_725, %add3A_755 : vector<16xi32>
        %gather3A_757 = tpu.vector_load_idx %arg15[%add3A_731, %add3A_756] : memref<512x128xf32, #tpu.memory_space<vmem>>[vector<16xi32>, vector<16xi32>], vector<16xf32>,
        %mul3A_758 = arith.mulf %mul3A_245, %gather3A_757 : vector<16xf32>
        %add3A_759 = arith.addf %add3A_670, %mul3A_758 : vector<16xf32>
        %add3A_760 = arith.constant 4 : i32
        %add3A_761 = vector.broadcast %add3A_760 : i32 to vector<16xi32>
        %add3A_762 = arith.addi %mul3A_725, %add3A_761 : vector<16xi32>
        %gather3A_763 = tpu.vector_load_idx %arg15[%add3A_731, %add3A_762] : memref<512x128xf32, #tpu.memory_space<vmem>>[vector<16xi32>, vector<16xi32>], vector<16xf32>,
        %mul3A_764 = arith.mulf %mul3A_245, %gather3A_763 : vector<16xf32>
        %add3A_765 = arith.addf %add3A_676, %mul3A_764 : vector<16xf32>
        %add3A_766 = arith.constant 5 : i32
        %add3A_767 = vector.broadcast %add3A_766 : i32 to vector<16xi32>
        %add3A_768 = arith.addi %mul3A_725, %add3A_767 : vector<16xi32>
        %gather3A_769 = tpu.vector_load_idx %arg15[%add3A_731, %add3A_768] : memref<512x128xf32, #tpu.memory_space<vmem>>[vector<16xi32>, vector<16xi32>], vector<16xf32>,
        %mul3A_770 = arith.mulf %mul3A_245, %gather3A_769 : vector<16xf32>
        %add3A_771 = arith.addf %add3A_682, %mul3A_770 : vector<16xf32>
        %add3A_772 = arith.constant 6 : i32
        %add3A_773 = vector.broadcast %add3A_772 : i32 to vector<16xi32>
        %add3A_774 = arith.addi %mul3A_725, %add3A_773 : vector<16xi32>
        %gather3A_775 = tpu.vector_load_idx %arg15[%add3A_731, %add3A_774] : memref<512x128xf32, #tpu.memory_space<vmem>>[vector<16xi32>, vector<16xi32>], vector<16xf32>,
        %mul3A_776 = arith.mulf %mul3A_245, %gather3A_775 : vector<16xf32>
        %add3A_777 = arith.addf %add3A_688, %mul3A_776 : vector<16xf32>
        %add3A_778 = arith.constant 7 : i32
        %add3A_779 = vector.broadcast %add3A_778 : i32 to vector<16xi32>
        %add3A_780 = arith.addi %mul3A_725, %add3A_779 : vector<16xi32>
        %gather3A_781 = tpu.vector_load_idx %arg15[%add3A_731, %add3A_780] : memref<512x128xf32, #tpu.memory_space<vmem>>[vector<16xi32>, vector<16xi32>], vector<16xf32>,
        %mul3A_782 = arith.mulf %mul3A_245, %gather3A_781 : vector<16xf32>
        %add3A_783 = arith.addf %add3A_694, %mul3A_782 : vector<16xf32>
        %add3A_784 = arith.constant 8 : i32
        %add3A_785 = vector.broadcast %add3A_784 : i32 to vector<16xi32>
        %add3A_786 = arith.addi %mul3A_725, %add3A_785 : vector<16xi32>
        %gather3A_787 = tpu.vector_load_idx %arg15[%add3A_731, %add3A_786] : memref<512x128xf32, #tpu.memory_space<vmem>>[vector<16xi32>, vector<16xi32>], vector<16xf32>,
        %mul3A_788 = arith.mulf %mul3A_245, %gather3A_787 : vector<16xf32>
        %add3A_789 = arith.addf %add3A_700, %mul3A_788 : vector<16xf32>
        %add3A_790 = arith.constant 9 : i32
        %add3A_791 = vector.broadcast %add3A_790 : i32 to vector<16xi32>
        %add3A_792 = arith.addi %mul3A_725, %add3A_791 : vector<16xi32>
        %gather3A_793 = tpu.vector_load_idx %arg15[%add3A_731, %add3A_792] : memref<512x128xf32, #tpu.memory_space<vmem>>[vector<16xi32>, vector<16xi32>], vector<16xf32>,
        %mul3A_794 = arith.mulf %mul3A_245, %gather3A_793 : vector<16xf32>
        %add3A_795 = arith.addf %add3A_706, %mul3A_794 : vector<16xf32>
        %add3A_796 = arith.constant 10 : i32
        %add3A_797 = vector.broadcast %add3A_796 : i32 to vector<16xi32>
        %add3A_798 = arith.addi %mul3A_725, %add3A_797 : vector<16xi32>
        %gather3A_799 = tpu.vector_load_idx %arg15[%add3A_731, %add3A_798] : memref<512x128xf32, #tpu.memory_space<vmem>>[vector<16xi32>, vector<16xi32>], vector<16xf32>,
        %mul3A_800 = arith.mulf %mul3A_245, %gather3A_799 : vector<16xf32>
        %add3A_801 = arith.addf %add3A_712, %mul3A_800 : vector<16xf32>
        %add3A_802 = arith.constant 11 : i32
        %add3A_803 = vector.broadcast %add3A_802 : i32 to vector<16xi32>
        %add3A_804 = arith.addi %mul3A_725, %add3A_803 : vector<16xi32>
        %gather3A_805 = tpu.vector_load_idx %arg15[%add3A_731, %add3A_804] : memref<512x128xf32, #tpu.memory_space<vmem>>[vector<16xi32>, vector<16xi32>], vector<16xf32>,
        %mul3A_806 = arith.mulf %mul3A_245, %gather3A_805 : vector<16xf32>
        %add3A_807 = arith.addf %add3A_718, %mul3A_806 : vector<16xf32>
        %add3A_808 = arith.constant 0 : i32
        %add3A_809 = vector.broadcast %add3A_808 : i32 to vector<16xi32>
        %add3A_810 = arith.addi %sub3A_728, %add3A_809 : vector<16xi32>
        %gather3A_811 = tpu.vector_load_idx %arg15[%add3A_735, %add3A_810] : memref<512x128xf32, #tpu.memory_space<vmem>>[vector<16xi32>, vector<16xi32>], vector<16xf32>,
        %mul3A_812 = arith.mulf %mul3A_246, %gather3A_811 : vector<16xf32>
        %add3A_813 = arith.addf %add3A_741, %mul3A_812 : vector<16xf32>
        %add3A_814 = arith.constant 1 : i32
        %add3A_815 = vector.broadcast %add3A_814 : i32 to vector<16xi32>
        %add3A_816 = arith.addi %sub3A_728, %add3A_815 : vector<16xi32>
        %gather3A_817 = tpu.vector_load_idx %arg15[%add3A_735, %add3A_816] : memref<512x128xf32, #tpu.memory_space<vmem>>[vector<16xi32>, vector<16xi32>], vector<16xf32>,
        %mul3A_818 = arith.mulf %mul3A_246, %gather3A_817 : vector<16xf32>
        %add3A_819 = arith.addf %add3A_747, %mul3A_818 : vector<16xf32>
        %add3A_820 = arith.constant 2 : i32
        %add3A_821 = vector.broadcast %add3A_820 : i32 to vector<16xi32>
        %add3A_822 = arith.addi %sub3A_728, %add3A_821 : vector<16xi32>
        %gather3A_823 = tpu.vector_load_idx %arg15[%add3A_735, %add3A_822] : memref<512x128xf32, #tpu.memory_space<vmem>>[vector<16xi32>, vector<16xi32>], vector<16xf32>,
        %mul3A_824 = arith.mulf %mul3A_246, %gather3A_823 : vector<16xf32>
        %add3A_825 = arith.addf %add3A_753, %mul3A_824 : vector<16xf32>
        %add3A_826 = arith.constant 3 : i32
        %add3A_827 = vector.broadcast %add3A_826 : i32 to vector<16xi32>
        %add3A_828 = arith.addi %sub3A_728, %add3A_827 : vector<16xi32>
        %gather3A_829 = tpu.vector_load_idx %arg15[%add3A_735, %add3A_828] : memref<512x128xf32, #tpu.memory_space<vmem>>[vector<16xi32>, vector<16xi32>], vector<16xf32>,
        %mul3A_830 = arith.mulf %mul3A_246, %gather3A_829 : vector<16xf32>
        %add3A_831 = arith.addf %add3A_759, %mul3A_830 : vector<16xf32>
        %add3A_832 = arith.constant 4 : i32
        %add3A_833 = vector.broadcast %add3A_832 : i32 to vector<16xi32>
        %add3A_834 = arith.addi %sub3A_728, %add3A_833 : vector<16xi32>
        %gather3A_835 = tpu.vector_load_idx %arg15[%add3A_735, %add3A_834] : memref<512x128xf32, #tpu.memory_space<vmem>>[vector<16xi32>, vector<16xi32>], vector<16xf32>,
        %mul3A_836 = arith.mulf %mul3A_246, %gather3A_835 : vector<16xf32>
        %add3A_837 = arith.addf %add3A_765, %mul3A_836 : vector<16xf32>
        %add3A_838 = arith.constant 5 : i32
        %add3A_839 = vector.broadcast %add3A_838 : i32 to vector<16xi32>
        %add3A_840 = arith.addi %sub3A_728, %add3A_839 : vector<16xi32>
        %gather3A_841 = tpu.vector_load_idx %arg15[%add3A_735, %add3A_840] : memref<512x128xf32, #tpu.memory_space<vmem>>[vector<16xi32>, vector<16xi32>], vector<16xf32>,
        %mul3A_842 = arith.mulf %mul3A_246, %gather3A_841 : vector<16xf32>
        %add3A_843 = arith.addf %add3A_771, %mul3A_842 : vector<16xf32>
        %add3A_844 = arith.constant 6 : i32
        %add3A_845 = vector.broadcast %add3A_844 : i32 to vector<16xi32>
        %add3A_846 = arith.addi %sub3A_728, %add3A_845 : vector<16xi32>
        %gather3A_847 = tpu.vector_load_idx %arg15[%add3A_735, %add3A_846] : memref<512x128xf32, #tpu.memory_space<vmem>>[vector<16xi32>, vector<16xi32>], vector<16xf32>,
        %mul3A_848 = arith.mulf %mul3A_246, %gather3A_847 : vector<16xf32>
        %add3A_849 = arith.addf %add3A_777, %mul3A_848 : vector<16xf32>
        %add3A_850 = arith.constant 7 : i32
        %add3A_851 = vector.broadcast %add3A_850 : i32 to vector<16xi32>
        %add3A_852 = arith.addi %sub3A_728, %add3A_851 : vector<16xi32>
        %gather3A_853 = tpu.vector_load_idx %arg15[%add3A_735, %add3A_852] : memref<512x128xf32, #tpu.memory_space<vmem>>[vector<16xi32>, vector<16xi32>], vector<16xf32>,
        %mul3A_854 = arith.mulf %mul3A_246, %gather3A_853 : vector<16xf32>
        %add3A_855 = arith.addf %add3A_783, %mul3A_854 : vector<16xf32>
        %add3A_856 = arith.constant 8 : i32
        %add3A_857 = vector.broadcast %add3A_856 : i32 to vector<16xi32>
        %add3A_858 = arith.addi %sub3A_728, %add3A_857 : vector<16xi32>
        %gather3A_859 = tpu.vector_load_idx %arg15[%add3A_735, %add3A_858] : memref<512x128xf32, #tpu.memory_space<vmem>>[vector<16xi32>, vector<16xi32>], vector<16xf32>,
        %mul3A_860 = arith.mulf %mul3A_246, %gather3A_859 : vector<16xf32>
        %add3A_861 = arith.addf %add3A_789, %mul3A_860 : vector<16xf32>
        %add3A_862 = arith.constant 9 : i32
        %add3A_863 = vector.broadcast %add3A_862 : i32 to vector<16xi32>
        %add3A_864 = arith.addi %sub3A_728, %add3A_863 : vector<16xi32>
        %gather3A_865 = tpu.vector_load_idx %arg15[%add3A_735, %add3A_864] : memref<512x128xf32, #tpu.memory_space<vmem>>[vector<16xi32>, vector<16xi32>], vector<16xf32>,
        %mul3A_866 = arith.mulf %mul3A_246, %gather3A_865 : vector<16xf32>
        %add3A_867 = arith.addf %add3A_795, %mul3A_866 : vector<16xf32>
        %add3A_868 = arith.constant 10 : i32
        %add3A_869 = vector.broadcast %add3A_868 : i32 to vector<16xi32>
        %add3A_870 = arith.addi %sub3A_728, %add3A_869 : vector<16xi32>
        %gather3A_871 = tpu.vector_load_idx %arg15[%add3A_735, %add3A_870] : memref<512x128xf32, #tpu.memory_space<vmem>>[vector<16xi32>, vector<16xi32>], vector<16xf32>,
        %mul3A_872 = arith.mulf %mul3A_246, %gather3A_871 : vector<16xf32>
        %add3A_873 = arith.addf %add3A_801, %mul3A_872 : vector<16xf32>
        %add3A_874 = arith.constant 11 : i32
        %add3A_875 = vector.broadcast %add3A_874 : i32 to vector<16xi32>
        %add3A_876 = arith.addi %sub3A_728, %add3A_875 : vector<16xi32>
        %gather3A_877 = tpu.vector_load_idx %arg15[%add3A_735, %add3A_876] : memref<512x128xf32, #tpu.memory_space<vmem>>[vector<16xi32>, vector<16xi32>], vector<16xf32>,
        %mul3A_878 = arith.mulf %mul3A_246, %gather3A_877 : vector<16xf32>
        %add3A_879 = arith.addf %add3A_807, %mul3A_878 : vector<16xf32>
        %add3A_880 = vector.broadcast %add3A_221 : i32 to vector<16xi32>
        %add3A_881 = arith.addi %add3A_880, %iota3A : vector<16xi32>
        %broadcast_in_dim3A = arith.constant 0 : i32
        %broadcast_in_dim3A_882 = vector.broadcast %broadcast_in_dim3A : i32 to vector<16xi32>
        tpu.vector_store_idx %arg16[%add3A_881, %broadcast_in_dim3A_882], %add3A_813 : memref<64x12xf32, #tpu.memory_space<vmem>>[vector<16xi32>, vector<16xi32>], vector<16xf32>,
        %add3A_883 = vector.broadcast %add3A_221 : i32 to vector<16xi32>
        %add3A_884 = arith.addi %add3A_883, %iota3A : vector<16xi32>
        %broadcast_in_dim3A_885 = arith.constant 1 : i32
        %broadcast_in_dim3A_886 = vector.broadcast %broadcast_in_dim3A_885 : i32 to vector<16xi32>
        tpu.vector_store_idx %arg16[%add3A_884, %broadcast_in_dim3A_886], %add3A_819 : memref<64x12xf32, #tpu.memory_space<vmem>>[vector<16xi32>, vector<16xi32>], vector<16xf32>,
        %add3A_887 = vector.broadcast %add3A_221 : i32 to vector<16xi32>
        %add3A_888 = arith.addi %add3A_887, %iota3A : vector<16xi32>
        %broadcast_in_dim3A_889 = arith.constant 2 : i32
        %broadcast_in_dim3A_890 = vector.broadcast %broadcast_in_dim3A_889 : i32 to vector<16xi32>
        tpu.vector_store_idx %arg16[%add3A_888, %broadcast_in_dim3A_890], %add3A_825 : memref<64x12xf32, #tpu.memory_space<vmem>>[vector<16xi32>, vector<16xi32>], vector<16xf32>,
        %add3A_891 = vector.broadcast %add3A_221 : i32 to vector<16xi32>
        %add3A_892 = arith.addi %add3A_891, %iota3A : vector<16xi32>
        %broadcast_in_dim3A_893 = arith.constant 3 : i32
        %broadcast_in_dim3A_894 = vector.broadcast %broadcast_in_dim3A_893 : i32 to vector<16xi32>
        tpu.vector_store_idx %arg16[%add3A_892, %broadcast_in_dim3A_894], %add3A_831 : memref<64x12xf32, #tpu.memory_space<vmem>>[vector<16xi32>, vector<16xi32>], vector<16xf32>,
        %add3A_895 = vector.broadcast %add3A_221 : i32 to vector<16xi32>
        %add3A_896 = arith.addi %add3A_895, %iota3A : vector<16xi32>
        %broadcast_in_dim3A_897 = arith.constant 4 : i32
        %broadcast_in_dim3A_898 = vector.broadcast %broadcast_in_dim3A_897 : i32 to vector<16xi32>
        tpu.vector_store_idx %arg16[%add3A_896, %broadcast_in_dim3A_898], %add3A_837 : memref<64x12xf32, #tpu.memory_space<vmem>>[vector<16xi32>, vector<16xi32>], vector<16xf32>,
        %add3A_899 = vector.broadcast %add3A_221 : i32 to vector<16xi32>
        %add3A_900 = arith.addi %add3A_899, %iota3A : vector<16xi32>
        %broadcast_in_dim3A_901 = arith.constant 5 : i32
        %broadcast_in_dim3A_902 = vector.broadcast %broadcast_in_dim3A_901 : i32 to vector<16xi32>
        tpu.vector_store_idx %arg16[%add3A_900, %broadcast_in_dim3A_902], %add3A_843 : memref<64x12xf32, #tpu.memory_space<vmem>>[vector<16xi32>, vector<16xi32>], vector<16xf32>,
        %add3A_903 = vector.broadcast %add3A_221 : i32 to vector<16xi32>
        %add3A_904 = arith.addi %add3A_903, %iota3A : vector<16xi32>
        %broadcast_in_dim3A_905 = arith.constant 6 : i32
        %broadcast_in_dim3A_906 = vector.broadcast %broadcast_in_dim3A_905 : i32 to vector<16xi32>
        tpu.vector_store_idx %arg16[%add3A_904, %broadcast_in_dim3A_906], %add3A_849 : memref<64x12xf32, #tpu.memory_space<vmem>>[vector<16xi32>, vector<16xi32>], vector<16xf32>,
        %add3A_907 = vector.broadcast %add3A_221 : i32 to vector<16xi32>
        %add3A_908 = arith.addi %add3A_907, %iota3A : vector<16xi32>
        %broadcast_in_dim3A_909 = arith.constant 7 : i32
        %broadcast_in_dim3A_910 = vector.broadcast %broadcast_in_dim3A_909 : i32 to vector<16xi32>
        tpu.vector_store_idx %arg16[%add3A_908, %broadcast_in_dim3A_910], %add3A_855 : memref<64x12xf32, #tpu.memory_space<vmem>>[vector<16xi32>, vector<16xi32>], vector<16xf32>,
        %add3A_911 = vector.broadcast %add3A_221 : i32 to vector<16xi32>
        %add3A_912 = arith.addi %add3A_911, %iota3A : vector<16xi32>
        %broadcast_in_dim3A_913 = arith.constant 8 : i32
        %broadcast_in_dim3A_914 = vector.broadcast %broadcast_in_dim3A_913 : i32 to vector<16xi32>
        tpu.vector_store_idx %arg16[%add3A_912, %broadcast_in_dim3A_914], %add3A_861 : memref<64x12xf32, #tpu.memory_space<vmem>>[vector<16xi32>, vector<16xi32>], vector<16xf32>,
        %add3A_915 = vector.broadcast %add3A_221 : i32 to vector<16xi32>
        %add3A_916 = arith.addi %add3A_915, %iota3A : vector<16xi32>
        %broadcast_in_dim3A_917 = arith.constant 9 : i32
        %broadcast_in_dim3A_918 = vector.broadcast %broadcast_in_dim3A_917 : i32 to vector<16xi32>
        tpu.vector_store_idx %arg16[%add3A_916, %broadcast_in_dim3A_918], %add3A_867 : memref<64x12xf32, #tpu.memory_space<vmem>>[vector<16xi32>, vector<16xi32>], vector<16xf32>,
        %add3A_919 = vector.broadcast %add3A_221 : i32 to vector<16xi32>
        %add3A_920 = arith.addi %add3A_919, %iota3A : vector<16xi32>
        %broadcast_in_dim3A_921 = arith.constant 10 : i32
        %broadcast_in_dim3A_922 = vector.broadcast %broadcast_in_dim3A_921 : i32 to vector<16xi32>
        tpu.vector_store_idx %arg16[%add3A_920, %broadcast_in_dim3A_922], %add3A_873 : memref<64x12xf32, #tpu.memory_space<vmem>>[vector<16xi32>, vector<16xi32>], vector<16xf32>,
        %add3A_923 = vector.broadcast %add3A_221 : i32 to vector<16xi32>
        %add3A_924 = arith.addi %add3A_923, %iota3A : vector<16xi32>
        %broadcast_in_dim3A_925 = arith.constant 11 : i32
        %broadcast_in_dim3A_926 = vector.broadcast %broadcast_in_dim3A_925 : i32 to vector<16xi32>
        tpu.vector_store_idx %arg16[%add3A_924, %broadcast_in_dim3A_926], %add3A_879 : memref<64x12xf32, #tpu.memory_space<vmem>>[vector<16xi32>, vector<16xi32>], vector<16xf32>,
      }
      %scan3A_159 = arith.constant 2 : i32
      %dma_start3A_160 = arith.constant 0 : i32
      %dma_start3A_161 = arith.constant 0 : i32
      %dma_start3A_162 = tpu.memref_slice %arg16[%dma_start3A_160, %dma_start3A_161] : memref<64x12xf32, #tpu.memory_space<vmem>> -> memref<32x12xf32, #tpu.memory_space<vmem>>
      %dma_start3A_163 = arith.constant 0 : i32
      %dma_start3A_164 = tpu.memref_slice %arg6[%add3A_142, %dma_start3A_163] : memref<1048576x12xf32, #tpu.memory_space<hbm>> -> memref<32x12xf32, #tpu.memory_space<hbm>>
      %dma_start3A_165 = arith.constant 0 : i32
      %dma_start3A_166 = tpu.memref_slice %arg6[%add3A_142, %dma_start3A_165] : memref<1048576x12xf32, #tpu.memory_space<hbm>> -> memref<32x12xf32, #tpu.memory_space<hbm>>
      %dma_start3A_167 = arith.constant 0 : i32
      %dma_start3A_168 = arith.constant 0 : i32
      %dma_start3A_169 = tpu.memref_slice %arg16[%dma_start3A_167, %dma_start3A_168] : memref<64x12xf32, #tpu.memory_space<vmem>> -> memref<32x12xf32, #tpu.memory_space<vmem>>
      tpu.enqueue_dma source(%dma_start3A_169 : memref<32x12xf32, #tpu.memory_space<vmem>>) target(%dma_start3A_166 : memref<32x12xf32, #tpu.memory_space<hbm>>) target_semaphore(%arg21 : memref<!tpu.dma_semaphore, #tpu.memory_space<semaphore_mem>>)
      %add3A_170 = arith.constant 1 : i32
      %add3A_171 = arith.addi %mul3A_128, %add3A_170 : i32
      %add3A_172 = arith.constant 1 : i32
      %add3A_173 = arith.addi %add3A_171, %add3A_172 : i32
      %lt3A_174 = arith.constant 1024 : i32
      %lt3A_175 = arith.cmpi slt, %add3A_173, %lt3A_174 : i32
      %convert_element_type3A_176 = arith.extui %lt3A_175 : i1 to i32
      %cond3A_177 = arith.constant 0 : i32
      %cond3A_178 = arith.cmpi ne, %convert_element_type3A_176, %cond3A_177 : i32
      scf.if %cond3A_178 {
        %mul3A_217 = arith.constant 32 : i32
        %mul3A_218 = arith.muli %add3A_173, %mul3A_217 : i32
        %add3A_219 = arith.addi %mul3A_2, %mul3A_218 : i32
        %dma_wait3A_220 = arith.constant 0 : i32
        %dma_wait3A_221 = tpu.memref_slice %arg7[%dma_wait3A_220] : memref<64xf32, #tpu.memory_space<vmem>> -> memref<32xf32, #tpu.memory_space<vmem>>
        %dma_wait3A_222 = tpu.memref_slice %arg2[%add3A_219] : memref<1048576xf32, #tpu.memory_space<hbm>> -> memref<32xf32, #tpu.memory_space<hbm>>
        %dma_wait3A_223 = arith.constant 0 : i32
        %dma_wait3A_224 = tpu.memref_slice %arg7[%dma_wait3A_223] : memref<64xf32, #tpu.memory_space<vmem>> -> memref<32xf32, #tpu.memory_space<vmem>>
        %dma_wait3A_225 = tpu.memref_slice %arg2[%add3A_219] : memref<1048576xf32, #tpu.memory_space<hbm>> -> memref<32xf32, #tpu.memory_space<hbm>>
        tpu.wait_dma2 semaphore(%arg17 : memref<!tpu.dma_semaphore, #tpu.memory_space<semaphore_mem>>) src(%dma_wait3A_225 : memref<32xf32, #tpu.memory_space<hbm>>) dst(%dma_wait3A_224 : memref<32xf32, #tpu.memory_space<vmem>>)
        %dma_wait3A_226 = arith.constant 0 : i32
        %dma_wait3A_227 = tpu.memref_slice %arg8[%dma_wait3A_226] : memref<64xf32, #tpu.memory_space<vmem>> -> memref<32xf32, #tpu.memory_space<vmem>>
        %dma_wait3A_228 = tpu.memref_slice %arg3[%add3A_219] : memref<1048576xf32, #tpu.memory_space<hbm>> -> memref<32xf32, #tpu.memory_space<hbm>>
        %dma_wait3A_229 = arith.constant 0 : i32
        %dma_wait3A_230 = tpu.memref_slice %arg8[%dma_wait3A_229] : memref<64xf32, #tpu.memory_space<vmem>> -> memref<32xf32, #tpu.memory_space<vmem>>
        %dma_wait3A_231 = tpu.memref_slice %arg3[%add3A_219] : memref<1048576xf32, #tpu.memory_space<hbm>> -> memref<32xf32, #tpu.memory_space<hbm>>
        tpu.wait_dma2 semaphore(%arg17 : memref<!tpu.dma_semaphore, #tpu.memory_space<semaphore_mem>>) src(%dma_wait3A_231 : memref<32xf32, #tpu.memory_space<hbm>>) dst(%dma_wait3A_230 : memref<32xf32, #tpu.memory_space<vmem>>)
        %dma_wait3A_232 = arith.constant 0 : i32
        %dma_wait3A_233 = tpu.memref_slice %arg9[%dma_wait3A_232] : memref<64xf32, #tpu.memory_space<vmem>> -> memref<32xf32, #tpu.memory_space<vmem>>
        %dma_wait3A_234 = tpu.memref_slice %arg4[%add3A_219] : memref<1048576xf32, #tpu.memory_space<hbm>> -> memref<32xf32, #tpu.memory_space<hbm>>
        %dma_wait3A_235 = arith.constant 0 : i32
        %dma_wait3A_236 = tpu.memref_slice %arg9[%dma_wait3A_235] : memref<64xf32, #tpu.memory_space<vmem>> -> memref<32xf32, #tpu.memory_space<vmem>>
        %dma_wait3A_237 = tpu.memref_slice %arg4[%add3A_219] : memref<1048576xf32, #tpu.memory_space<hbm>> -> memref<32xf32, #tpu.memory_space<hbm>>
        tpu.wait_dma2 semaphore(%arg17 : memref<!tpu.dma_semaphore, #tpu.memory_space<semaphore_mem>>) src(%dma_wait3A_237 : memref<32xf32, #tpu.memory_space<hbm>>) dst(%dma_wait3A_236 : memref<32xf32, #tpu.memory_space<vmem>>)
        %scan3A_238 = arith.constant 0 : i32
        %scan3A_239 = arith.constant 2 : i32
        %scan3A_240 = arith.addi %scan3A_238, %scan3A_239 : i32
        %scan3A_241 = arith.constant 1 : i32
        scf.for %scan3A_251 = %scan3A_238 to %scan3A_240 step %scan3A_241  : i32 {
          %mul3A_252 = arith.constant 16 : i32
          %mul3A_253 = arith.muli %scan3A_251, %mul3A_252 : i32
          %add3A_254 = arith.constant 0 : i32
          %add3A_255 = arith.addi %add3A_254, %mul3A_253 : i32
          %get3A = arith.index_cast %add3A_255 : i32 to index
          %get3A_256 = tpu.vector_load %arg7[%get3A] {strides = array<i32>} : memref<64xf32, #tpu.memory_space<vmem>>, vector<16xf32>,
          %get3A_257 = arith.index_cast %add3A_255 : i32 to index
          %get3A_258 = tpu.vector_load %arg8[%get3A_257] {strides = array<i32>} : memref<64xf32, #tpu.memory_space<vmem>>, vector<16xf32>,
          %get3A_259 = arith.index_cast %add3A_255 : i32 to index
          %get3A_260 = tpu.vector_load %arg9[%get3A_259] {strides = array<i32>} : memref<64xf32, #tpu.memory_space<vmem>>, vector<16xf32>,
          %sub3A = arith.constant -1.000000e+00 : f32
          %sub3A_261 = vector.broadcast %sub3A : f32 to vector<16xf32>
          %sub3A_262 = arith.subf %get3A_256, %sub3A_261 : vector<16xf32>
          %mul3A_263 = vector.broadcast %scan3A_95 : f32 to vector<16xf32>
          %mul3A_264 = arith.mulf %sub3A_262, %mul3A_263 : vector<16xf32>
          %mul3A_265 = vector.broadcast %scan3A_96 : f32 to vector<16xf32>
          %mul3A_266 = arith.mulf %mul3A_264, %mul3A_265 : vector<16xf32>
          %sub3A_267 = arith.constant -1.000000e+00 : f32
          %sub3A_268 = vector.broadcast %sub3A_267 : f32 to vector<16xf32>
          %sub3A_269 = arith.subf %get3A_258, %sub3A_268 : vector<16xf32>
          %mul3A_270 = vector.broadcast %scan3A_95 : f32 to vector<16xf32>
          %mul3A_271 = arith.mulf %sub3A_269, %mul3A_270 : vector<16xf32>
          %mul3A_272 = vector.broadcast %scan3A_96 : f32 to vector<16xf32>
          %mul3A_273 = arith.mulf %mul3A_271, %mul3A_272 : vector<16xf32>
          %sub3A_274 = arith.constant -1.000000e+00 : f32
          %sub3A_275 = vector.broadcast %sub3A_274 : f32 to vector<16xf32>
          %sub3A_276 = arith.subf %get3A_260, %sub3A_275 : vector<16xf32>
          %mul3A_277 = vector.broadcast %scan3A_95 : f32 to vector<16xf32>
          %mul3A_278 = arith.mulf %sub3A_276, %mul3A_277 : vector<16xf32>
          %mul3A_279 = vector.broadcast %scan3A_96 : f32 to vector<16xf32>
          %mul3A_280 = arith.mulf %mul3A_278, %mul3A_279 : vector<16xf32>
          %convert_element_type3A_281 = arith.fptosi %mul3A_266 : vector<16xf32> to vector<16xi32>
          %jit3A = arith.constant 0 : i32
          %jit3A_282 = arith.constant 158 : i32
          %max3A = vector.broadcast %jit3A : i32 to vector<16xi32>
          %max3A_283 = arith.maxsi %max3A, %convert_element_type3A_281 : vector<16xi32>
          %min3A = vector.broadcast %jit3A_282 : i32 to vector<16xi32>
          %min3A_284 = arith.minsi %min3A, %max3A_283 : vector<16xi32>
          %convert_element_type3A_285 = arith.fptosi %mul3A_273 : vector<16xf32> to vector<16xi32>
          %jit3A_286 = arith.constant 0 : i32
          %jit3A_287 = arith.constant 158 : i32
          %max3A_288 = vector.broadcast %jit3A_286 : i32 to vector<16xi32>
          %max3A_289 = arith.maxsi %max3A_288, %convert_element_type3A_285 : vector<16xi32>
          %min3A_290 = vector.broadcast %jit3A_287 : i32 to vector<16xi32>
          %min3A_291 = arith.minsi %min3A_290, %max3A_289 : vector<16xi32>
          %convert_element_type3A_292 = arith.fptosi %mul3A_280 : vector<16xf32> to vector<16xi32>
          %jit3A_293 = arith.constant 0 : i32
          %jit3A_294 = arith.constant 158 : i32
          %max3A_295 = vector.broadcast %jit3A_293 : i32 to vector<16xi32>
          %max3A_296 = arith.maxsi %max3A_295, %convert_element_type3A_292 : vector<16xi32>
          %min3A_297 = vector.broadcast %jit3A_294 : i32 to vector<16xi32>
          %min3A_298 = arith.minsi %min3A_297, %max3A_296 : vector<16xi32>
          %convert_element_type3A_299 = arith.sitofp %min3A_284 : vector<16xi32> to vector<16xf32>
          %sub3A_300 = arith.subf %mul3A_266, %convert_element_type3A_299 : vector<16xf32>
          %swap3A = arith.index_cast %add3A_255 : i32 to index
          %swap3A_301 = tpu.vector_load %arg10[%swap3A] {strides = array<i32>} : memref<64xf32, #tpu.memory_space<vmem>>, vector<16xf32>,
          tpu.vector_store %arg10[%swap3A], %sub3A_300 {strides = array<i32>} : memref<64xf32, #tpu.memory_space<vmem>>, vector<16xf32>,
          %convert_element_type3A_302 = arith.sitofp %min3A_291 : vector<16xi32> to vector<16xf32>
          %sub3A_303 = arith.subf %mul3A_273, %convert_element_type3A_302 : vector<16xf32>
          %swap3A_304 = arith.index_cast %add3A_255 : i32 to index
          %swap3A_305 = tpu.vector_load %arg11[%swap3A_304] {strides = array<i32>} : memref<64xf32, #tpu.memory_space<vmem>>, vector<16xf32>,
          tpu.vector_store %arg11[%swap3A_304], %sub3A_303 {strides = array<i32>} : memref<64xf32, #tpu.memory_space<vmem>>, vector<16xf32>,
          %convert_element_type3A_306 = arith.sitofp %min3A_298 : vector<16xi32> to vector<16xf32>
          %sub3A_307 = arith.subf %mul3A_280, %convert_element_type3A_306 : vector<16xf32>
          %swap3A_308 = arith.index_cast %add3A_255 : i32 to index
          %swap3A_309 = tpu.vector_load %arg12[%swap3A_308] {strides = array<i32>} : memref<64xf32, #tpu.memory_space<vmem>>, vector<16xf32>,
          tpu.vector_store %arg12[%swap3A_308], %sub3A_307 {strides = array<i32>} : memref<64xf32, #tpu.memory_space<vmem>>, vector<16xf32>,
          %mul3A_310 = arith.constant 25600 : i32
          %mul3A_311 = vector.broadcast %mul3A_310 : i32 to vector<16xi32>
          %mul3A_312 = arith.muli %min3A_284, %mul3A_311 : vector<16xi32>
          %mul3A_313 = arith.constant 160 : i32
          %mul3A_314 = vector.broadcast %mul3A_313 : i32 to vector<16xi32>
          %mul3A_315 = arith.muli %min3A_291, %mul3A_314 : vector<16xi32>
          %add3A_316 = arith.addi %mul3A_312, %mul3A_315 : vector<16xi32>
          %add3A_317 = arith.addi %add3A_316, %min3A_298 : vector<16xi32>
          %add3A_318 = arith.constant 0 : i32
          %add3A_319 = vector.broadcast %add3A_318 : i32 to vector<16xi32>
          %add3A_320 = arith.addi %add3A_317, %add3A_319 : vector<16xi32>
          %shift_right_logical3A = arith.constant 1 : i32
          %shift_right_logical3A_321 = vector.broadcast %shift_right_logical3A : i32 to vector<16xi32>
          %shift_right_logical3A_322 = arith.shrui %add3A_320, %shift_right_logical3A_321 : vector<16xi32>
          %add3A_323 = arith.constant 0 : i32
          %add3A_324 = arith.addi %add3A_323, %mul3A_253 : i32
          %swap3A_325 = arith.index_cast %add3A_324 : i32 to index
          %swap3A_326 = tpu.vector_load %arg14[%swap3A_325] {strides = array<i32>} : memref<512xi32, #tpu.memory_space<vmem>>, vector<16xi32>,
          tpu.vector_store %arg14[%swap3A_325], %shift_right_logical3A_322 {strides = array<i32>} : memref<512xi32, #tpu.memory_space<vmem>>, vector<16xi32>,
          %add3A_327 = arith.constant 1 : i32
          %add3A_328 = vector.broadcast %add3A_327 : i32 to vector<16xi32>
          %add3A_329 = arith.addi %shift_right_logical3A_322, %add3A_328 : vector<16xi32>
          %add3A_330 = arith.constant 32 : i32
          %add3A_331 = arith.addi %add3A_324, %add3A_330 : i32
          %swap3A_332 = arith.index_cast %add3A_331 : i32 to index
          %swap3A_333 = tpu.vector_load %arg14[%swap3A_332] {strides = array<i32>} : memref<512xi32, #tpu.memory_space<vmem>>, vector<16xi32>,
          tpu.vector_store %arg14[%swap3A_332], %add3A_329 {strides = array<i32>} : memref<512xi32, #tpu.memory_space<vmem>>, vector<16xi32>,
          %and3A = arith.constant 1 : i32
          %and3A_334 = vector.broadcast %and3A : i32 to vector<16xi32>
          %and3A_335 = arith.andi %add3A_320, %and3A_334 : vector<16xi32>
          %add3A_336 = arith.constant 0 : i32
          %add3A_337 = arith.addi %add3A_336, %mul3A_253 : i32
          %swap3A_338 = arith.index_cast %add3A_337 : i32 to index
          %swap3A_339 = tpu.vector_load %arg13[%swap3A_338] {strides = array<i32>} : memref<256xi32, #tpu.memory_space<vmem>>, vector<16xi32>,
          tpu.vector_store %arg13[%swap3A_338], %and3A_335 {strides = array<i32>} : memref<256xi32, #tpu.memory_space<vmem>>, vector<16xi32>,
          %add3A_340 = arith.constant 160 : i32
          %add3A_341 = vector.broadcast %add3A_340 : i32 to vector<16xi32>
          %add3A_342 = arith.addi %add3A_317, %add3A_341 : vector<16xi32>
          %shift_right_logical3A_343 = arith.constant 1 : i32
          %shift_right_logical3A_344 = vector.broadcast %shift_right_logical3A_343 : i32 to vector<16xi32>
          %shift_right_logical3A_345 = arith.shrui %add3A_342, %shift_right_logical3A_344 : vector<16xi32>
          %add3A_346 = arith.constant 64 : i32
          %add3A_347 = arith.addi %add3A_346, %mul3A_253 : i32
          %swap3A_348 = arith.index_cast %add3A_347 : i32 to index
          %swap3A_349 = tpu.vector_load %arg14[%swap3A_348] {strides = array<i32>} : memref<512xi32, #tpu.memory_space<vmem>>, vector<16xi32>,
          tpu.vector_store %arg14[%swap3A_348], %shift_right_logical3A_345 {strides = array<i32>} : memref<512xi32, #tpu.memory_space<vmem>>, vector<16xi32>,
          %add3A_350 = arith.constant 1 : i32
          %add3A_351 = vector.broadcast %add3A_350 : i32 to vector<16xi32>
          %add3A_352 = arith.addi %shift_right_logical3A_345, %add3A_351 : vector<16xi32>
          %add3A_353 = arith.constant 32 : i32
          %add3A_354 = arith.addi %add3A_347, %add3A_353 : i32
          %swap3A_355 = arith.index_cast %add3A_354 : i32 to index
          %swap3A_356 = tpu.vector_load %arg14[%swap3A_355] {strides = array<i32>} : memref<512xi32, #tpu.memory_space<vmem>>, vector<16xi32>,
          tpu.vector_store %arg14[%swap3A_355], %add3A_352 {strides = array<i32>} : memref<512xi32, #tpu.memory_space<vmem>>, vector<16xi32>,
          %and3A_357 = arith.constant 1 : i32
          %and3A_358 = vector.broadcast %and3A_357 : i32 to vector<16xi32>
          %and3A_359 = arith.andi %add3A_342, %and3A_358 : vector<16xi32>
          %add3A_360 = arith.constant 32 : i32
          %add3A_361 = arith.addi %add3A_360, %mul3A_253 : i32
          %swap3A_362 = arith.index_cast %add3A_361 : i32 to index
          %swap3A_363 = tpu.vector_load %arg13[%swap3A_362] {strides = array<i32>} : memref<256xi32, #tpu.memory_space<vmem>>, vector<16xi32>,
          tpu.vector_store %arg13[%swap3A_362], %and3A_359 {strides = array<i32>} : memref<256xi32, #tpu.memory_space<vmem>>, vector<16xi32>,
          %add3A_364 = arith.constant 25600 : i32
          %add3A_365 = vector.broadcast %add3A_364 : i32 to vector<16xi32>
          %add3A_366 = arith.addi %add3A_317, %add3A_365 : vector<16xi32>
          %shift_right_logical3A_367 = arith.constant 1 : i32
          %shift_right_logical3A_368 = vector.broadcast %shift_right_logical3A_367 : i32 to vector<16xi32>
          %shift_right_logical3A_369 = arith.shrui %add3A_366, %shift_right_logical3A_368 : vector<16xi32>
          %add3A_370 = arith.constant 128 : i32
          %add3A_371 = arith.addi %add3A_370, %mul3A_253 : i32
          %swap3A_372 = arith.index_cast %add3A_371 : i32 to index
          %swap3A_373 = tpu.vector_load %arg14[%swap3A_372] {strides = array<i32>} : memref<512xi32, #tpu.memory_space<vmem>>, vector<16xi32>,
          tpu.vector_store %arg14[%swap3A_372], %shift_right_logical3A_369 {strides = array<i32>} : memref<512xi32, #tpu.memory_space<vmem>>, vector<16xi32>,
          %add3A_374 = arith.constant 1 : i32
          %add3A_375 = vector.broadcast %add3A_374 : i32 to vector<16xi32>
          %add3A_376 = arith.addi %shift_right_logical3A_369, %add3A_375 : vector<16xi32>
          %add3A_377 = arith.constant 32 : i32
          %add3A_378 = arith.addi %add3A_371, %add3A_377 : i32
          %swap3A_379 = arith.index_cast %add3A_378 : i32 to index
          %swap3A_380 = tpu.vector_load %arg14[%swap3A_379] {strides = array<i32>} : memref<512xi32, #tpu.memory_space<vmem>>, vector<16xi32>,
          tpu.vector_store %arg14[%swap3A_379], %add3A_376 {strides = array<i32>} : memref<512xi32, #tpu.memory_space<vmem>>, vector<16xi32>,
          %and3A_381 = arith.constant 1 : i32
          %and3A_382 = vector.broadcast %and3A_381 : i32 to vector<16xi32>
          %and3A_383 = arith.andi %add3A_366, %and3A_382 : vector<16xi32>
          %add3A_384 = arith.constant 64 : i32
          %add3A_385 = arith.addi %add3A_384, %mul3A_253 : i32
          %swap3A_386 = arith.index_cast %add3A_385 : i32 to index
          %swap3A_387 = tpu.vector_load %arg13[%swap3A_386] {strides = array<i32>} : memref<256xi32, #tpu.memory_space<vmem>>, vector<16xi32>,
          tpu.vector_store %arg13[%swap3A_386], %and3A_383 {strides = array<i32>} : memref<256xi32, #tpu.memory_space<vmem>>, vector<16xi32>,
          %add3A_388 = arith.constant 25760 : i32
          %add3A_389 = vector.broadcast %add3A_388 : i32 to vector<16xi32>
          %add3A_390 = arith.addi %add3A_317, %add3A_389 : vector<16xi32>
          %shift_right_logical3A_391 = arith.constant 1 : i32
          %shift_right_logical3A_392 = vector.broadcast %shift_right_logical3A_391 : i32 to vector<16xi32>
          %shift_right_logical3A_393 = arith.shrui %add3A_390, %shift_right_logical3A_392 : vector<16xi32>
          %add3A_394 = arith.constant 192 : i32
          %add3A_395 = arith.addi %add3A_394, %mul3A_253 : i32
          %swap3A_396 = arith.index_cast %add3A_395 : i32 to index
          %swap3A_397 = tpu.vector_load %arg14[%swap3A_396] {strides = array<i32>} : memref<512xi32, #tpu.memory_space<vmem>>, vector<16xi32>,
          tpu.vector_store %arg14[%swap3A_396], %shift_right_logical3A_393 {strides = array<i32>} : memref<512xi32, #tpu.memory_space<vmem>>, vector<16xi32>,
          %add3A_398 = arith.constant 1 : i32
          %add3A_399 = vector.broadcast %add3A_398 : i32 to vector<16xi32>
          %add3A_400 = arith.addi %shift_right_logical3A_393, %add3A_399 : vector<16xi32>
          %add3A_401 = arith.constant 32 : i32
          %add3A_402 = arith.addi %add3A_395, %add3A_401 : i32
          %swap3A_403 = arith.index_cast %add3A_402 : i32 to index
          %swap3A_404 = tpu.vector_load %arg14[%swap3A_403] {strides = array<i32>} : memref<512xi32, #tpu.memory_space<vmem>>, vector<16xi32>,
          tpu.vector_store %arg14[%swap3A_403], %add3A_400 {strides = array<i32>} : memref<512xi32, #tpu.memory_space<vmem>>, vector<16xi32>,
          %and3A_405 = arith.constant 1 : i32
          %and3A_406 = vector.broadcast %and3A_405 : i32 to vector<16xi32>
          %and3A_407 = arith.andi %add3A_390, %and3A_406 : vector<16xi32>
          %add3A_408 = arith.constant 96 : i32
          %add3A_409 = arith.addi %add3A_408, %mul3A_253 : i32
          %swap3A_410 = arith.index_cast %add3A_409 : i32 to index
          %swap3A_411 = tpu.vector_load %arg13[%swap3A_410] {strides = array<i32>} : memref<256xi32, #tpu.memory_space<vmem>>, vector<16xi32>,
          tpu.vector_store %arg13[%swap3A_410], %and3A_407 {strides = array<i32>} : memref<256xi32, #tpu.memory_space<vmem>>, vector<16xi32>,
        }
        %scan3A_242 = arith.constant 2 : i32
        %dma_start3A_243 = arith.constant 0 : i32
        %dma_start3A_244 = arith.constant 0 : i32
        %dma_start3A_245 = tpu.memref_slice %arg15[%dma_start3A_243, %dma_start3A_244] : memref<512x128xf32, #tpu.memory_space<vmem>> -> memref<256x128xf32, #tpu.memory_space<vmem>>
        %dma_start3A_246 = arith.constant 0 : i32
        %dma_start3A_247 = tpu.memref_slice %arg14[%dma_start3A_246] : memref<512xi32, #tpu.memory_space<vmem>> -> memref<256xi32, #tpu.memory_space<vmem>>
        %dma_start3A_248 = arith.constant 0 : i32
        %dma_start3A_249 = arith.constant 0 : i32
        %dma_start3A_250 = tpu.memref_slice %arg5[%dma_start3A_248, %dma_start3A_249] : memref<2048000x128xf32, #tpu.memory_space<hbm>> -> memref<2048000x128xf32, #tpu.memory_space<hbm>>
        tpu.enqueue_indirect_dma source(%dma_start3A_250 : memref<2048000x128xf32, #tpu.memory_space<hbm>>) target(%dma_start3A_245 : memref<256x128xf32, #tpu.memory_space<vmem>>) offsets(%dma_start3A_247 : memref<256xi32, #tpu.memory_space<vmem>>) semaphore(%arg19 : memref<!tpu.dma_semaphore, #tpu.memory_space<semaphore_mem>>)
      } else {
      }
      %add3A_179 = arith.constant 3 : i32
      %add3A_180 = arith.addi %add3A_171, %add3A_179 : i32
      %lt3A_181 = arith.constant 1024 : i32
      %lt3A_182 = arith.cmpi slt, %add3A_180, %lt3A_181 : i32
      %convert_element_type3A_183 = arith.extui %lt3A_182 : i1 to i32
      %cond3A_184 = arith.constant 0 : i32
      %cond3A_185 = arith.cmpi ne, %convert_element_type3A_183, %cond3A_184 : i32
      scf.if %cond3A_185 {
        %mul3A_217 = arith.constant 32 : i32
        %mul3A_218 = arith.muli %add3A_180, %mul3A_217 : i32
        %add3A_219 = arith.addi %mul3A_2, %mul3A_218 : i32
        %dma_start3A_220 = arith.constant 0 : i32
        %dma_start3A_221 = tpu.memref_slice %arg7[%dma_start3A_220] : memref<64xf32, #tpu.memory_space<vmem>> -> memref<32xf32, #tpu.memory_space<vmem>>
        %dma_start3A_222 = tpu.memref_slice %arg2[%add3A_219] : memref<1048576xf32, #tpu.memory_space<hbm>> -> memref<32xf32, #tpu.memory_space<hbm>>
        %dma_start3A_223 = arith.constant 0 : i32
        %dma_start3A_224 = tpu.memref_slice %arg7[%dma_start3A_223] : memref<64xf32, #tpu.memory_space<vmem>> -> memref<32xf32, #tpu.memory_space<vmem>>
        %dma_start3A_225 = tpu.memref_slice %arg2[%add3A_219] : memref<1048576xf32, #tpu.memory_space<hbm>> -> memref<32xf32, #tpu.memory_space<hbm>>
        tpu.enqueue_dma source(%dma_start3A_225 : memref<32xf32, #tpu.memory_space<hbm>>) target(%dma_start3A_224 : memref<32xf32, #tpu.memory_space<vmem>>) target_semaphore(%arg17 : memref<!tpu.dma_semaphore, #tpu.memory_space<semaphore_mem>>)
        %dma_start3A_226 = arith.constant 0 : i32
        %dma_start3A_227 = tpu.memref_slice %arg8[%dma_start3A_226] : memref<64xf32, #tpu.memory_space<vmem>> -> memref<32xf32, #tpu.memory_space<vmem>>
        %dma_start3A_228 = tpu.memref_slice %arg3[%add3A_219] : memref<1048576xf32, #tpu.memory_space<hbm>> -> memref<32xf32, #tpu.memory_space<hbm>>
        %dma_start3A_229 = arith.constant 0 : i32
        %dma_start3A_230 = tpu.memref_slice %arg8[%dma_start3A_229] : memref<64xf32, #tpu.memory_space<vmem>> -> memref<32xf32, #tpu.memory_space<vmem>>
        %dma_start3A_231 = tpu.memref_slice %arg3[%add3A_219] : memref<1048576xf32, #tpu.memory_space<hbm>> -> memref<32xf32, #tpu.memory_space<hbm>>
        tpu.enqueue_dma source(%dma_start3A_231 : memref<32xf32, #tpu.memory_space<hbm>>) target(%dma_start3A_230 : memref<32xf32, #tpu.memory_space<vmem>>) target_semaphore(%arg17 : memref<!tpu.dma_semaphore, #tpu.memory_space<semaphore_mem>>)
        %dma_start3A_232 = arith.constant 0 : i32
        %dma_start3A_233 = tpu.memref_slice %arg9[%dma_start3A_232] : memref<64xf32, #tpu.memory_space<vmem>> -> memref<32xf32, #tpu.memory_space<vmem>>
        %dma_start3A_234 = tpu.memref_slice %arg4[%add3A_219] : memref<1048576xf32, #tpu.memory_space<hbm>> -> memref<32xf32, #tpu.memory_space<hbm>>
        %dma_start3A_235 = arith.constant 0 : i32
        %dma_start3A_236 = tpu.memref_slice %arg9[%dma_start3A_235] : memref<64xf32, #tpu.memory_space<vmem>> -> memref<32xf32, #tpu.memory_space<vmem>>
        %dma_start3A_237 = tpu.memref_slice %arg4[%add3A_219] : memref<1048576xf32, #tpu.memory_space<hbm>> -> memref<32xf32, #tpu.memory_space<hbm>>
        tpu.enqueue_dma source(%dma_start3A_237 : memref<32xf32, #tpu.memory_space<hbm>>) target(%dma_start3A_236 : memref<32xf32, #tpu.memory_space<vmem>>) target_semaphore(%arg17 : memref<!tpu.dma_semaphore, #tpu.memory_space<semaphore_mem>>)
      } else {
      }
      %mul3A_186 = arith.constant 32 : i32
      %mul3A_187 = arith.muli %add3A_171, %mul3A_186 : i32
      %add3A_188 = arith.addi %mul3A_2, %mul3A_187 : i32
      %dma_wait3A_189 = arith.constant 256 : i32
      %dma_wait3A_190 = arith.constant 0 : i32
      %dma_wait3A_191 = tpu.memref_slice %arg15[%dma_wait3A_189, %dma_wait3A_190] : memref<512x128xf32, #tpu.memory_space<vmem>> -> memref<256x128xf32, #tpu.memory_space<vmem>>
      %dma_wait3A_192 = arith.constant 256 : i32
      %dma_wait3A_193 = tpu.memref_slice %arg14[%dma_wait3A_192] : memref<512xi32, #tpu.memory_space<vmem>> -> memref<256xi32, #tpu.memory_space<vmem>>
      %dma_wait3A_194 = arith.constant 0 : i32
      %dma_wait3A_195 = arith.constant 0 : i32
      %dma_wait3A_196 = tpu.memref_slice %arg5[%dma_wait3A_194, %dma_wait3A_195] : memref<2048000x128xf32, #tpu.memory_space<hbm>> -> memref<2048000x128xf32, #tpu.memory_space<hbm>>
      tpu.wait_indirect_dma semaphore(%arg20 : memref<!tpu.dma_semaphore, #tpu.memory_space<semaphore_mem>>) src(%dma_wait3A_196 : memref<2048000x128xf32, #tpu.memory_space<hbm>>) dst(%dma_wait3A_191 : memref<256x128xf32, #tpu.memory_space<vmem>>)
      %ge3A_197 = arith.constant 2 : i32
      %ge3A_198 = arith.cmpi sge, %add3A_171, %ge3A_197 : i32
      %convert_element_type3A_199 = arith.extui %ge3A_198 : i1 to i32
      %cond3A_200 = arith.constant 0 : i32
      %cond3A_201 = arith.cmpi ne, %convert_element_type3A_199, %cond3A_200 : i32
      scf.if %cond3A_201 {
        %dma_wait3A_217 = arith.constant 32 : i32
        %dma_wait3A_218 = arith.constant 0 : i32
        %dma_wait3A_219 = tpu.memref_slice %arg16[%dma_wait3A_217, %dma_wait3A_218] : memref<64x12xf32, #tpu.memory_space<vmem>> -> memref<32x12xf32, #tpu.memory_space<vmem>>
        %dma_wait3A_220 = arith.constant 0 : i32
        %dma_wait3A_221 = arith.constant 0 : i32
        %dma_wait3A_222 = tpu.memref_slice %arg6[%dma_wait3A_220, %dma_wait3A_221] : memref<1048576x12xf32, #tpu.memory_space<hbm>> -> memref<32x12xf32, #tpu.memory_space<hbm>>
        %dma_wait3A_223 = arith.constant 0 : i32
        %dma_wait3A_224 = arith.constant 0 : i32
        %dma_wait3A_225 = tpu.memref_slice %arg6[%dma_wait3A_223, %dma_wait3A_224] : memref<1048576x12xf32, #tpu.memory_space<hbm>> -> memref<32x12xf32, #tpu.memory_space<hbm>>
        %dma_wait3A_226 = arith.constant 32 : i32
        %dma_wait3A_227 = arith.constant 0 : i32
        %dma_wait3A_228 = tpu.memref_slice %arg16[%dma_wait3A_226, %dma_wait3A_227] : memref<64x12xf32, #tpu.memory_space<vmem>> -> memref<32x12xf32, #tpu.memory_space<vmem>>
        tpu.wait_dma2 semaphore(%arg22 : memref<!tpu.dma_semaphore, #tpu.memory_space<semaphore_mem>>) src(%dma_wait3A_228 : memref<32x12xf32, #tpu.memory_space<vmem>>) dst(%dma_wait3A_225 : memref<32x12xf32, #tpu.memory_space<hbm>>)
      } else {
      }
      %scan3A_202 = arith.constant 0 : i32
      %scan3A_203 = arith.constant 2 : i32
      %scan3A_204 = arith.addi %scan3A_202, %scan3A_203 : i32
      %scan3A_205 = arith.constant 1 : i32
      scf.for %scan3A_217 = %scan3A_202 to %scan3A_204 step %scan3A_205  : i32 {
        %mul3A_218 = arith.constant 16 : i32
        %mul3A_219 = arith.muli %scan3A_217, %mul3A_218 : i32
        %add3A_220 = arith.constant 32 : i32
        %add3A_221 = arith.addi %add3A_220, %mul3A_219 : i32
        %get3A = arith.index_cast %add3A_221 : i32 to index
        %get3A_222 = tpu.vector_load %arg10[%get3A] {strides = array<i32>} : memref<64xf32, #tpu.memory_space<vmem>>, vector<16xf32>,
        %get3A_223 = arith.index_cast %add3A_221 : i32 to index
        %get3A_224 = tpu.vector_load %arg11[%get3A_223] {strides = array<i32>} : memref<64xf32, #tpu.memory_space<vmem>>, vector<16xf32>,
        %get3A_225 = arith.index_cast %add3A_221 : i32 to index
        %get3A_226 = tpu.vector_load %arg12[%get3A_225] {strides = array<i32>} : memref<64xf32, #tpu.memory_space<vmem>>, vector<16xf32>,
        %sub3A = arith.constant 1.000000e+00 : f32
        %sub3A_227 = vector.broadcast %sub3A : f32 to vector<16xf32>
        %sub3A_228 = arith.subf %sub3A_227, %get3A_222 : vector<16xf32>
        %sub3A_229 = arith.constant 1.000000e+00 : f32
        %sub3A_230 = vector.broadcast %sub3A_229 : f32 to vector<16xf32>
        %sub3A_231 = arith.subf %sub3A_230, %get3A_224 : vector<16xf32>
        %sub3A_232 = arith.constant 1.000000e+00 : f32
        %sub3A_233 = vector.broadcast %sub3A_232 : f32 to vector<16xf32>
        %sub3A_234 = arith.subf %sub3A_233, %get3A_226 : vector<16xf32>
        %mul3A_235 = arith.mulf %sub3A_228, %sub3A_231 : vector<16xf32>
        %mul3A_236 = arith.mulf %sub3A_228, %get3A_224 : vector<16xf32>
        %mul3A_237 = arith.mulf %get3A_222, %sub3A_231 : vector<16xf32>
        %mul3A_238 = arith.mulf %get3A_222, %get3A_224 : vector<16xf32>
        %mul3A_239 = arith.mulf %mul3A_235, %sub3A_234 : vector<16xf32>
        %mul3A_240 = arith.mulf %mul3A_235, %get3A_226 : vector<16xf32>
        %mul3A_241 = arith.mulf %mul3A_236, %sub3A_234 : vector<16xf32>
        %mul3A_242 = arith.mulf %mul3A_236, %get3A_226 : vector<16xf32>
        %mul3A_243 = arith.mulf %mul3A_237, %sub3A_234 : vector<16xf32>
        %mul3A_244 = arith.mulf %mul3A_237, %get3A_226 : vector<16xf32>
        %mul3A_245 = arith.mulf %mul3A_238, %sub3A_234 : vector<16xf32>
        %mul3A_246 = arith.mulf %mul3A_238, %get3A_226 : vector<16xf32>
        %add3A_247 = vector.broadcast %mul3A_219 : i32 to vector<16xi32>
        %add3A_248 = arith.addi %add3A_247, %iota3A : vector<16xi32>
        %add3A_249 = arith.constant 128 : i32
        %add3A_250 = arith.addi %add3A_249, %mul3A_219 : i32
        %get3A_251 = arith.index_cast %add3A_250 : i32 to index
        %get3A_252 = tpu.vector_load %arg13[%get3A_251] {strides = array<i32>} : memref<256xi32, #tpu.memory_space<vmem>>, vector<16xi32>,
        %mul3A_253 = arith.constant 12 : i32
        %mul3A_254 = vector.broadcast %mul3A_253 : i32 to vector<16xi32>
        %mul3A_255 = arith.muli %get3A_252, %mul3A_254 : vector<16xi32>
        %sub3A_256 = arith.constant 12 : i32
        %sub3A_257 = vector.broadcast %sub3A_256 : i32 to vector<16xi32>
        %sub3A_258 = arith.subi %sub3A_257, %mul3A_255 : vector<16xi32>
        %add3A_259 = arith.constant 256 : i32
        %add3A_260 = vector.broadcast %add3A_259 : i32 to vector<16xi32>
        %add3A_261 = arith.addi %add3A_260, %add3A_248 : vector<16xi32>
        %mul3A_262 = arith.constant 32 : i32
        %mul3A_263 = vector.broadcast %mul3A_262 : i32 to vector<16xi32>
        %mul3A_264 = arith.muli %get3A_252, %mul3A_263 : vector<16xi32>
        %add3A_265 = arith.addi %add3A_261, %mul3A_264 : vector<16xi32>
        %add3A_266 = arith.constant 0 : i32
        %add3A_267 = vector.broadcast %add3A_266 : i32 to vector<16xi32>
        %add3A_268 = arith.addi %mul3A_255, %add3A_267 : vector<16xi32>
        %gather3A = tpu.vector_load_idx %arg15[%add3A_261, %add3A_268] : memref<512x128xf32, #tpu.memory_space<vmem>>[vector<16xi32>, vector<16xi32>], vector<16xf32>,
        %mul3A_269 = arith.mulf %mul3A_239, %gather3A : vector<16xf32>
        %add3A_270 = arith.constant 1 : i32
        %add3A_271 = vector.broadcast %add3A_270 : i32 to vector<16xi32>
        %add3A_272 = arith.addi %mul3A_255, %add3A_271 : vector<16xi32>
        %gather3A_273 = tpu.vector_load_idx %arg15[%add3A_261, %add3A_272] : memref<512x128xf32, #tpu.memory_space<vmem>>[vector<16xi32>, vector<16xi32>], vector<16xf32>,
        %mul3A_274 = arith.mulf %mul3A_239, %gather3A_273 : vector<16xf32>
        %add3A_275 = arith.constant 2 : i32
        %add3A_276 = vector.broadcast %add3A_275 : i32 to vector<16xi32>
        %add3A_277 = arith.addi %mul3A_255, %add3A_276 : vector<16xi32>
        %gather3A_278 = tpu.vector_load_idx %arg15[%add3A_261, %add3A_277] : memref<512x128xf32, #tpu.memory_space<vmem>>[vector<16xi32>, vector<16xi32>], vector<16xf32>,
        %mul3A_279 = arith.mulf %mul3A_239, %gather3A_278 : vector<16xf32>
        %add3A_280 = arith.constant 3 : i32
        %add3A_281 = vector.broadcast %add3A_280 : i32 to vector<16xi32>
        %add3A_282 = arith.addi %mul3A_255, %add3A_281 : vector<16xi32>
        %gather3A_283 = tpu.vector_load_idx %arg15[%add3A_261, %add3A_282] : memref<512x128xf32, #tpu.memory_space<vmem>>[vector<16xi32>, vector<16xi32>], vector<16xf32>,
        %mul3A_284 = arith.mulf %mul3A_239, %gather3A_283 : vector<16xf32>
        %add3A_285 = arith.constant 4 : i32
        %add3A_286 = vector.broadcast %add3A_285 : i32 to vector<16xi32>
        %add3A_287 = arith.addi %mul3A_255, %add3A_286 : vector<16xi32>
        %gather3A_288 = tpu.vector_load_idx %arg15[%add3A_261, %add3A_287] : memref<512x128xf32, #tpu.memory_space<vmem>>[vector<16xi32>, vector<16xi32>], vector<16xf32>,
        %mul3A_289 = arith.mulf %mul3A_239, %gather3A_288 : vector<16xf32>
        %add3A_290 = arith.constant 5 : i32
        %add3A_291 = vector.broadcast %add3A_290 : i32 to vector<16xi32>
        %add3A_292 = arith.addi %mul3A_255, %add3A_291 : vector<16xi32>
        %gather3A_293 = tpu.vector_load_idx %arg15[%add3A_261, %add3A_292] : memref<512x128xf32, #tpu.memory_space<vmem>>[vector<16xi32>, vector<16xi32>], vector<16xf32>,
        %mul3A_294 = arith.mulf %mul3A_239, %gather3A_293 : vector<16xf32>
        %add3A_295 = arith.constant 6 : i32
        %add3A_296 = vector.broadcast %add3A_295 : i32 to vector<16xi32>
        %add3A_297 = arith.addi %mul3A_255, %add3A_296 : vector<16xi32>
        %gather3A_298 = tpu.vector_load_idx %arg15[%add3A_261, %add3A_297] : memref<512x128xf32, #tpu.memory_space<vmem>>[vector<16xi32>, vector<16xi32>], vector<16xf32>,
        %mul3A_299 = arith.mulf %mul3A_239, %gather3A_298 : vector<16xf32>
        %add3A_300 = arith.constant 7 : i32
        %add3A_301 = vector.broadcast %add3A_300 : i32 to vector<16xi32>
        %add3A_302 = arith.addi %mul3A_255, %add3A_301 : vector<16xi32>
        %gather3A_303 = tpu.vector_load_idx %arg15[%add3A_261, %add3A_302] : memref<512x128xf32, #tpu.memory_space<vmem>>[vector<16xi32>, vector<16xi32>], vector<16xf32>,
        %mul3A_304 = arith.mulf %mul3A_239, %gather3A_303 : vector<16xf32>
        %add3A_305 = arith.constant 8 : i32
        %add3A_306 = vector.broadcast %add3A_305 : i32 to vector<16xi32>
        %add3A_307 = arith.addi %mul3A_255, %add3A_306 : vector<16xi32>
        %gather3A_308 = tpu.vector_load_idx %arg15[%add3A_261, %add3A_307] : memref<512x128xf32, #tpu.memory_space<vmem>>[vector<16xi32>, vector<16xi32>], vector<16xf32>,
        %mul3A_309 = arith.mulf %mul3A_239, %gather3A_308 : vector<16xf32>
        %add3A_310 = arith.constant 9 : i32
        %add3A_311 = vector.broadcast %add3A_310 : i32 to vector<16xi32>
        %add3A_312 = arith.addi %mul3A_255, %add3A_311 : vector<16xi32>
        %gather3A_313 = tpu.vector_load_idx %arg15[%add3A_261, %add3A_312] : memref<512x128xf32, #tpu.memory_space<vmem>>[vector<16xi32>, vector<16xi32>], vector<16xf32>,
        %mul3A_314 = arith.mulf %mul3A_239, %gather3A_313 : vector<16xf32>
        %add3A_315 = arith.constant 10 : i32
        %add3A_316 = vector.broadcast %add3A_315 : i32 to vector<16xi32>
        %add3A_317 = arith.addi %mul3A_255, %add3A_316 : vector<16xi32>
        %gather3A_318 = tpu.vector_load_idx %arg15[%add3A_261, %add3A_317] : memref<512x128xf32, #tpu.memory_space<vmem>>[vector<16xi32>, vector<16xi32>], vector<16xf32>,
        %mul3A_319 = arith.mulf %mul3A_239, %gather3A_318 : vector<16xf32>
        %add3A_320 = arith.constant 11 : i32
        %add3A_321 = vector.broadcast %add3A_320 : i32 to vector<16xi32>
        %add3A_322 = arith.addi %mul3A_255, %add3A_321 : vector<16xi32>
        %gather3A_323 = tpu.vector_load_idx %arg15[%add3A_261, %add3A_322] : memref<512x128xf32, #tpu.memory_space<vmem>>[vector<16xi32>, vector<16xi32>], vector<16xf32>,
        %mul3A_324 = arith.mulf %mul3A_239, %gather3A_323 : vector<16xf32>
        %add3A_325 = arith.constant 0 : i32
        %add3A_326 = vector.broadcast %add3A_325 : i32 to vector<16xi32>
        %add3A_327 = arith.addi %sub3A_258, %add3A_326 : vector<16xi32>
        %gather3A_328 = tpu.vector_load_idx %arg15[%add3A_265, %add3A_327] : memref<512x128xf32, #tpu.memory_space<vmem>>[vector<16xi32>, vector<16xi32>], vector<16xf32>,
        %mul3A_329 = arith.mulf %mul3A_240, %gather3A_328 : vector<16xf32>
        %add3A_330 = arith.addf %mul3A_269, %mul3A_329 : vector<16xf32>
        %add3A_331 = arith.constant 1 : i32
        %add3A_332 = vector.broadcast %add3A_331 : i32 to vector<16xi32>
        %add3A_333 = arith.addi %sub3A_258, %add3A_332 : vector<16xi32>
        %gather3A_334 = tpu.vector_load_idx %arg15[%add3A_265, %add3A_333] : memref<512x128xf32, #tpu.memory_space<vmem>>[vector<16xi32>, vector<16xi32>], vector<16xf32>,
        %mul3A_335 = arith.mulf %mul3A_240, %gather3A_334 : vector<16xf32>
        %add3A_336 = arith.addf %mul3A_274, %mul3A_335 : vector<16xf32>
        %add3A_337 = arith.constant 2 : i32
        %add3A_338 = vector.broadcast %add3A_337 : i32 to vector<16xi32>
        %add3A_339 = arith.addi %sub3A_258, %add3A_338 : vector<16xi32>
        %gather3A_340 = tpu.vector_load_idx %arg15[%add3A_265, %add3A_339] : memref<512x128xf32, #tpu.memory_space<vmem>>[vector<16xi32>, vector<16xi32>], vector<16xf32>,
        %mul3A_341 = arith.mulf %mul3A_240, %gather3A_340 : vector<16xf32>
        %add3A_342 = arith.addf %mul3A_279, %mul3A_341 : vector<16xf32>
        %add3A_343 = arith.constant 3 : i32
        %add3A_344 = vector.broadcast %add3A_343 : i32 to vector<16xi32>
        %add3A_345 = arith.addi %sub3A_258, %add3A_344 : vector<16xi32>
        %gather3A_346 = tpu.vector_load_idx %arg15[%add3A_265, %add3A_345] : memref<512x128xf32, #tpu.memory_space<vmem>>[vector<16xi32>, vector<16xi32>], vector<16xf32>,
        %mul3A_347 = arith.mulf %mul3A_240, %gather3A_346 : vector<16xf32>
        %add3A_348 = arith.addf %mul3A_284, %mul3A_347 : vector<16xf32>
        %add3A_349 = arith.constant 4 : i32
        %add3A_350 = vector.broadcast %add3A_349 : i32 to vector<16xi32>
        %add3A_351 = arith.addi %sub3A_258, %add3A_350 : vector<16xi32>
        %gather3A_352 = tpu.vector_load_idx %arg15[%add3A_265, %add3A_351] : memref<512x128xf32, #tpu.memory_space<vmem>>[vector<16xi32>, vector<16xi32>], vector<16xf32>,
        %mul3A_353 = arith.mulf %mul3A_240, %gather3A_352 : vector<16xf32>
        %add3A_354 = arith.addf %mul3A_289, %mul3A_353 : vector<16xf32>
        %add3A_355 = arith.constant 5 : i32
        %add3A_356 = vector.broadcast %add3A_355 : i32 to vector<16xi32>
        %add3A_357 = arith.addi %sub3A_258, %add3A_356 : vector<16xi32>
        %gather3A_358 = tpu.vector_load_idx %arg15[%add3A_265, %add3A_357] : memref<512x128xf32, #tpu.memory_space<vmem>>[vector<16xi32>, vector<16xi32>], vector<16xf32>,
        %mul3A_359 = arith.mulf %mul3A_240, %gather3A_358 : vector<16xf32>
        %add3A_360 = arith.addf %mul3A_294, %mul3A_359 : vector<16xf32>
        %add3A_361 = arith.constant 6 : i32
        %add3A_362 = vector.broadcast %add3A_361 : i32 to vector<16xi32>
        %add3A_363 = arith.addi %sub3A_258, %add3A_362 : vector<16xi32>
        %gather3A_364 = tpu.vector_load_idx %arg15[%add3A_265, %add3A_363] : memref<512x128xf32, #tpu.memory_space<vmem>>[vector<16xi32>, vector<16xi32>], vector<16xf32>,
        %mul3A_365 = arith.mulf %mul3A_240, %gather3A_364 : vector<16xf32>
        %add3A_366 = arith.addf %mul3A_299, %mul3A_365 : vector<16xf32>
        %add3A_367 = arith.constant 7 : i32
        %add3A_368 = vector.broadcast %add3A_367 : i32 to vector<16xi32>
        %add3A_369 = arith.addi %sub3A_258, %add3A_368 : vector<16xi32>
        %gather3A_370 = tpu.vector_load_idx %arg15[%add3A_265, %add3A_369] : memref<512x128xf32, #tpu.memory_space<vmem>>[vector<16xi32>, vector<16xi32>], vector<16xf32>,
        %mul3A_371 = arith.mulf %mul3A_240, %gather3A_370 : vector<16xf32>
        %add3A_372 = arith.addf %mul3A_304, %mul3A_371 : vector<16xf32>
        %add3A_373 = arith.constant 8 : i32
        %add3A_374 = vector.broadcast %add3A_373 : i32 to vector<16xi32>
        %add3A_375 = arith.addi %sub3A_258, %add3A_374 : vector<16xi32>
        %gather3A_376 = tpu.vector_load_idx %arg15[%add3A_265, %add3A_375] : memref<512x128xf32, #tpu.memory_space<vmem>>[vector<16xi32>, vector<16xi32>], vector<16xf32>,
        %mul3A_377 = arith.mulf %mul3A_240, %gather3A_376 : vector<16xf32>
        %add3A_378 = arith.addf %mul3A_309, %mul3A_377 : vector<16xf32>
        %add3A_379 = arith.constant 9 : i32
        %add3A_380 = vector.broadcast %add3A_379 : i32 to vector<16xi32>
        %add3A_381 = arith.addi %sub3A_258, %add3A_380 : vector<16xi32>
        %gather3A_382 = tpu.vector_load_idx %arg15[%add3A_265, %add3A_381] : memref<512x128xf32, #tpu.memory_space<vmem>>[vector<16xi32>, vector<16xi32>], vector<16xf32>,
        %mul3A_383 = arith.mulf %mul3A_240, %gather3A_382 : vector<16xf32>
        %add3A_384 = arith.addf %mul3A_314, %mul3A_383 : vector<16xf32>
        %add3A_385 = arith.constant 10 : i32
        %add3A_386 = vector.broadcast %add3A_385 : i32 to vector<16xi32>
        %add3A_387 = arith.addi %sub3A_258, %add3A_386 : vector<16xi32>
        %gather3A_388 = tpu.vector_load_idx %arg15[%add3A_265, %add3A_387] : memref<512x128xf32, #tpu.memory_space<vmem>>[vector<16xi32>, vector<16xi32>], vector<16xf32>,
        %mul3A_389 = arith.mulf %mul3A_240, %gather3A_388 : vector<16xf32>
        %add3A_390 = arith.addf %mul3A_319, %mul3A_389 : vector<16xf32>
        %add3A_391 = arith.constant 11 : i32
        %add3A_392 = vector.broadcast %add3A_391 : i32 to vector<16xi32>
        %add3A_393 = arith.addi %sub3A_258, %add3A_392 : vector<16xi32>
        %gather3A_394 = tpu.vector_load_idx %arg15[%add3A_265, %add3A_393] : memref<512x128xf32, #tpu.memory_space<vmem>>[vector<16xi32>, vector<16xi32>], vector<16xf32>,
        %mul3A_395 = arith.mulf %mul3A_240, %gather3A_394 : vector<16xf32>
        %add3A_396 = arith.addf %mul3A_324, %mul3A_395 : vector<16xf32>
        %add3A_397 = arith.constant 160 : i32
        %add3A_398 = arith.addi %add3A_397, %mul3A_219 : i32
        %get3A_399 = arith.index_cast %add3A_398 : i32 to index
        %get3A_400 = tpu.vector_load %arg13[%get3A_399] {strides = array<i32>} : memref<256xi32, #tpu.memory_space<vmem>>, vector<16xi32>,
        %mul3A_401 = arith.constant 12 : i32
        %mul3A_402 = vector.broadcast %mul3A_401 : i32 to vector<16xi32>
        %mul3A_403 = arith.muli %get3A_400, %mul3A_402 : vector<16xi32>
        %sub3A_404 = arith.constant 12 : i32
        %sub3A_405 = vector.broadcast %sub3A_404 : i32 to vector<16xi32>
        %sub3A_406 = arith.subi %sub3A_405, %mul3A_403 : vector<16xi32>
        %add3A_407 = arith.constant 320 : i32
        %add3A_408 = vector.broadcast %add3A_407 : i32 to vector<16xi32>
        %add3A_409 = arith.addi %add3A_408, %add3A_248 : vector<16xi32>
        %mul3A_410 = arith.constant 32 : i32
        %mul3A_411 = vector.broadcast %mul3A_410 : i32 to vector<16xi32>
        %mul3A_412 = arith.muli %get3A_400, %mul3A_411 : vector<16xi32>
        %add3A_413 = arith.addi %add3A_409, %mul3A_412 : vector<16xi32>
        %add3A_414 = arith.constant 0 : i32
        %add3A_415 = vector.broadcast %add3A_414 : i32 to vector<16xi32>
        %add3A_416 = arith.addi %mul3A_403, %add3A_415 : vector<16xi32>
        %gather3A_417 = tpu.vector_load_idx %arg15[%add3A_409, %add3A_416] : memref<512x128xf32, #tpu.memory_space<vmem>>[vector<16xi32>, vector<16xi32>], vector<16xf32>,
        %mul3A_418 = arith.mulf %mul3A_241, %gather3A_417 : vector<16xf32>
        %add3A_419 = arith.addf %add3A_330, %mul3A_418 : vector<16xf32>
        %add3A_420 = arith.constant 1 : i32
        %add3A_421 = vector.broadcast %add3A_420 : i32 to vector<16xi32>
        %add3A_422 = arith.addi %mul3A_403, %add3A_421 : vector<16xi32>
        %gather3A_423 = tpu.vector_load_idx %arg15[%add3A_409, %add3A_422] : memref<512x128xf32, #tpu.memory_space<vmem>>[vector<16xi32>, vector<16xi32>], vector<16xf32>,
        %mul3A_424 = arith.mulf %mul3A_241, %gather3A_423 : vector<16xf32>
        %add3A_425 = arith.addf %add3A_336, %mul3A_424 : vector<16xf32>
        %add3A_426 = arith.constant 2 : i32
        %add3A_427 = vector.broadcast %add3A_426 : i32 to vector<16xi32>
        %add3A_428 = arith.addi %mul3A_403, %add3A_427 : vector<16xi32>
        %gather3A_429 = tpu.vector_load_idx %arg15[%add3A_409, %add3A_428] : memref<512x128xf32, #tpu.memory_space<vmem>>[vector<16xi32>, vector<16xi32>], vector<16xf32>,
        %mul3A_430 = arith.mulf %mul3A_241, %gather3A_429 : vector<16xf32>
        %add3A_431 = arith.addf %add3A_342, %mul3A_430 : vector<16xf32>
        %add3A_432 = arith.constant 3 : i32
        %add3A_433 = vector.broadcast %add3A_432 : i32 to vector<16xi32>
        %add3A_434 = arith.addi %mul3A_403, %add3A_433 : vector<16xi32>
        %gather3A_435 = tpu.vector_load_idx %arg15[%add3A_409, %add3A_434] : memref<512x128xf32, #tpu.memory_space<vmem>>[vector<16xi32>, vector<16xi32>], vector<16xf32>,
        %mul3A_436 = arith.mulf %mul3A_241, %gather3A_435 : vector<16xf32>
        %add3A_437 = arith.addf %add3A_348, %mul3A_436 : vector<16xf32>
        %add3A_438 = arith.constant 4 : i32
        %add3A_439 = vector.broadcast %add3A_438 : i32 to vector<16xi32>
        %add3A_440 = arith.addi %mul3A_403, %add3A_439 : vector<16xi32>
        %gather3A_441 = tpu.vector_load_idx %arg15[%add3A_409, %add3A_440] : memref<512x128xf32, #tpu.memory_space<vmem>>[vector<16xi32>, vector<16xi32>], vector<16xf32>,
        %mul3A_442 = arith.mulf %mul3A_241, %gather3A_441 : vector<16xf32>
        %add3A_443 = arith.addf %add3A_354, %mul3A_442 : vector<16xf32>
        %add3A_444 = arith.constant 5 : i32
        %add3A_445 = vector.broadcast %add3A_444 : i32 to vector<16xi32>
        %add3A_446 = arith.addi %mul3A_403, %add3A_445 : vector<16xi32>
        %gather3A_447 = tpu.vector_load_idx %arg15[%add3A_409, %add3A_446] : memref<512x128xf32, #tpu.memory_space<vmem>>[vector<16xi32>, vector<16xi32>], vector<16xf32>,
        %mul3A_448 = arith.mulf %mul3A_241, %gather3A_447 : vector<16xf32>
        %add3A_449 = arith.addf %add3A_360, %mul3A_448 : vector<16xf32>
        %add3A_450 = arith.constant 6 : i32
        %add3A_451 = vector.broadcast %add3A_450 : i32 to vector<16xi32>
        %add3A_452 = arith.addi %mul3A_403, %add3A_451 : vector<16xi32>
        %gather3A_453 = tpu.vector_load_idx %arg15[%add3A_409, %add3A_452] : memref<512x128xf32, #tpu.memory_space<vmem>>[vector<16xi32>, vector<16xi32>], vector<16xf32>,
        %mul3A_454 = arith.mulf %mul3A_241, %gather3A_453 : vector<16xf32>
        %add3A_455 = arith.addf %add3A_366, %mul3A_454 : vector<16xf32>
        %add3A_456 = arith.constant 7 : i32
        %add3A_457 = vector.broadcast %add3A_456 : i32 to vector<16xi32>
        %add3A_458 = arith.addi %mul3A_403, %add3A_457 : vector<16xi32>
        %gather3A_459 = tpu.vector_load_idx %arg15[%add3A_409, %add3A_458] : memref<512x128xf32, #tpu.memory_space<vmem>>[vector<16xi32>, vector<16xi32>], vector<16xf32>,
        %mul3A_460 = arith.mulf %mul3A_241, %gather3A_459 : vector<16xf32>
        %add3A_461 = arith.addf %add3A_372, %mul3A_460 : vector<16xf32>
        %add3A_462 = arith.constant 8 : i32
        %add3A_463 = vector.broadcast %add3A_462 : i32 to vector<16xi32>
        %add3A_464 = arith.addi %mul3A_403, %add3A_463 : vector<16xi32>
        %gather3A_465 = tpu.vector_load_idx %arg15[%add3A_409, %add3A_464] : memref<512x128xf32, #tpu.memory_space<vmem>>[vector<16xi32>, vector<16xi32>], vector<16xf32>,
        %mul3A_466 = arith.mulf %mul3A_241, %gather3A_465 : vector<16xf32>
        %add3A_467 = arith.addf %add3A_378, %mul3A_466 : vector<16xf32>
        %add3A_468 = arith.constant 9 : i32
        %add3A_469 = vector.broadcast %add3A_468 : i32 to vector<16xi32>
        %add3A_470 = arith.addi %mul3A_403, %add3A_469 : vector<16xi32>
        %gather3A_471 = tpu.vector_load_idx %arg15[%add3A_409, %add3A_470] : memref<512x128xf32, #tpu.memory_space<vmem>>[vector<16xi32>, vector<16xi32>], vector<16xf32>,
        %mul3A_472 = arith.mulf %mul3A_241, %gather3A_471 : vector<16xf32>
        %add3A_473 = arith.addf %add3A_384, %mul3A_472 : vector<16xf32>
        %add3A_474 = arith.constant 10 : i32
        %add3A_475 = vector.broadcast %add3A_474 : i32 to vector<16xi32>
        %add3A_476 = arith.addi %mul3A_403, %add3A_475 : vector<16xi32>
        %gather3A_477 = tpu.vector_load_idx %arg15[%add3A_409, %add3A_476] : memref<512x128xf32, #tpu.memory_space<vmem>>[vector<16xi32>, vector<16xi32>], vector<16xf32>,
        %mul3A_478 = arith.mulf %mul3A_241, %gather3A_477 : vector<16xf32>
        %add3A_479 = arith.addf %add3A_390, %mul3A_478 : vector<16xf32>
        %add3A_480 = arith.constant 11 : i32
        %add3A_481 = vector.broadcast %add3A_480 : i32 to vector<16xi32>
        %add3A_482 = arith.addi %mul3A_403, %add3A_481 : vector<16xi32>
        %gather3A_483 = tpu.vector_load_idx %arg15[%add3A_409, %add3A_482] : memref<512x128xf32, #tpu.memory_space<vmem>>[vector<16xi32>, vector<16xi32>], vector<16xf32>,
        %mul3A_484 = arith.mulf %mul3A_241, %gather3A_483 : vector<16xf32>
        %add3A_485 = arith.addf %add3A_396, %mul3A_484 : vector<16xf32>
        %add3A_486 = arith.constant 0 : i32
        %add3A_487 = vector.broadcast %add3A_486 : i32 to vector<16xi32>
        %add3A_488 = arith.addi %sub3A_406, %add3A_487 : vector<16xi32>
        %gather3A_489 = tpu.vector_load_idx %arg15[%add3A_413, %add3A_488] : memref<512x128xf32, #tpu.memory_space<vmem>>[vector<16xi32>, vector<16xi32>], vector<16xf32>,
        %mul3A_490 = arith.mulf %mul3A_242, %gather3A_489 : vector<16xf32>
        %add3A_491 = arith.addf %add3A_419, %mul3A_490 : vector<16xf32>
        %add3A_492 = arith.constant 1 : i32
        %add3A_493 = vector.broadcast %add3A_492 : i32 to vector<16xi32>
        %add3A_494 = arith.addi %sub3A_406, %add3A_493 : vector<16xi32>
        %gather3A_495 = tpu.vector_load_idx %arg15[%add3A_413, %add3A_494] : memref<512x128xf32, #tpu.memory_space<vmem>>[vector<16xi32>, vector<16xi32>], vector<16xf32>,
        %mul3A_496 = arith.mulf %mul3A_242, %gather3A_495 : vector<16xf32>
        %add3A_497 = arith.addf %add3A_425, %mul3A_496 : vector<16xf32>
        %add3A_498 = arith.constant 2 : i32
        %add3A_499 = vector.broadcast %add3A_498 : i32 to vector<16xi32>
        %add3A_500 = arith.addi %sub3A_406, %add3A_499 : vector<16xi32>
        %gather3A_501 = tpu.vector_load_idx %arg15[%add3A_413, %add3A_500] : memref<512x128xf32, #tpu.memory_space<vmem>>[vector<16xi32>, vector<16xi32>], vector<16xf32>,
        %mul3A_502 = arith.mulf %mul3A_242, %gather3A_501 : vector<16xf32>
        %add3A_503 = arith.addf %add3A_431, %mul3A_502 : vector<16xf32>
        %add3A_504 = arith.constant 3 : i32
        %add3A_505 = vector.broadcast %add3A_504 : i32 to vector<16xi32>
        %add3A_506 = arith.addi %sub3A_406, %add3A_505 : vector<16xi32>
        %gather3A_507 = tpu.vector_load_idx %arg15[%add3A_413, %add3A_506] : memref<512x128xf32, #tpu.memory_space<vmem>>[vector<16xi32>, vector<16xi32>], vector<16xf32>,
        %mul3A_508 = arith.mulf %mul3A_242, %gather3A_507 : vector<16xf32>
        %add3A_509 = arith.addf %add3A_437, %mul3A_508 : vector<16xf32>
        %add3A_510 = arith.constant 4 : i32
        %add3A_511 = vector.broadcast %add3A_510 : i32 to vector<16xi32>
        %add3A_512 = arith.addi %sub3A_406, %add3A_511 : vector<16xi32>
        %gather3A_513 = tpu.vector_load_idx %arg15[%add3A_413, %add3A_512] : memref<512x128xf32, #tpu.memory_space<vmem>>[vector<16xi32>, vector<16xi32>], vector<16xf32>,
        %mul3A_514 = arith.mulf %mul3A_242, %gather3A_513 : vector<16xf32>
        %add3A_515 = arith.addf %add3A_443, %mul3A_514 : vector<16xf32>
        %add3A_516 = arith.constant 5 : i32
        %add3A_517 = vector.broadcast %add3A_516 : i32 to vector<16xi32>
        %add3A_518 = arith.addi %sub3A_406, %add3A_517 : vector<16xi32>
        %gather3A_519 = tpu.vector_load_idx %arg15[%add3A_413, %add3A_518] : memref<512x128xf32, #tpu.memory_space<vmem>>[vector<16xi32>, vector<16xi32>], vector<16xf32>,
        %mul3A_520 = arith.mulf %mul3A_242, %gather3A_519 : vector<16xf32>
        %add3A_521 = arith.addf %add3A_449, %mul3A_520 : vector<16xf32>
        %add3A_522 = arith.constant 6 : i32
        %add3A_523 = vector.broadcast %add3A_522 : i32 to vector<16xi32>
        %add3A_524 = arith.addi %sub3A_406, %add3A_523 : vector<16xi32>
        %gather3A_525 = tpu.vector_load_idx %arg15[%add3A_413, %add3A_524] : memref<512x128xf32, #tpu.memory_space<vmem>>[vector<16xi32>, vector<16xi32>], vector<16xf32>,
        %mul3A_526 = arith.mulf %mul3A_242, %gather3A_525 : vector<16xf32>
        %add3A_527 = arith.addf %add3A_455, %mul3A_526 : vector<16xf32>
        %add3A_528 = arith.constant 7 : i32
        %add3A_529 = vector.broadcast %add3A_528 : i32 to vector<16xi32>
        %add3A_530 = arith.addi %sub3A_406, %add3A_529 : vector<16xi32>
        %gather3A_531 = tpu.vector_load_idx %arg15[%add3A_413, %add3A_530] : memref<512x128xf32, #tpu.memory_space<vmem>>[vector<16xi32>, vector<16xi32>], vector<16xf32>,
        %mul3A_532 = arith.mulf %mul3A_242, %gather3A_531 : vector<16xf32>
        %add3A_533 = arith.addf %add3A_461, %mul3A_532 : vector<16xf32>
        %add3A_534 = arith.constant 8 : i32
        %add3A_535 = vector.broadcast %add3A_534 : i32 to vector<16xi32>
        %add3A_536 = arith.addi %sub3A_406, %add3A_535 : vector<16xi32>
        %gather3A_537 = tpu.vector_load_idx %arg15[%add3A_413, %add3A_536] : memref<512x128xf32, #tpu.memory_space<vmem>>[vector<16xi32>, vector<16xi32>], vector<16xf32>,
        %mul3A_538 = arith.mulf %mul3A_242, %gather3A_537 : vector<16xf32>
        %add3A_539 = arith.addf %add3A_467, %mul3A_538 : vector<16xf32>
        %add3A_540 = arith.constant 9 : i32
        %add3A_541 = vector.broadcast %add3A_540 : i32 to vector<16xi32>
        %add3A_542 = arith.addi %sub3A_406, %add3A_541 : vector<16xi32>
        %gather3A_543 = tpu.vector_load_idx %arg15[%add3A_413, %add3A_542] : memref<512x128xf32, #tpu.memory_space<vmem>>[vector<16xi32>, vector<16xi32>], vector<16xf32>,
        %mul3A_544 = arith.mulf %mul3A_242, %gather3A_543 : vector<16xf32>
        %add3A_545 = arith.addf %add3A_473, %mul3A_544 : vector<16xf32>
        %add3A_546 = arith.constant 10 : i32
        %add3A_547 = vector.broadcast %add3A_546 : i32 to vector<16xi32>
        %add3A_548 = arith.addi %sub3A_406, %add3A_547 : vector<16xi32>
        %gather3A_549 = tpu.vector_load_idx %arg15[%add3A_413, %add3A_548] : memref<512x128xf32, #tpu.memory_space<vmem>>[vector<16xi32>, vector<16xi32>], vector<16xf32>,
        %mul3A_550 = arith.mulf %mul3A_242, %gather3A_549 : vector<16xf32>
        %add3A_551 = arith.addf %add3A_479, %mul3A_550 : vector<16xf32>
        %add3A_552 = arith.constant 11 : i32
        %add3A_553 = vector.broadcast %add3A_552 : i32 to vector<16xi32>
        %add3A_554 = arith.addi %sub3A_406, %add3A_553 : vector<16xi32>
        %gather3A_555 = tpu.vector_load_idx %arg15[%add3A_413, %add3A_554] : memref<512x128xf32, #tpu.memory_space<vmem>>[vector<16xi32>, vector<16xi32>], vector<16xf32>,
        %mul3A_556 = arith.mulf %mul3A_242, %gather3A_555 : vector<16xf32>
        %add3A_557 = arith.addf %add3A_485, %mul3A_556 : vector<16xf32>
        %add3A_558 = arith.constant 192 : i32
        %add3A_559 = arith.addi %add3A_558, %mul3A_219 : i32
        %get3A_560 = arith.index_cast %add3A_559 : i32 to index
        %get3A_561 = tpu.vector_load %arg13[%get3A_560] {strides = array<i32>} : memref<256xi32, #tpu.memory_space<vmem>>, vector<16xi32>,
        %mul3A_562 = arith.constant 12 : i32
        %mul3A_563 = vector.broadcast %mul3A_562 : i32 to vector<16xi32>
        %mul3A_564 = arith.muli %get3A_561, %mul3A_563 : vector<16xi32>
        %sub3A_565 = arith.constant 12 : i32
        %sub3A_566 = vector.broadcast %sub3A_565 : i32 to vector<16xi32>
        %sub3A_567 = arith.subi %sub3A_566, %mul3A_564 : vector<16xi32>
        %add3A_568 = arith.constant 384 : i32
        %add3A_569 = vector.broadcast %add3A_568 : i32 to vector<16xi32>
        %add3A_570 = arith.addi %add3A_569, %add3A_248 : vector<16xi32>
        %mul3A_571 = arith.constant 32 : i32
        %mul3A_572 = vector.broadcast %mul3A_571 : i32 to vector<16xi32>
        %mul3A_573 = arith.muli %get3A_561, %mul3A_572 : vector<16xi32>
        %add3A_574 = arith.addi %add3A_570, %mul3A_573 : vector<16xi32>
        %add3A_575 = arith.constant 0 : i32
        %add3A_576 = vector.broadcast %add3A_575 : i32 to vector<16xi32>
        %add3A_577 = arith.addi %mul3A_564, %add3A_576 : vector<16xi32>
        %gather3A_578 = tpu.vector_load_idx %arg15[%add3A_570, %add3A_577] : memref<512x128xf32, #tpu.memory_space<vmem>>[vector<16xi32>, vector<16xi32>], vector<16xf32>,
        %mul3A_579 = arith.mulf %mul3A_243, %gather3A_578 : vector<16xf32>
        %add3A_580 = arith.addf %add3A_491, %mul3A_579 : vector<16xf32>
        %add3A_581 = arith.constant 1 : i32
        %add3A_582 = vector.broadcast %add3A_581 : i32 to vector<16xi32>
        %add3A_583 = arith.addi %mul3A_564, %add3A_582 : vector<16xi32>
        %gather3A_584 = tpu.vector_load_idx %arg15[%add3A_570, %add3A_583] : memref<512x128xf32, #tpu.memory_space<vmem>>[vector<16xi32>, vector<16xi32>], vector<16xf32>,
        %mul3A_585 = arith.mulf %mul3A_243, %gather3A_584 : vector<16xf32>
        %add3A_586 = arith.addf %add3A_497, %mul3A_585 : vector<16xf32>
        %add3A_587 = arith.constant 2 : i32
        %add3A_588 = vector.broadcast %add3A_587 : i32 to vector<16xi32>
        %add3A_589 = arith.addi %mul3A_564, %add3A_588 : vector<16xi32>
        %gather3A_590 = tpu.vector_load_idx %arg15[%add3A_570, %add3A_589] : memref<512x128xf32, #tpu.memory_space<vmem>>[vector<16xi32>, vector<16xi32>], vector<16xf32>,
        %mul3A_591 = arith.mulf %mul3A_243, %gather3A_590 : vector<16xf32>
        %add3A_592 = arith.addf %add3A_503, %mul3A_591 : vector<16xf32>
        %add3A_593 = arith.constant 3 : i32
        %add3A_594 = vector.broadcast %add3A_593 : i32 to vector<16xi32>
        %add3A_595 = arith.addi %mul3A_564, %add3A_594 : vector<16xi32>
        %gather3A_596 = tpu.vector_load_idx %arg15[%add3A_570, %add3A_595] : memref<512x128xf32, #tpu.memory_space<vmem>>[vector<16xi32>, vector<16xi32>], vector<16xf32>,
        %mul3A_597 = arith.mulf %mul3A_243, %gather3A_596 : vector<16xf32>
        %add3A_598 = arith.addf %add3A_509, %mul3A_597 : vector<16xf32>
        %add3A_599 = arith.constant 4 : i32
        %add3A_600 = vector.broadcast %add3A_599 : i32 to vector<16xi32>
        %add3A_601 = arith.addi %mul3A_564, %add3A_600 : vector<16xi32>
        %gather3A_602 = tpu.vector_load_idx %arg15[%add3A_570, %add3A_601] : memref<512x128xf32, #tpu.memory_space<vmem>>[vector<16xi32>, vector<16xi32>], vector<16xf32>,
        %mul3A_603 = arith.mulf %mul3A_243, %gather3A_602 : vector<16xf32>
        %add3A_604 = arith.addf %add3A_515, %mul3A_603 : vector<16xf32>
        %add3A_605 = arith.constant 5 : i32
        %add3A_606 = vector.broadcast %add3A_605 : i32 to vector<16xi32>
        %add3A_607 = arith.addi %mul3A_564, %add3A_606 : vector<16xi32>
        %gather3A_608 = tpu.vector_load_idx %arg15[%add3A_570, %add3A_607] : memref<512x128xf32, #tpu.memory_space<vmem>>[vector<16xi32>, vector<16xi32>], vector<16xf32>,
        %mul3A_609 = arith.mulf %mul3A_243, %gather3A_608 : vector<16xf32>
        %add3A_610 = arith.addf %add3A_521, %mul3A_609 : vector<16xf32>
        %add3A_611 = arith.constant 6 : i32
        %add3A_612 = vector.broadcast %add3A_611 : i32 to vector<16xi32>
        %add3A_613 = arith.addi %mul3A_564, %add3A_612 : vector<16xi32>
        %gather3A_614 = tpu.vector_load_idx %arg15[%add3A_570, %add3A_613] : memref<512x128xf32, #tpu.memory_space<vmem>>[vector<16xi32>, vector<16xi32>], vector<16xf32>,
        %mul3A_615 = arith.mulf %mul3A_243, %gather3A_614 : vector<16xf32>
        %add3A_616 = arith.addf %add3A_527, %mul3A_615 : vector<16xf32>
        %add3A_617 = arith.constant 7 : i32
        %add3A_618 = vector.broadcast %add3A_617 : i32 to vector<16xi32>
        %add3A_619 = arith.addi %mul3A_564, %add3A_618 : vector<16xi32>
        %gather3A_620 = tpu.vector_load_idx %arg15[%add3A_570, %add3A_619] : memref<512x128xf32, #tpu.memory_space<vmem>>[vector<16xi32>, vector<16xi32>], vector<16xf32>,
        %mul3A_621 = arith.mulf %mul3A_243, %gather3A_620 : vector<16xf32>
        %add3A_622 = arith.addf %add3A_533, %mul3A_621 : vector<16xf32>
        %add3A_623 = arith.constant 8 : i32
        %add3A_624 = vector.broadcast %add3A_623 : i32 to vector<16xi32>
        %add3A_625 = arith.addi %mul3A_564, %add3A_624 : vector<16xi32>
        %gather3A_626 = tpu.vector_load_idx %arg15[%add3A_570, %add3A_625] : memref<512x128xf32, #tpu.memory_space<vmem>>[vector<16xi32>, vector<16xi32>], vector<16xf32>,
        %mul3A_627 = arith.mulf %mul3A_243, %gather3A_626 : vector<16xf32>
        %add3A_628 = arith.addf %add3A_539, %mul3A_627 : vector<16xf32>
        %add3A_629 = arith.constant 9 : i32
        %add3A_630 = vector.broadcast %add3A_629 : i32 to vector<16xi32>
        %add3A_631 = arith.addi %mul3A_564, %add3A_630 : vector<16xi32>
        %gather3A_632 = tpu.vector_load_idx %arg15[%add3A_570, %add3A_631] : memref<512x128xf32, #tpu.memory_space<vmem>>[vector<16xi32>, vector<16xi32>], vector<16xf32>,
        %mul3A_633 = arith.mulf %mul3A_243, %gather3A_632 : vector<16xf32>
        %add3A_634 = arith.addf %add3A_545, %mul3A_633 : vector<16xf32>
        %add3A_635 = arith.constant 10 : i32
        %add3A_636 = vector.broadcast %add3A_635 : i32 to vector<16xi32>
        %add3A_637 = arith.addi %mul3A_564, %add3A_636 : vector<16xi32>
        %gather3A_638 = tpu.vector_load_idx %arg15[%add3A_570, %add3A_637] : memref<512x128xf32, #tpu.memory_space<vmem>>[vector<16xi32>, vector<16xi32>], vector<16xf32>,
        %mul3A_639 = arith.mulf %mul3A_243, %gather3A_638 : vector<16xf32>
        %add3A_640 = arith.addf %add3A_551, %mul3A_639 : vector<16xf32>
        %add3A_641 = arith.constant 11 : i32
        %add3A_642 = vector.broadcast %add3A_641 : i32 to vector<16xi32>
        %add3A_643 = arith.addi %mul3A_564, %add3A_642 : vector<16xi32>
        %gather3A_644 = tpu.vector_load_idx %arg15[%add3A_570, %add3A_643] : memref<512x128xf32, #tpu.memory_space<vmem>>[vector<16xi32>, vector<16xi32>], vector<16xf32>,
        %mul3A_645 = arith.mulf %mul3A_243, %gather3A_644 : vector<16xf32>
        %add3A_646 = arith.addf %add3A_557, %mul3A_645 : vector<16xf32>
        %add3A_647 = arith.constant 0 : i32
        %add3A_648 = vector.broadcast %add3A_647 : i32 to vector<16xi32>
        %add3A_649 = arith.addi %sub3A_567, %add3A_648 : vector<16xi32>
        %gather3A_650 = tpu.vector_load_idx %arg15[%add3A_574, %add3A_649] : memref<512x128xf32, #tpu.memory_space<vmem>>[vector<16xi32>, vector<16xi32>], vector<16xf32>,
        %mul3A_651 = arith.mulf %mul3A_244, %gather3A_650 : vector<16xf32>
        %add3A_652 = arith.addf %add3A_580, %mul3A_651 : vector<16xf32>
        %add3A_653 = arith.constant 1 : i32
        %add3A_654 = vector.broadcast %add3A_653 : i32 to vector<16xi32>
        %add3A_655 = arith.addi %sub3A_567, %add3A_654 : vector<16xi32>
        %gather3A_656 = tpu.vector_load_idx %arg15[%add3A_574, %add3A_655] : memref<512x128xf32, #tpu.memory_space<vmem>>[vector<16xi32>, vector<16xi32>], vector<16xf32>,
        %mul3A_657 = arith.mulf %mul3A_244, %gather3A_656 : vector<16xf32>
        %add3A_658 = arith.addf %add3A_586, %mul3A_657 : vector<16xf32>
        %add3A_659 = arith.constant 2 : i32
        %add3A_660 = vector.broadcast %add3A_659 : i32 to vector<16xi32>
        %add3A_661 = arith.addi %sub3A_567, %add3A_660 : vector<16xi32>
        %gather3A_662 = tpu.vector_load_idx %arg15[%add3A_574, %add3A_661] : memref<512x128xf32, #tpu.memory_space<vmem>>[vector<16xi32>, vector<16xi32>], vector<16xf32>,
        %mul3A_663 = arith.mulf %mul3A_244, %gather3A_662 : vector<16xf32>
        %add3A_664 = arith.addf %add3A_592, %mul3A_663 : vector<16xf32>
        %add3A_665 = arith.constant 3 : i32
        %add3A_666 = vector.broadcast %add3A_665 : i32 to vector<16xi32>
        %add3A_667 = arith.addi %sub3A_567, %add3A_666 : vector<16xi32>
        %gather3A_668 = tpu.vector_load_idx %arg15[%add3A_574, %add3A_667] : memref<512x128xf32, #tpu.memory_space<vmem>>[vector<16xi32>, vector<16xi32>], vector<16xf32>,
        %mul3A_669 = arith.mulf %mul3A_244, %gather3A_668 : vector<16xf32>
        %add3A_670 = arith.addf %add3A_598, %mul3A_669 : vector<16xf32>
        %add3A_671 = arith.constant 4 : i32
        %add3A_672 = vector.broadcast %add3A_671 : i32 to vector<16xi32>
        %add3A_673 = arith.addi %sub3A_567, %add3A_672 : vector<16xi32>
        %gather3A_674 = tpu.vector_load_idx %arg15[%add3A_574, %add3A_673] : memref<512x128xf32, #tpu.memory_space<vmem>>[vector<16xi32>, vector<16xi32>], vector<16xf32>,
        %mul3A_675 = arith.mulf %mul3A_244, %gather3A_674 : vector<16xf32>
        %add3A_676 = arith.addf %add3A_604, %mul3A_675 : vector<16xf32>
        %add3A_677 = arith.constant 5 : i32
        %add3A_678 = vector.broadcast %add3A_677 : i32 to vector<16xi32>
        %add3A_679 = arith.addi %sub3A_567, %add3A_678 : vector<16xi32>
        %gather3A_680 = tpu.vector_load_idx %arg15[%add3A_574, %add3A_679] : memref<512x128xf32, #tpu.memory_space<vmem>>[vector<16xi32>, vector<16xi32>], vector<16xf32>,
        %mul3A_681 = arith.mulf %mul3A_244, %gather3A_680 : vector<16xf32>
        %add3A_682 = arith.addf %add3A_610, %mul3A_681 : vector<16xf32>
        %add3A_683 = arith.constant 6 : i32
        %add3A_684 = vector.broadcast %add3A_683 : i32 to vector<16xi32>
        %add3A_685 = arith.addi %sub3A_567, %add3A_684 : vector<16xi32>
        %gather3A_686 = tpu.vector_load_idx %arg15[%add3A_574, %add3A_685] : memref<512x128xf32, #tpu.memory_space<vmem>>[vector<16xi32>, vector<16xi32>], vector<16xf32>,
        %mul3A_687 = arith.mulf %mul3A_244, %gather3A_686 : vector<16xf32>
        %add3A_688 = arith.addf %add3A_616, %mul3A_687 : vector<16xf32>
        %add3A_689 = arith.constant 7 : i32
        %add3A_690 = vector.broadcast %add3A_689 : i32 to vector<16xi32>
        %add3A_691 = arith.addi %sub3A_567, %add3A_690 : vector<16xi32>
        %gather3A_692 = tpu.vector_load_idx %arg15[%add3A_574, %add3A_691] : memref<512x128xf32, #tpu.memory_space<vmem>>[vector<16xi32>, vector<16xi32>], vector<16xf32>,
        %mul3A_693 = arith.mulf %mul3A_244, %gather3A_692 : vector<16xf32>
        %add3A_694 = arith.addf %add3A_622, %mul3A_693 : vector<16xf32>
        %add3A_695 = arith.constant 8 : i32
        %add3A_696 = vector.broadcast %add3A_695 : i32 to vector<16xi32>
        %add3A_697 = arith.addi %sub3A_567, %add3A_696 : vector<16xi32>
        %gather3A_698 = tpu.vector_load_idx %arg15[%add3A_574, %add3A_697] : memref<512x128xf32, #tpu.memory_space<vmem>>[vector<16xi32>, vector<16xi32>], vector<16xf32>,
        %mul3A_699 = arith.mulf %mul3A_244, %gather3A_698 : vector<16xf32>
        %add3A_700 = arith.addf %add3A_628, %mul3A_699 : vector<16xf32>
        %add3A_701 = arith.constant 9 : i32
        %add3A_702 = vector.broadcast %add3A_701 : i32 to vector<16xi32>
        %add3A_703 = arith.addi %sub3A_567, %add3A_702 : vector<16xi32>
        %gather3A_704 = tpu.vector_load_idx %arg15[%add3A_574, %add3A_703] : memref<512x128xf32, #tpu.memory_space<vmem>>[vector<16xi32>, vector<16xi32>], vector<16xf32>,
        %mul3A_705 = arith.mulf %mul3A_244, %gather3A_704 : vector<16xf32>
        %add3A_706 = arith.addf %add3A_634, %mul3A_705 : vector<16xf32>
        %add3A_707 = arith.constant 10 : i32
        %add3A_708 = vector.broadcast %add3A_707 : i32 to vector<16xi32>
        %add3A_709 = arith.addi %sub3A_567, %add3A_708 : vector<16xi32>
        %gather3A_710 = tpu.vector_load_idx %arg15[%add3A_574, %add3A_709] : memref<512x128xf32, #tpu.memory_space<vmem>>[vector<16xi32>, vector<16xi32>], vector<16xf32>,
        %mul3A_711 = arith.mulf %mul3A_244, %gather3A_710 : vector<16xf32>
        %add3A_712 = arith.addf %add3A_640, %mul3A_711 : vector<16xf32>
        %add3A_713 = arith.constant 11 : i32
        %add3A_714 = vector.broadcast %add3A_713 : i32 to vector<16xi32>
        %add3A_715 = arith.addi %sub3A_567, %add3A_714 : vector<16xi32>
        %gather3A_716 = tpu.vector_load_idx %arg15[%add3A_574, %add3A_715] : memref<512x128xf32, #tpu.memory_space<vmem>>[vector<16xi32>, vector<16xi32>], vector<16xf32>,
        %mul3A_717 = arith.mulf %mul3A_244, %gather3A_716 : vector<16xf32>
        %add3A_718 = arith.addf %add3A_646, %mul3A_717 : vector<16xf32>
        %add3A_719 = arith.constant 224 : i32
        %add3A_720 = arith.addi %add3A_719, %mul3A_219 : i32
        %get3A_721 = arith.index_cast %add3A_720 : i32 to index
        %get3A_722 = tpu.vector_load %arg13[%get3A_721] {strides = array<i32>} : memref<256xi32, #tpu.memory_space<vmem>>, vector<16xi32>,
        %mul3A_723 = arith.constant 12 : i32
        %mul3A_724 = vector.broadcast %mul3A_723 : i32 to vector<16xi32>
        %mul3A_725 = arith.muli %get3A_722, %mul3A_724 : vector<16xi32>
        %sub3A_726 = arith.constant 12 : i32
        %sub3A_727 = vector.broadcast %sub3A_726 : i32 to vector<16xi32>
        %sub3A_728 = arith.subi %sub3A_727, %mul3A_725 : vector<16xi32>
        %add3A_729 = arith.constant 448 : i32
        %add3A_730 = vector.broadcast %add3A_729 : i32 to vector<16xi32>
        %add3A_731 = arith.addi %add3A_730, %add3A_248 : vector<16xi32>
        %mul3A_732 = arith.constant 32 : i32
        %mul3A_733 = vector.broadcast %mul3A_732 : i32 to vector<16xi32>
        %mul3A_734 = arith.muli %get3A_722, %mul3A_733 : vector<16xi32>
        %add3A_735 = arith.addi %add3A_731, %mul3A_734 : vector<16xi32>
        %add3A_736 = arith.constant 0 : i32
        %add3A_737 = vector.broadcast %add3A_736 : i32 to vector<16xi32>
        %add3A_738 = arith.addi %mul3A_725, %add3A_737 : vector<16xi32>
        %gather3A_739 = tpu.vector_load_idx %arg15[%add3A_731, %add3A_738] : memref<512x128xf32, #tpu.memory_space<vmem>>[vector<16xi32>, vector<16xi32>], vector<16xf32>,
        %mul3A_740 = arith.mulf %mul3A_245, %gather3A_739 : vector<16xf32>
        %add3A_741 = arith.addf %add3A_652, %mul3A_740 : vector<16xf32>
        %add3A_742 = arith.constant 1 : i32
        %add3A_743 = vector.broadcast %add3A_742 : i32 to vector<16xi32>
        %add3A_744 = arith.addi %mul3A_725, %add3A_743 : vector<16xi32>
        %gather3A_745 = tpu.vector_load_idx %arg15[%add3A_731, %add3A_744] : memref<512x128xf32, #tpu.memory_space<vmem>>[vector<16xi32>, vector<16xi32>], vector<16xf32>,
        %mul3A_746 = arith.mulf %mul3A_245, %gather3A_745 : vector<16xf32>
        %add3A_747 = arith.addf %add3A_658, %mul3A_746 : vector<16xf32>
        %add3A_748 = arith.constant 2 : i32
        %add3A_749 = vector.broadcast %add3A_748 : i32 to vector<16xi32>
        %add3A_750 = arith.addi %mul3A_725, %add3A_749 : vector<16xi32>
        %gather3A_751 = tpu.vector_load_idx %arg15[%add3A_731, %add3A_750] : memref<512x128xf32, #tpu.memory_space<vmem>>[vector<16xi32>, vector<16xi32>], vector<16xf32>,
        %mul3A_752 = arith.mulf %mul3A_245, %gather3A_751 : vector<16xf32>
        %add3A_753 = arith.addf %add3A_664, %mul3A_752 : vector<16xf32>
        %add3A_754 = arith.constant 3 : i32
        %add3A_755 = vector.broadcast %add3A_754 : i32 to vector<16xi32>
        %add3A_756 = arith.addi %mul3A_725, %add3A_755 : vector<16xi32>
        %gather3A_757 = tpu.vector_load_idx %arg15[%add3A_731, %add3A_756] : memref<512x128xf32, #tpu.memory_space<vmem>>[vector<16xi32>, vector<16xi32>], vector<16xf32>,
        %mul3A_758 = arith.mulf %mul3A_245, %gather3A_757 : vector<16xf32>
        %add3A_759 = arith.addf %add3A_670, %mul3A_758 : vector<16xf32>
        %add3A_760 = arith.constant 4 : i32
        %add3A_761 = vector.broadcast %add3A_760 : i32 to vector<16xi32>
        %add3A_762 = arith.addi %mul3A_725, %add3A_761 : vector<16xi32>
        %gather3A_763 = tpu.vector_load_idx %arg15[%add3A_731, %add3A_762] : memref<512x128xf32, #tpu.memory_space<vmem>>[vector<16xi32>, vector<16xi32>], vector<16xf32>,
        %mul3A_764 = arith.mulf %mul3A_245, %gather3A_763 : vector<16xf32>
        %add3A_765 = arith.addf %add3A_676, %mul3A_764 : vector<16xf32>
        %add3A_766 = arith.constant 5 : i32
        %add3A_767 = vector.broadcast %add3A_766 : i32 to vector<16xi32>
        %add3A_768 = arith.addi %mul3A_725, %add3A_767 : vector<16xi32>
        %gather3A_769 = tpu.vector_load_idx %arg15[%add3A_731, %add3A_768] : memref<512x128xf32, #tpu.memory_space<vmem>>[vector<16xi32>, vector<16xi32>], vector<16xf32>,
        %mul3A_770 = arith.mulf %mul3A_245, %gather3A_769 : vector<16xf32>
        %add3A_771 = arith.addf %add3A_682, %mul3A_770 : vector<16xf32>
        %add3A_772 = arith.constant 6 : i32
        %add3A_773 = vector.broadcast %add3A_772 : i32 to vector<16xi32>
        %add3A_774 = arith.addi %mul3A_725, %add3A_773 : vector<16xi32>
        %gather3A_775 = tpu.vector_load_idx %arg15[%add3A_731, %add3A_774] : memref<512x128xf32, #tpu.memory_space<vmem>>[vector<16xi32>, vector<16xi32>], vector<16xf32>,
        %mul3A_776 = arith.mulf %mul3A_245, %gather3A_775 : vector<16xf32>
        %add3A_777 = arith.addf %add3A_688, %mul3A_776 : vector<16xf32>
        %add3A_778 = arith.constant 7 : i32
        %add3A_779 = vector.broadcast %add3A_778 : i32 to vector<16xi32>
        %add3A_780 = arith.addi %mul3A_725, %add3A_779 : vector<16xi32>
        %gather3A_781 = tpu.vector_load_idx %arg15[%add3A_731, %add3A_780] : memref<512x128xf32, #tpu.memory_space<vmem>>[vector<16xi32>, vector<16xi32>], vector<16xf32>,
        %mul3A_782 = arith.mulf %mul3A_245, %gather3A_781 : vector<16xf32>
        %add3A_783 = arith.addf %add3A_694, %mul3A_782 : vector<16xf32>
        %add3A_784 = arith.constant 8 : i32
        %add3A_785 = vector.broadcast %add3A_784 : i32 to vector<16xi32>
        %add3A_786 = arith.addi %mul3A_725, %add3A_785 : vector<16xi32>
        %gather3A_787 = tpu.vector_load_idx %arg15[%add3A_731, %add3A_786] : memref<512x128xf32, #tpu.memory_space<vmem>>[vector<16xi32>, vector<16xi32>], vector<16xf32>,
        %mul3A_788 = arith.mulf %mul3A_245, %gather3A_787 : vector<16xf32>
        %add3A_789 = arith.addf %add3A_700, %mul3A_788 : vector<16xf32>
        %add3A_790 = arith.constant 9 : i32
        %add3A_791 = vector.broadcast %add3A_790 : i32 to vector<16xi32>
        %add3A_792 = arith.addi %mul3A_725, %add3A_791 : vector<16xi32>
        %gather3A_793 = tpu.vector_load_idx %arg15[%add3A_731, %add3A_792] : memref<512x128xf32, #tpu.memory_space<vmem>>[vector<16xi32>, vector<16xi32>], vector<16xf32>,
        %mul3A_794 = arith.mulf %mul3A_245, %gather3A_793 : vector<16xf32>
        %add3A_795 = arith.addf %add3A_706, %mul3A_794 : vector<16xf32>
        %add3A_796 = arith.constant 10 : i32
        %add3A_797 = vector.broadcast %add3A_796 : i32 to vector<16xi32>
        %add3A_798 = arith.addi %mul3A_725, %add3A_797 : vector<16xi32>
        %gather3A_799 = tpu.vector_load_idx %arg15[%add3A_731, %add3A_798] : memref<512x128xf32, #tpu.memory_space<vmem>>[vector<16xi32>, vector<16xi32>], vector<16xf32>,
        %mul3A_800 = arith.mulf %mul3A_245, %gather3A_799 : vector<16xf32>
        %add3A_801 = arith.addf %add3A_712, %mul3A_800 : vector<16xf32>
        %add3A_802 = arith.constant 11 : i32
        %add3A_803 = vector.broadcast %add3A_802 : i32 to vector<16xi32>
        %add3A_804 = arith.addi %mul3A_725, %add3A_803 : vector<16xi32>
        %gather3A_805 = tpu.vector_load_idx %arg15[%add3A_731, %add3A_804] : memref<512x128xf32, #tpu.memory_space<vmem>>[vector<16xi32>, vector<16xi32>], vector<16xf32>,
        %mul3A_806 = arith.mulf %mul3A_245, %gather3A_805 : vector<16xf32>
        %add3A_807 = arith.addf %add3A_718, %mul3A_806 : vector<16xf32>
        %add3A_808 = arith.constant 0 : i32
        %add3A_809 = vector.broadcast %add3A_808 : i32 to vector<16xi32>
        %add3A_810 = arith.addi %sub3A_728, %add3A_809 : vector<16xi32>
        %gather3A_811 = tpu.vector_load_idx %arg15[%add3A_735, %add3A_810] : memref<512x128xf32, #tpu.memory_space<vmem>>[vector<16xi32>, vector<16xi32>], vector<16xf32>,
        %mul3A_812 = arith.mulf %mul3A_246, %gather3A_811 : vector<16xf32>
        %add3A_813 = arith.addf %add3A_741, %mul3A_812 : vector<16xf32>
        %add3A_814 = arith.constant 1 : i32
        %add3A_815 = vector.broadcast %add3A_814 : i32 to vector<16xi32>
        %add3A_816 = arith.addi %sub3A_728, %add3A_815 : vector<16xi32>
        %gather3A_817 = tpu.vector_load_idx %arg15[%add3A_735, %add3A_816] : memref<512x128xf32, #tpu.memory_space<vmem>>[vector<16xi32>, vector<16xi32>], vector<16xf32>,
        %mul3A_818 = arith.mulf %mul3A_246, %gather3A_817 : vector<16xf32>
        %add3A_819 = arith.addf %add3A_747, %mul3A_818 : vector<16xf32>
        %add3A_820 = arith.constant 2 : i32
        %add3A_821 = vector.broadcast %add3A_820 : i32 to vector<16xi32>
        %add3A_822 = arith.addi %sub3A_728, %add3A_821 : vector<16xi32>
        %gather3A_823 = tpu.vector_load_idx %arg15[%add3A_735, %add3A_822] : memref<512x128xf32, #tpu.memory_space<vmem>>[vector<16xi32>, vector<16xi32>], vector<16xf32>,
        %mul3A_824 = arith.mulf %mul3A_246, %gather3A_823 : vector<16xf32>
        %add3A_825 = arith.addf %add3A_753, %mul3A_824 : vector<16xf32>
        %add3A_826 = arith.constant 3 : i32
        %add3A_827 = vector.broadcast %add3A_826 : i32 to vector<16xi32>
        %add3A_828 = arith.addi %sub3A_728, %add3A_827 : vector<16xi32>
        %gather3A_829 = tpu.vector_load_idx %arg15[%add3A_735, %add3A_828] : memref<512x128xf32, #tpu.memory_space<vmem>>[vector<16xi32>, vector<16xi32>], vector<16xf32>,
        %mul3A_830 = arith.mulf %mul3A_246, %gather3A_829 : vector<16xf32>
        %add3A_831 = arith.addf %add3A_759, %mul3A_830 : vector<16xf32>
        %add3A_832 = arith.constant 4 : i32
        %add3A_833 = vector.broadcast %add3A_832 : i32 to vector<16xi32>
        %add3A_834 = arith.addi %sub3A_728, %add3A_833 : vector<16xi32>
        %gather3A_835 = tpu.vector_load_idx %arg15[%add3A_735, %add3A_834] : memref<512x128xf32, #tpu.memory_space<vmem>>[vector<16xi32>, vector<16xi32>], vector<16xf32>,
        %mul3A_836 = arith.mulf %mul3A_246, %gather3A_835 : vector<16xf32>
        %add3A_837 = arith.addf %add3A_765, %mul3A_836 : vector<16xf32>
        %add3A_838 = arith.constant 5 : i32
        %add3A_839 = vector.broadcast %add3A_838 : i32 to vector<16xi32>
        %add3A_840 = arith.addi %sub3A_728, %add3A_839 : vector<16xi32>
        %gather3A_841 = tpu.vector_load_idx %arg15[%add3A_735, %add3A_840] : memref<512x128xf32, #tpu.memory_space<vmem>>[vector<16xi32>, vector<16xi32>], vector<16xf32>,
        %mul3A_842 = arith.mulf %mul3A_246, %gather3A_841 : vector<16xf32>
        %add3A_843 = arith.addf %add3A_771, %mul3A_842 : vector<16xf32>
        %add3A_844 = arith.constant 6 : i32
        %add3A_845 = vector.broadcast %add3A_844 : i32 to vector<16xi32>
        %add3A_846 = arith.addi %sub3A_728, %add3A_845 : vector<16xi32>
        %gather3A_847 = tpu.vector_load_idx %arg15[%add3A_735, %add3A_846] : memref<512x128xf32, #tpu.memory_space<vmem>>[vector<16xi32>, vector<16xi32>], vector<16xf32>,
        %mul3A_848 = arith.mulf %mul3A_246, %gather3A_847 : vector<16xf32>
        %add3A_849 = arith.addf %add3A_777, %mul3A_848 : vector<16xf32>
        %add3A_850 = arith.constant 7 : i32
        %add3A_851 = vector.broadcast %add3A_850 : i32 to vector<16xi32>
        %add3A_852 = arith.addi %sub3A_728, %add3A_851 : vector<16xi32>
        %gather3A_853 = tpu.vector_load_idx %arg15[%add3A_735, %add3A_852] : memref<512x128xf32, #tpu.memory_space<vmem>>[vector<16xi32>, vector<16xi32>], vector<16xf32>,
        %mul3A_854 = arith.mulf %mul3A_246, %gather3A_853 : vector<16xf32>
        %add3A_855 = arith.addf %add3A_783, %mul3A_854 : vector<16xf32>
        %add3A_856 = arith.constant 8 : i32
        %add3A_857 = vector.broadcast %add3A_856 : i32 to vector<16xi32>
        %add3A_858 = arith.addi %sub3A_728, %add3A_857 : vector<16xi32>
        %gather3A_859 = tpu.vector_load_idx %arg15[%add3A_735, %add3A_858] : memref<512x128xf32, #tpu.memory_space<vmem>>[vector<16xi32>, vector<16xi32>], vector<16xf32>,
        %mul3A_860 = arith.mulf %mul3A_246, %gather3A_859 : vector<16xf32>
        %add3A_861 = arith.addf %add3A_789, %mul3A_860 : vector<16xf32>
        %add3A_862 = arith.constant 9 : i32
        %add3A_863 = vector.broadcast %add3A_862 : i32 to vector<16xi32>
        %add3A_864 = arith.addi %sub3A_728, %add3A_863 : vector<16xi32>
        %gather3A_865 = tpu.vector_load_idx %arg15[%add3A_735, %add3A_864] : memref<512x128xf32, #tpu.memory_space<vmem>>[vector<16xi32>, vector<16xi32>], vector<16xf32>,
        %mul3A_866 = arith.mulf %mul3A_246, %gather3A_865 : vector<16xf32>
        %add3A_867 = arith.addf %add3A_795, %mul3A_866 : vector<16xf32>
        %add3A_868 = arith.constant 10 : i32
        %add3A_869 = vector.broadcast %add3A_868 : i32 to vector<16xi32>
        %add3A_870 = arith.addi %sub3A_728, %add3A_869 : vector<16xi32>
        %gather3A_871 = tpu.vector_load_idx %arg15[%add3A_735, %add3A_870] : memref<512x128xf32, #tpu.memory_space<vmem>>[vector<16xi32>, vector<16xi32>], vector<16xf32>,
        %mul3A_872 = arith.mulf %mul3A_246, %gather3A_871 : vector<16xf32>
        %add3A_873 = arith.addf %add3A_801, %mul3A_872 : vector<16xf32>
        %add3A_874 = arith.constant 11 : i32
        %add3A_875 = vector.broadcast %add3A_874 : i32 to vector<16xi32>
        %add3A_876 = arith.addi %sub3A_728, %add3A_875 : vector<16xi32>
        %gather3A_877 = tpu.vector_load_idx %arg15[%add3A_735, %add3A_876] : memref<512x128xf32, #tpu.memory_space<vmem>>[vector<16xi32>, vector<16xi32>], vector<16xf32>,
        %mul3A_878 = arith.mulf %mul3A_246, %gather3A_877 : vector<16xf32>
        %add3A_879 = arith.addf %add3A_807, %mul3A_878 : vector<16xf32>
        %add3A_880 = vector.broadcast %add3A_221 : i32 to vector<16xi32>
        %add3A_881 = arith.addi %add3A_880, %iota3A : vector<16xi32>
        %broadcast_in_dim3A = arith.constant 0 : i32
        %broadcast_in_dim3A_882 = vector.broadcast %broadcast_in_dim3A : i32 to vector<16xi32>
        tpu.vector_store_idx %arg16[%add3A_881, %broadcast_in_dim3A_882], %add3A_813 : memref<64x12xf32, #tpu.memory_space<vmem>>[vector<16xi32>, vector<16xi32>], vector<16xf32>,
        %add3A_883 = vector.broadcast %add3A_221 : i32 to vector<16xi32>
        %add3A_884 = arith.addi %add3A_883, %iota3A : vector<16xi32>
        %broadcast_in_dim3A_885 = arith.constant 1 : i32
        %broadcast_in_dim3A_886 = vector.broadcast %broadcast_in_dim3A_885 : i32 to vector<16xi32>
        tpu.vector_store_idx %arg16[%add3A_884, %broadcast_in_dim3A_886], %add3A_819 : memref<64x12xf32, #tpu.memory_space<vmem>>[vector<16xi32>, vector<16xi32>], vector<16xf32>,
        %add3A_887 = vector.broadcast %add3A_221 : i32 to vector<16xi32>
        %add3A_888 = arith.addi %add3A_887, %iota3A : vector<16xi32>
        %broadcast_in_dim3A_889 = arith.constant 2 : i32
        %broadcast_in_dim3A_890 = vector.broadcast %broadcast_in_dim3A_889 : i32 to vector<16xi32>
        tpu.vector_store_idx %arg16[%add3A_888, %broadcast_in_dim3A_890], %add3A_825 : memref<64x12xf32, #tpu.memory_space<vmem>>[vector<16xi32>, vector<16xi32>], vector<16xf32>,
        %add3A_891 = vector.broadcast %add3A_221 : i32 to vector<16xi32>
        %add3A_892 = arith.addi %add3A_891, %iota3A : vector<16xi32>
        %broadcast_in_dim3A_893 = arith.constant 3 : i32
        %broadcast_in_dim3A_894 = vector.broadcast %broadcast_in_dim3A_893 : i32 to vector<16xi32>
        tpu.vector_store_idx %arg16[%add3A_892, %broadcast_in_dim3A_894], %add3A_831 : memref<64x12xf32, #tpu.memory_space<vmem>>[vector<16xi32>, vector<16xi32>], vector<16xf32>,
        %add3A_895 = vector.broadcast %add3A_221 : i32 to vector<16xi32>
        %add3A_896 = arith.addi %add3A_895, %iota3A : vector<16xi32>
        %broadcast_in_dim3A_897 = arith.constant 4 : i32
        %broadcast_in_dim3A_898 = vector.broadcast %broadcast_in_dim3A_897 : i32 to vector<16xi32>
        tpu.vector_store_idx %arg16[%add3A_896, %broadcast_in_dim3A_898], %add3A_837 : memref<64x12xf32, #tpu.memory_space<vmem>>[vector<16xi32>, vector<16xi32>], vector<16xf32>,
        %add3A_899 = vector.broadcast %add3A_221 : i32 to vector<16xi32>
        %add3A_900 = arith.addi %add3A_899, %iota3A : vector<16xi32>
        %broadcast_in_dim3A_901 = arith.constant 5 : i32
        %broadcast_in_dim3A_902 = vector.broadcast %broadcast_in_dim3A_901 : i32 to vector<16xi32>
        tpu.vector_store_idx %arg16[%add3A_900, %broadcast_in_dim3A_902], %add3A_843 : memref<64x12xf32, #tpu.memory_space<vmem>>[vector<16xi32>, vector<16xi32>], vector<16xf32>,
        %add3A_903 = vector.broadcast %add3A_221 : i32 to vector<16xi32>
        %add3A_904 = arith.addi %add3A_903, %iota3A : vector<16xi32>
        %broadcast_in_dim3A_905 = arith.constant 6 : i32
        %broadcast_in_dim3A_906 = vector.broadcast %broadcast_in_dim3A_905 : i32 to vector<16xi32>
        tpu.vector_store_idx %arg16[%add3A_904, %broadcast_in_dim3A_906], %add3A_849 : memref<64x12xf32, #tpu.memory_space<vmem>>[vector<16xi32>, vector<16xi32>], vector<16xf32>,
        %add3A_907 = vector.broadcast %add3A_221 : i32 to vector<16xi32>
        %add3A_908 = arith.addi %add3A_907, %iota3A : vector<16xi32>
        %broadcast_in_dim3A_909 = arith.constant 7 : i32
        %broadcast_in_dim3A_910 = vector.broadcast %broadcast_in_dim3A_909 : i32 to vector<16xi32>
        tpu.vector_store_idx %arg16[%add3A_908, %broadcast_in_dim3A_910], %add3A_855 : memref<64x12xf32, #tpu.memory_space<vmem>>[vector<16xi32>, vector<16xi32>], vector<16xf32>,
        %add3A_911 = vector.broadcast %add3A_221 : i32 to vector<16xi32>
        %add3A_912 = arith.addi %add3A_911, %iota3A : vector<16xi32>
        %broadcast_in_dim3A_913 = arith.constant 8 : i32
        %broadcast_in_dim3A_914 = vector.broadcast %broadcast_in_dim3A_913 : i32 to vector<16xi32>
        tpu.vector_store_idx %arg16[%add3A_912, %broadcast_in_dim3A_914], %add3A_861 : memref<64x12xf32, #tpu.memory_space<vmem>>[vector<16xi32>, vector<16xi32>], vector<16xf32>,
        %add3A_915 = vector.broadcast %add3A_221 : i32 to vector<16xi32>
        %add3A_916 = arith.addi %add3A_915, %iota3A : vector<16xi32>
        %broadcast_in_dim3A_917 = arith.constant 9 : i32
        %broadcast_in_dim3A_918 = vector.broadcast %broadcast_in_dim3A_917 : i32 to vector<16xi32>
        tpu.vector_store_idx %arg16[%add3A_916, %broadcast_in_dim3A_918], %add3A_867 : memref<64x12xf32, #tpu.memory_space<vmem>>[vector<16xi32>, vector<16xi32>], vector<16xf32>,
        %add3A_919 = vector.broadcast %add3A_221 : i32 to vector<16xi32>
        %add3A_920 = arith.addi %add3A_919, %iota3A : vector<16xi32>
        %broadcast_in_dim3A_921 = arith.constant 10 : i32
        %broadcast_in_dim3A_922 = vector.broadcast %broadcast_in_dim3A_921 : i32 to vector<16xi32>
        tpu.vector_store_idx %arg16[%add3A_920, %broadcast_in_dim3A_922], %add3A_873 : memref<64x12xf32, #tpu.memory_space<vmem>>[vector<16xi32>, vector<16xi32>], vector<16xf32>,
        %add3A_923 = vector.broadcast %add3A_221 : i32 to vector<16xi32>
        %add3A_924 = arith.addi %add3A_923, %iota3A : vector<16xi32>
        %broadcast_in_dim3A_925 = arith.constant 11 : i32
        %broadcast_in_dim3A_926 = vector.broadcast %broadcast_in_dim3A_925 : i32 to vector<16xi32>
        tpu.vector_store_idx %arg16[%add3A_924, %broadcast_in_dim3A_926], %add3A_879 : memref<64x12xf32, #tpu.memory_space<vmem>>[vector<16xi32>, vector<16xi32>], vector<16xf32>,
      }
      %scan3A_206 = arith.constant 2 : i32
      %dma_start3A_207 = arith.constant 32 : i32
      %dma_start3A_208 = arith.constant 0 : i32
      %dma_start3A_209 = tpu.memref_slice %arg16[%dma_start3A_207, %dma_start3A_208] : memref<64x12xf32, #tpu.memory_space<vmem>> -> memref<32x12xf32, #tpu.memory_space<vmem>>
      %dma_start3A_210 = arith.constant 0 : i32
      %dma_start3A_211 = tpu.memref_slice %arg6[%add3A_188, %dma_start3A_210] : memref<1048576x12xf32, #tpu.memory_space<hbm>> -> memref<32x12xf32, #tpu.memory_space<hbm>>
      %dma_start3A_212 = arith.constant 0 : i32
      %dma_start3A_213 = tpu.memref_slice %arg6[%add3A_188, %dma_start3A_212] : memref<1048576x12xf32, #tpu.memory_space<hbm>> -> memref<32x12xf32, #tpu.memory_space<hbm>>
      %dma_start3A_214 = arith.constant 32 : i32
      %dma_start3A_215 = arith.constant 0 : i32
      %dma_start3A_216 = tpu.memref_slice %arg16[%dma_start3A_214, %dma_start3A_215] : memref<64x12xf32, #tpu.memory_space<vmem>> -> memref<32x12xf32, #tpu.memory_space<vmem>>
      tpu.enqueue_dma source(%dma_start3A_216 : memref<32x12xf32, #tpu.memory_space<vmem>>) target(%dma_start3A_213 : memref<32x12xf32, #tpu.memory_space<hbm>>) target_semaphore(%arg22 : memref<!tpu.dma_semaphore, #tpu.memory_space<semaphore_mem>>)
    }
    %scan3A_101 = arith.constant 512 : i32
    %dma_wait3A_102 = arith.constant 0 : i32
    %dma_wait3A_103 = arith.constant 0 : i32
    %dma_wait3A_104 = tpu.memref_slice %arg16[%dma_wait3A_102, %dma_wait3A_103] : memref<64x12xf32, #tpu.memory_space<vmem>> -> memref<32x12xf32, #tpu.memory_space<vmem>>
    %dma_wait3A_105 = arith.constant 0 : i32
    %dma_wait3A_106 = arith.constant 0 : i32
    %dma_wait3A_107 = tpu.memref_slice %arg6[%dma_wait3A_105, %dma_wait3A_106] : memref<1048576x12xf32, #tpu.memory_space<hbm>> -> memref<32x12xf32, #tpu.memory_space<hbm>>
    %dma_wait3A_108 = arith.constant 0 : i32
    %dma_wait3A_109 = arith.constant 0 : i32
    %dma_wait3A_110 = tpu.memref_slice %arg6[%dma_wait3A_108, %dma_wait3A_109] : memref<1048576x12xf32, #tpu.memory_space<hbm>> -> memref<32x12xf32, #tpu.memory_space<hbm>>
    %dma_wait3A_111 = arith.constant 0 : i32
    %dma_wait3A_112 = arith.constant 0 : i32
    %dma_wait3A_113 = tpu.memref_slice %arg16[%dma_wait3A_111, %dma_wait3A_112] : memref<64x12xf32, #tpu.memory_space<vmem>> -> memref<32x12xf32, #tpu.memory_space<vmem>>
    tpu.wait_dma2 semaphore(%arg21 : memref<!tpu.dma_semaphore, #tpu.memory_space<semaphore_mem>>) src(%dma_wait3A_113 : memref<32x12xf32, #tpu.memory_space<vmem>>) dst(%dma_wait3A_110 : memref<32x12xf32, #tpu.memory_space<hbm>>)
    %dma_wait3A_114 = arith.constant 32 : i32
    %dma_wait3A_115 = arith.constant 0 : i32
    %dma_wait3A_116 = tpu.memref_slice %arg16[%dma_wait3A_114, %dma_wait3A_115] : memref<64x12xf32, #tpu.memory_space<vmem>> -> memref<32x12xf32, #tpu.memory_space<vmem>>
    %dma_wait3A_117 = arith.constant 0 : i32
    %dma_wait3A_118 = arith.constant 0 : i32
    %dma_wait3A_119 = tpu.memref_slice %arg6[%dma_wait3A_117, %dma_wait3A_118] : memref<1048576x12xf32, #tpu.memory_space<hbm>> -> memref<32x12xf32, #tpu.memory_space<hbm>>
    %dma_wait3A_120 = arith.constant 0 : i32
    %dma_wait3A_121 = arith.constant 0 : i32
    %dma_wait3A_122 = tpu.memref_slice %arg6[%dma_wait3A_120, %dma_wait3A_121] : memref<1048576x12xf32, #tpu.memory_space<hbm>> -> memref<32x12xf32, #tpu.memory_space<hbm>>
    %dma_wait3A_123 = arith.constant 32 : i32
    %dma_wait3A_124 = arith.constant 0 : i32
    %dma_wait3A_125 = tpu.memref_slice %arg16[%dma_wait3A_123, %dma_wait3A_124] : memref<64x12xf32, #tpu.memory_space<vmem>> -> memref<32x12xf32, #tpu.memory_space<vmem>>
    tpu.wait_dma2 semaphore(%arg22 : memref<!tpu.dma_semaphore, #tpu.memory_space<semaphore_mem>>) src(%dma_wait3A_125 : memref<32x12xf32, #tpu.memory_space<vmem>>) dst(%dma_wait3A_122 : memref<32x12xf32, #tpu.memory_space<hbm>>)
    return
  }
}

</mosaic_0001>

<sc_bundles>
// kernel: kernel.3.cloned.1.call-start
scs
__scs_entry_jumppad:
0x0: {  	(pc) =	sbr.rel $0x88, $3  }
0x1: {  	(tag) =	ssettag $0x0;
	lr =	simm.s32 $0x1  }
0x2: {  	[smem:$0x3F9F] =	sst lr;
	_ =	strace $0xD0000000  }
0x3: {  	_ = 	snop  }
0x4: {  	_ = 	snop  }
0x5: {  	_ = 	snop  }
0x6: {  	_ = 	snop  }
0x7: {  	_ = 	snop  }
__scs_overlays_trampoline_lowered:
0x8: {  	[smem:$0x3FAE] =	sst s0  }
0x9: {  	[smem:$0x3FAF] =	sst s1  }
0xa: {  	[smem:$0x3FB0] =	sst s2  }
0xb: {  	[smem:$0x3FB1] =	sst s3  }
0xc: {  	[smem:$0x3FB2] =	sst s4  }
0xd: {  	[smem:$0x3FB3] =	sst s5  }
0xe: {  	[smem:$0x3FB4] =	sst s6  }
0xf: {  	[smem:$0x3FB5] =	sst s7  }
0x10: {  	[smem:$0x3FB6] =	sst s8  }
0x11: {  	[smem:$0x3FB7] =	sst s9;
	s0 =	simm.s32 @!p0 $0x0  }
0x12: {  	s1 =	sld [smem:$0x3F9D];
	s0 =	simm.s32 @p0 $0x1  }
0x13: {  	[smem:$0x3FB8] =	sst s0;
	s0 =	simm.s32 @!p1 $0x0  }
0x14: {  	s2 =	sld [smem:$0x3F9C];
	s0 =	simm.s32 @p1 $0x1  }
0x15: {  	[smem:$0x3FB9] =	sst s0;
	s0 =	simm.s32 @!p2 $0x0  }
0x16: {  	s3 =	sld [smem:$0x3FDB];
	s0 =	simm.s32 @p2 $0x1  }
0x17: {  	s4 =	simm.s32 $0x1BF5;
	[smem:$0x3FBB] =	sst s0  }
0x18: {  	s0 =	sld [smem:$0x3F9E];
	_ =	swait.ge [sflag:s4], $0x0  }
0x19: {  	s7 =	sld [smem:$0x3F9F]  }
0x1a: {  	s8 =	sadd.s32 $0xFFFFE003, lr  }
0x1b: {  	s9 =	sadd.s32 $0xFFFFFEF7, lr;
	s5 =	simm.s32 $0xFFFFFFFF;
	p2 =	slt.u32 s8, $0xFFFFF086  }
0x1c: {  	p1 =	slt.u32 s9, $0xF7A;
	s5 =	simm.s32 @!p2 $0x0  }
0x1d: {  	s5 =	simm.s32 @p1 $0x1;
	p0 =	seq.s32 s7, s2  }
0x1e: {  	s7 =	smul.u32 @!p0 $0xF7A, s2;
	p2 =	seq.s32 @!p0 s5, $0x0  }
0x1f: {  	s9 =	smul.u32 $0xF7A, s1;
	s8 =	simm.s32 @!p0 $0x1BF5;
	p2 =	por !p2, p0  }
0x20: {  	[sflag:s8] =	ssyncset.s32 @!p0 $0xFFFFF086;
	s6 =	sadd.s32 @!p0 s3, s7;
	s7 =	simm.s32 @!p0 $0x108  }
0x21: {  	s3 =	sadd.s32 s3, s9;
	s6 =	sadd.s32 @!p0 $0x88, s6;
	s7 =	simm.s32 @p2 $0x1082  }
0x22: {  	[simem:s7], [sflag:s8] =	dma.local @!p0 [hbm:s6], $0xF7A  }
0x23: {  	s9 =	sor.u32 $0xD0000000, s2;
	s6 =	simm.s32 $0x108;
	_ =	swait.ge @!p0 [sflag:s8], $0x0  }
0x24: {  	s3 =	sadd.s32 $0x88, s3;
	s6 =	simm.s32 @!p1 $0x1082;
	[sflag:s4] =	ssyncset.s32 $0xFFFFF086  }
0x25: {  	[simem:s6], [sflag:s4] =	dma.local [hbm:s3], $0xF7A  }
0x26: {  	[smem:$0x3F9F] =	sst s1;
	(tag) =	ssettag s2;
	_ =	strace s9  }
0x27: {  	s1 =	sld [smem:$0x3FAF]  }
0x28: {  	s2 =	sld [smem:$0x3FB0]  }
0x29: {  	s4 =	sld [smem:$0x3FB2]  }
0x2a: {  	p0 =	seq.s32 s5, $0x0;
	s5 =	sld [smem:$0x3FB3]  }
0x2b: {  	s6 =	sld [smem:$0x3FB4]  }
0x2c: {  	s7 =	sld [smem:$0x3FB5]  }
0x2d: {  	s3 =	simm.s32 $0x108;
	s8 =	sld [smem:$0x3FB6]  }
0x2e: {  	s3 =	simm.s32 @!p0 $0x1082;
	s9 =	sld [smem:$0x3FB7]  }
0x2f: {  	lr =	sadd.s32 s0, s3;
	s0 =	sld [smem:$0x3FAE]  }
0x30: {  	s3 =	sld [smem:$0x3FB1]  }
0x31: {  	[smem:$0x3FBA] =	sst s10  }
0x32: {  	s10 =	sld [smem:$0x3FB8];
	_ =	sdelay $0x3  }
0x33: {  	p0 =	seq.s32 s10, $0x1;
	s10 =	sld [smem:$0x3FBA];
	_ =	sdelay $0x3  }
0x34: {  	[smem:$0x3FBA] =	sst s10  }
0x35: {  	s10 =	sld [smem:$0x3FB9];
	_ =	sdelay $0x3  }
0x36: {  	p1 =	seq.s32 s10, $0x1;
	s10 =	sld [smem:$0x3FBA];
	_ =	sdelay $0x3  }
0x37: {  	[smem:$0x3FBA] =	sst s10  }
0x38: {  	s10 =	sld [smem:$0x3FBB]  }
0x39: {  	_ = 	snop;
	(pc) =	sbr.ind lr, $3  }
0x3a: {  	_ = 	snop  }
0x3b: {  	_ = 	snop  }
0x3c: {  	p2 =	seq.s32 s10, $0x1;
	s10 =	sld [smem:$0x3FBA]  }
0x3d: {  	_ =	shalt  }
0x3e: {  	_ =	shalt  }
0x3f: {  	_ =	shalt  }
0x40: {  	_ =	shalt  }
0x41: {  	_ =	shalt  }
0x42: {  	_ =	shalt  }
0x43: {  	_ =	shalt  }
0x44: {  	_ =	shalt  }
0x45: {  	_ =	shalt  }
0x46: {  	_ =	shalt  }
0x47: {  	_ =	shalt  }
0x48: {  	_ =	shalt  }
0x49: {  	_ =	shalt  }
0x4a: {  	_ =	shalt  }
0x4b: {  	_ =	shalt  }
0x4c: {  	_ =	shalt  }
0x4d: {  	_ =	shalt  }
0x4e: {  	_ =	shalt  }
0x4f: {  	_ =	shalt  }
0x50: {  	_ =	shalt  }
0x51: {  	_ =	shalt  }
0x52: {  	_ =	shalt  }
0x53: {  	_ =	shalt  }
0x54: {  	_ =	shalt  }
0x55: {  	_ =	shalt  }
0x56: {  	_ =	shalt  }
0x57: {  	_ =	shalt  }
0x58: {  	_ =	shalt  }
0x59: {  	_ =	shalt  }
0x5a: {  	_ =	shalt  }
0x5b: {  	_ =	shalt  }
0x5c: {  	_ =	shalt  }
0x5d: {  	_ =	shalt  }
0x5e: {  	_ =	shalt  }
0x5f: {  	_ =	shalt  }
0x60: {  	_ =	shalt  }
0x61: {  	_ =	shalt  }
0x62: {  	_ =	shalt  }
0x63: {  	_ =	shalt  }
0x64: {  	_ =	shalt  }
0x65: {  	_ =	shalt  }
0x66: {  	_ =	shalt  }
0x67: {  	_ =	shalt  }
0x68: {  	_ =	shalt  }
0x69: {  	_ =	shalt  }
0x6a: {  	_ =	shalt  }
0x6b: {  	_ =	shalt  }
0x6c: {  	_ =	shalt  }
0x6d: {  	_ =	shalt  }
0x6e: {  	_ =	shalt  }
0x6f: {  	_ =	shalt  }
0x70: {  	_ =	shalt  }
0x71: {  	_ =	shalt  }
0x72: {  	_ =	shalt  }
0x73: {  	_ =	shalt  }
0x74: {  	_ =	shalt  }
0x75: {  	_ =	shalt  }
0x76: {  	_ =	shalt  }
0x77: {  	_ =	shalt  }
0x78: {  	_ =	shalt  }
0x79: {  	_ =	shalt  }
0x7a: {  	_ =	shalt  }
0x7b: {  	_ =	shalt  }
0x7c: {  	_ =	shalt  }
0x7d: {  	_ =	shalt  }
0x7e: {  	_ =	shalt  }
0x7f: {  	_ =	shalt  }
0x80: {  	_ =	shalt  }
0x81: {  	_ =	shalt  }
0x82: {  	_ =	shalt  }
0x83: {  	_ =	shalt  }
0x84: {  	_ =	shalt  }
0x85: {  	_ =	shalt  }
0x86: {  	_ =	shalt  }
0x87: {  	_ =	shalt  }
.Lfunc_end0:
.L_simem_size_0:
called_computation_lowered:
.L_overlay_start_0:
0x88: {  	s2 =	sld [smem:$0x3FD9]  }
0x89: {  	s3 =	sld [smem:$0x3FFE];
	_ =	sdelay $0x1  }
0x8a: {  	s1 =	srdreg.scid  }
0x8b: {  	s0 =	sand.u32 $0x1, s1  }
0x8c: {  	s17 =	sshll.u32 s0, $0xA;
	s2 =	sadd.s32 s3, s2  }
0x8d: {  	s2 =	sadd.s32 s2, s17  }
0x8e: {  	[smem:$0x3FC6] =	sst s2  }
0x8f: {  	_ = 	snop  }
0x90: {  	s2 =	sld [smem:$0x3FD0];
	(tm) =	ssettm $0x1  }
0x91: {  	s18 =	sld [smem:$0x3FFB];
	_ =	sdelay $0x3  }
0x92: {  	_ =	strace s18  }
0x93: {  	s3 =	sld [smem:$0x3FFC];
	_ =	sdelay $0x3  }
0x94: {  	_ =	strace s3  }
0x95: {  	s3 =	sld [smem:$0x3FFD];
	_ =	sdelay $0x3  }
0x96: {  	_ =	strace s3  }
0x97: {  	_ =	strace $0x8FFFFFFF  }
0x98: {  	s19 =	sld [smem:$0x3FDB];
	_ =	sdelay $0x1  }
0x99: {  	s4 =	simm.s32 $_scs_section_size  }
0x9a: {  	s5 =	simm.s32 $_size__tile_overlayer_lowered;
	s6 =	simm.s32 $_tile_overlayer_lowered  }
0x9b: {  	s22 =	simm.s32 $0x1BFF;
	s21 =	sshll.u32 s6, $0x1;
	s3 =	sadd.s32 s4, s19  }
0x9c: {  	s7 =	simm.s32 $0x0;
	s20 =	sshll.u32 s5, $0x1;
	s5 =	sadd.s32 s21, s3  }
0x9d: {  	[timem:s7], [sflag:s22] =	dma.local [hbm:s5], s20  }
0x9e: {  	_ =	swait.ge [sflag:s22], s20  }
0x9f: {  	s4 =	ssub.s32 $0x0, s20;
	[sflag:s22] =	ssyncset.done $0x0  }
0xa0: {  	[sflag:s22] =	ssyncadd.s32 s4;
	_ =	sdelay $0x1  }
0xa1: {  	s23 =	simm.s32 $0x1B8B  }
0xa2: {  	_ =	swait.ge [sflag:s23], $0x1  }
0xa3: {  	[sflag:s23] =	ssyncset.done $0x0  }
0xa4: {  	s25 =	simm.s32 $0x1B8E;
	s24 =	sld [smem:$0x3FFE];
	[sflag:s23] =	ssyncadd.s32 $0xFFFFFFFF  }
0xa5: {  	s26 =	simm.s32 $execute0_lowered;
	[smem:$0x3FD2] =	sst s25  }
0xa6: {  	s5 =	sshll.u32 s26, $0x1;
	_ =	strace $0x80000046;
	[dreg:$0x1] =	wrdreg $0xFFFFFFFF  }
0xa7: {  	s28 =	simm.s32 $_size_execute0_lowered;
	s3 =	sadd.s32 s3, s5;
	[dreg:$0x0] =	wrdreg $0x0  }
0xa8: {  	s5 =	sshll.u32 s28, $0x1;
	[dreg:$0x2] =	wrdreg s3  }
0xa9: {  	[dreg:$0x3] =	wrdreg s5  }
0xaa: {  	[dreg:$0x4] =	wrdreg $0xC0  }
0xab: {  	_ =	task [dreg:s7], $0x5FFFF  }
0xac: {  	[dreg:$0x1] =	wrdreg $0xFFFFFFFF  }
0xad: {  	[dreg:$0x0] =	wrdreg $0x60  }
0xae: {  	[dreg:$0x2] =	wrdreg s24  }
0xaf: {  	[dreg:$0x3] =	wrdreg s2  }
0xb0: {  	[dreg:$0x4] =	wrdreg $0x9  }
0xb1: {  	_ =	task.clear_ibuf [dreg:s7], $0x5FFFF;
	_ =	strace $0x90000046  }
0xb2: {  	s29 =	simm.s32 $0x9;
	_ =	strace $0x80000048  }
0xb3: {  	_ =	swait.ge [sflag:s29], $0x1  }
0xb4: {  	[sflag:s29] =	ssyncadd.s32 $0xFFFFFFFF  }
0xb5: {  	_ =	strace $0x90000048  }
0xb6: {  	_ =	sfence  }
0xb7: {  	s30 =	sld [smem:$0x0];
	_ =	sdelay $0x2  }
0xb8: {  	s31 =	sshll.u32 s1, $0xD;
	s1 =	sshrl.u32 s1, $0x2  }
0xb9: {  	s3 =	sand.u32 $0x4000, s31;
	s1 =	sadd.s32 s1, s30  }
0xba: {  	s0 =	sor.u32 s3, s0;
	s1 =	sshll.u32 s1, $0x11  }
0xbb: {  	s0 =	sor.u32 s1, s0  }
0xbc: {  	s0 =	sadd.s32 $0x8F2B, s0  }
0xbd: {  	[sflag:s0] =	ssyncadd.remote.s32 $0x1  }
0xbe: {  	_ =	sfence.sel $0xFFFF  }
0xbf: {  	[dreg:$0x0] =	wrdreg $0xFFFFFFFF;
	(pc) =	sbr.abs _section_cstart, $3  }
0xc0: {  	[dreg:$0x1] =	wrdreg $0xFFFFFFFF  }
0xc1: {  	_ =	task.clear_ibuf [dreg:s7], $0x2FFFF;
	_ =	strace $0x9FFFFFFF  }
0xc2: {  	(tm) =	ssettm $0x7FFFFFFF  }
0xc3: {  	_ =	shalt  }
tec
execute0_lowered:
.L_overlay_start_1:
0x0: {  	(tag) =	ssettag $0x1  }
0x1: {  	s0 =	rddreg [dreg:$0x0]  }
0x2: {  	s1 =	rddreg [dreg:$0x1];
	s3 =	simm.s32 $0x0  }
0x3: {  	s2 =	srdreg.scid;
	s5 =	stileid.u32;
	s28 =	simm.s32 $0x1  }
0x4: {  	s30 =	simm.s32 $0x600;
	s31 =	simm.s32 $0x2;
	s29 =	simm.s32 $0x11600  }
0x5: {  	[smem:$0x7FF] =	sst s3;
	s2 =	sand.u32 $0x1, s2;
	s4 =	sadd.s32 $0x20600, s0  }
0x6: {  	s6 =	sshll.u32 s5, $0x10;
	s5 =	sadd.s32 $0x600, s0;
	s7 =	sshll.u32 s2, $0xF  }
0x7: {  	_ =	strace $0x80000047;
	s2 =	ssub.s32 $0x2, s2;
	s8 =	sor.u32 s7, s6  }
0x8: {  	s6 =	sadd.s32 $0x40600, s0;
	s9 =	sshrl.u32 s2, $0x1;
	s7 =	sadd.s32 $0x1F80600, s0  }
0x9: {  	s10 =	sshrl.u32 s8, $0x3;
	s2 =	ssub.s32 s2, s9;
	s17 =	sor.u32 $0x60, s8  }
0xa: {  	s18 =	sshll.u32 s8, $0x4;
	s19 =	sor.u32 $0x80, s8;
	s20 =	sadd.s32 s4, s10  }
0xb: {  	s8 =	simm.s32 $0x5;
	s21 =	sadd.s32 s5, s10;
	[dreg:$0x3] =	wrdreg s20  }
0xc: {  	s22 =	sadd.s32 s1, s10;
	s23 =	sor.u32 $0x4, s10;
	[dreg:$0x4] =	wrdreg s21  }
0xd: {  	s10 =	sor.u32 $0x8, s10;
	[dreg:$0x5] =	wrdreg s22;
	s11 =	sadd.s32 s4, s23  }
0xe: {  	s24 =	sadd.s32 s5, s23;
	s9 =	sadd.s32 s1, s23;
	s25 =	sadd.s32 s4, s10  }
0xf: {  	s26 =	sadd.s32 s5, s10;
	s16 =	sadd.s32 s1, s10;
	[dreg:$0x6] =	wrdreg s11  }
0x10: {  	s20 =	sadd.s32 $0x1F80800, s0;
	s21 =	smax.u32 s2, $0x1;
	[dreg:$0x7] =	wrdreg s24  }
0x11: {  	v0 =	vlaneseq.u32;
	s22 =	simm.s32 $0x80;
	s23 =	simm.s32 $0x100;
	[dreg:$0x8] =	wrdreg s9  }
0x12: {  	v0 =	vmul.u32 $0x80, v0;
	s0 =	simm.s32 $0x500;
	s2 =	simm.s32 $0x8600;
	[dreg:$0x9] =	wrdreg s25  }
0x13: {  	s10 =	simm.s32 $0x0;
	[dreg:$0xa] =	wrdreg s26;
	s24 =	simm.s32 $0x3  }
0x14: {  	v1 =	vor.u32 $0x6000, v0;
	v2 =	vor.u32 $0x4000, v0;
	v3 =	vor.u32 $0x2000, v0;
	s25 =	simm.s32 $0x10600;
	s26 =	simm.s32 $0x4;
	s9 =	simm.s32 $0x6  }
.LBB2_1:
0x15: {  	s11 =	rddreg [dreg:$0x3]  }
0x16: {  	[tilespmem:s3], [sflag:$0x1] =	stream.linear.gather [hbm4b:s11+s3], $0x20, $0x38;
	[tilespmem:$0x12600] =	vst v63  }
0x17: {  	s13 =	rddreg [dreg:$0x4]  }
0x18: {  	[tilespmem:s22], [sflag:$0x1] =	stream.linear.gather [hbm4b:s13+s3], $0x20, $0x38;
	[tilespmem:$0x12600] =	vst v63  }
0x19: {  	s14 =	rddreg [dreg:$0x5]  }
0x1a: {  	[tilespmem:s23], [sflag:$0x1] =	stream.linear.gather [hbm4b:s14+s3], $0x20, $0x38;
	[tilespmem:$0x12600] =	vst v63  }
0x1b: {  	s15 =	rddreg [dreg:$0x6];
	s12 =	simm.s32 $0x20  }
0x1c: {  	[tilespmem:s12], [sflag:$0x2] =	stream.linear.gather [hbm4b:s15+s3], $0x20, $0x38;
	[tilespmem:$0x12600] =	vst v63  }
0x1d: {  	s13 =	simm.s32 $0xA0;
	s12 =	rddreg [dreg:$0x7]  }
0x1e: {  	[tilespmem:s13], [sflag:$0x2] =	stream.linear.gather [hbm4b:s12+s3], $0x20, $0x38;
	[tilespmem:$0x12600] =	vst v63  }
0x1f: {  	s14 =	rddreg [dreg:$0x8];
	s15 =	simm.s32 $0x120  }
0x20: {  	[tilespmem:s15], [sflag:$0x2] =	stream.linear.gather [hbm4b:s14+s3], $0x20, $0x38;
	[tilespmem:$0x12600] =	vst v63  }
0x21: {  	_ =	swait.ge [sflag:s28], $0x20  }
0x22: {  	[sflag:s28] =	ssyncset.done $0x0  }
0x23: {  	[sflag:s28] =	ssyncadd.s32 $0xFFFFFFE0  }
0x24: {  	_ =	swait.ge [sflag:s28], $0x20  }
0x25: {  	[sflag:s28] =	ssyncset.done $0x0  }
0x26: {  	[sflag:s28] =	ssyncadd.s32 $0xFFFFFFE0  }
0x27: {  	_ =	swait.ge [sflag:s28], $0x20  }
0x28: {  	[sflag:s28] =	ssyncset.done $0x0  }
0x29: {  	[sflag:s28] =	ssyncadd.s32 $0xFFFFFFE0  }
0x2a: {  	v5 =	vld [tilespmem:$0x80]  }
0x2b: {  	v4 =	vld [tilespmem:$0x0]  }
0x2c: {  	v6 =	vld [tilespmem:$0x100];
	_ =	sdelay $0x2  }
0x2d: {  	v5 =	vadd.f32 $1.000000000e+00, v5  }
0x2e: {  	v4 =	vadd.f32 $1.000000000e+00, v4  }
0x2f: {  	v6 =	vadd.f32 $1.000000000e+00, v6;
	v5 =	vmul.f32 $5.000000000e-01, v5  }
0x30: {  	v10 =	vld [tilespmem:$0x10];
	v4 =	vmul.f32 $5.000000000e-01, v4  }
0x31: {  	v6 =	vmul.f32 $5.000000000e-01, v6;
	v5 =	vmul.f32 $1.590000000e+02, v5  }
0x32: {  	v4 =	vmul.f32 $1.590000000e+02, v4  }
0x33: {  	v6 =	vmul.f32 $1.590000000e+02, v6;
	v8 =	vtrunc.f32 v5  }
0x34: {  	v7 =	vtrunc.f32 v4;
	v8 =	vcvt.f32.s32 v8  }
0x35: {  	v12 =	vld [tilespmem:$0x90];
	v10 =	vadd.f32 $1.000000000e+00, v10;
	v9 =	vtrunc.f32 v6;
	v7 =	vcvt.f32.s32 v7  }
0x36: {  	v9 =	vcvt.f32.s32 v9;
	vm12 =	vgt.s32 v8, $0x0  }
0x37: {  	v48 =	vmul.f32 $5.000000000e-01, v10;
	vm0 =	vgt.s32 v7, $0x0;
	v8 =	vnsel vm12, $0x0, v8  }
0x38: {  	v13 =	vld [tilespmem:$0x110];
	vm1 =	vgt.s32 v9, $0x0;
	v7 =	vnsel vm0, $0x0, v7;
	v8 =	vmin.u32 v8, $0x9E  }
0x39: {  	v9 =	vnsel vm1, $0x0, v9;
	v7 =	vmin.u32 v7, $0x9E;
	v47 =	vcvt.s32.f32 v8  }
0x3a: {  	v49 =	vadd.f32 $1.000000000e+00, v12;
	v9 =	vmin.u32 v9, $0x9E;
	v11 =	vcvt.s32.f32 v7  }
0x3b: {  	v50 =	vmul.f32 $1.590000000e+02, v48;
	v53 =	vand.u32 $0x1, v9;
	v5 =	vsub.f32 v5, v47  }
0x3c: {  	v7 =	vmul.u32 $0x6400, v7;
	v8 =	vmul.u32 $0xA0, v8;
	[tilespmem:$0x300] =	vst v53;
	v4 =	vsub.f32 v4, v11  }
0x3d: {  	v51 =	vmul.f32 $5.000000000e-01, v49;
	[tilespmem:$0x200] =	vst v5;
	v5 =	vadd.f32 $1.000000000e+00, v13  }
0x3e: {  	v54 =	vtrunc.f32 v50;
	v14 =	vcvt.s32.f32 v9;
	[tilespmem:$0x180] =	vst v4;
	v4 =	vadd.s32 v7, v8  }
0x3f: {  	[tilespmem:$0x320] =	vst v53;
	v7 =	vmul.f32 $1.590000000e+02, v51;
	v4 =	vadd.s32 v9, v4;
	v5 =	vmul.f32 $5.000000000e-01, v5  }
0x40: {  	[tilespmem:$0x340] =	vst v53;
	v6 =	vsub.f32 v6, v14;
	v9 =	vcvt.f32.s32 v54;
	v4 =	vshrl.u32 v4, $0x1  }
0x41: {  	[tilespmem:$0x360] =	vst v53;
	v57 =	vtrunc.f32 v7;
	v52 =	vadd.s32 $0x1, v4;
	v5 =	vmul.f32 $1.590000000e+02, v5  }
0x42: {  	[tilespmem:$0x280] =	vst v6;
	v55 =	vadd.s32 $0x50, v4;
	v56 =	vadd.s32 $0x3200, v4;
	vm13 =	vgt.s32 v9, $0x0  }
0x43: {  	[tilespmem:$0x400] =	vst v4;
	v58 =	vcvt.f32.s32 v57;
	v4 =	vadd.s32 $0x3250, v4;
	v59 =	vtrunc.f32 v5  }
0x44: {  	[tilespmem:$0x420] =	vst v52;
	v10 =	vadd.s32 $0x1, v55;
	v11 =	vadd.s32 $0x1, v56;
	v12 =	vcvt.f32.s32 v59  }
0x45: {  	v9 =	vnsel vm13, $0x0, v9;
	[tilespmem:$0x4C0] =	vst v4;
	v4 =	vadd.s32 $0x1, v4;
	vm14 =	vgt.s32 v58, $0x0  }
0x46: {  	[tilespmem:$0x460] =	vst v10;
	v9 =	vmin.u32 v9, $0x9E;
	v10 =	vnsel vm14, $0x0, v58;
	vm15 =	vgt.s32 v12, $0x0  }
0x47: {  	[tilespmem:$0x440] =	vst v55;
	v60 =	vcvt.s32.f32 v9;
	v10 =	vmin.u32 v10, $0x9E;
	v12 =	vnsel vm15, $0x0, v12  }
0x48: {  	[tilespmem:$0x480] =	vst v56;
	v9 =	vmul.u32 $0x6400, v9;
	v61 =	vcvt.s32.f32 v10;
	v12 =	vmin.u32 v12, $0x9E  }
0x49: {  	[tilespmem:$0x4E0] =	vst v4;
	v6 =	vsub.f32 v50, v60;
	v10 =	vmul.u32 $0xA0, v10;
	v4 =	vcvt.s32.f32 v12  }
0x4a: {  	[tilespmem:$0x4A0] =	vst v11;
	v7 =	vsub.f32 v7, v61  }
0x4b: {  	[tilespmem:$0x190] =	vst v6;
	v4 =	vsub.f32 v5, v4;
	v5 =	vadd.s32 v9, v10  }
0x4c: {  	[tilespmem:$0x210] =	vst v7;
	v5 =	vadd.s32 v12, v5  }
0x4d: {  	[tilespmem:$0x290] =	vst v4;
	v4 =	vshrl.u32 v5, $0x1  }
0x4e: {  	[tilespmem:$0x410] =	vst v4;
	v5 =	vadd.s32 $0x1, v4  }
0x4f: {  	v62 =	vadd.s32 $0x50, v4;
	[tilespmem:$0x430] =	vst v5  }
0x50: {  	v63 =	vadd.s32 $0x3200, v4;
	[tilespmem:$0x450] =	vst v62  }
0x51: {  	v4 =	vadd.s32 $0x3250, v4;
	[tilespmem:$0x490] =	vst v63  }
0x52: {  	v5 =	vand.u32 $0x1, v12;
	[tilespmem:$0x4D0] =	vst v4  }
0x53: {  	v6 =	vadd.s32 $0x1, v62;
	[tilespmem:$0x310] =	vst v5  }
0x54: {  	[tilespmem:$0x470] =	vst v6  }
0x55: {  	[tilespmem:$0x330] =	vst v5  }
0x56: {  	v4 =	vadd.s32 $0x1, v4;
	[tilespmem:$0x350] =	vst v5  }
0x57: {  	[tilespmem:$0x4F0] =	vst v4  }
0x58: {  	v6 =	vadd.s32 $0x1, v63;
	[tilespmem:$0x370] =	vst v5  }
0x59: {  	s13 =	simm.s32 $0x400;
	[tilespmem:$0x4B0] =	vst v6  }
0x5a: {  	[tilespmem:s30], [sflag:$0x3] =	stream.indirect.gather [hbm4b:s6+s23], $0x80, s13, s23, $0xb8;
	[tilespmem:$0x12600] =	vst v63  }
0x5b: {  	s14 =	rddreg [dreg:$0x9]  }
0x5c: {  	[tilespmem:s3], [sflag:$0x1] =	stream.linear.gather [hbm4b:s14+s3], $0x20, $0x38;
	[tilespmem:$0x12600] =	vst v63  }
0x5d: {  	s15 =	rddreg [dreg:$0xa]  }
0x5e: {  	[tilespmem:s22], [sflag:$0x1] =	stream.linear.gather [hbm4b:s15+s3], $0x20, $0x38;
	[tilespmem:$0x12600] =	vst v63  }
0x5f: {  	s11 =	simm.s32 $0x0  }
0x60: {  	[tilespmem:s23], [sflag:$0x1] =	stream.linear.gather [hbm4b:s16+s3], $0x20, $0x38;
	[tilespmem:$0x12600] =	vst v63  }
.LBB2_2:
0x61: {  	_ =	swait.ge [sflag:s31], $0x20  }
0x62: {  	[sflag:s31] =	ssyncset.done $0x0  }
0x63: {  	[sflag:s31] =	ssyncadd.s32 $0xFFFFFFE0  }
0x64: {  	_ =	swait.ge [sflag:s31], $0x20  }
0x65: {  	[sflag:s31] =	ssyncset.done $0x0  }
0x66: {  	[sflag:s31] =	ssyncadd.s32 $0xFFFFFFE0  }
0x67: {  	_ =	swait.ge [sflag:s31], $0x20  }
0x68: {  	[sflag:s31] =	ssyncset.done $0x0  }
0x69: {  	[sflag:s31] =	ssyncadd.s32 $0xFFFFFFE0  }
0x6a: {  	v5 =	vld [tilespmem:$0xA0]  }
0x6b: {  	v4 =	vld [tilespmem:$0x20]  }
0x6c: {  	v6 =	vld [tilespmem:$0x120];
	_ =	sdelay $0x2  }
0x6d: {  	v5 =	vadd.f32 $1.000000000e+00, v5  }
0x6e: {  	v4 =	vadd.f32 $1.000000000e+00, v4  }
0x6f: {  	v6 =	vadd.f32 $1.000000000e+00, v6;
	v5 =	vmul.f32 $5.000000000e-01, v5  }
0x70: {  	v10 =	vld [tilespmem:$0x30];
	v4 =	vmul.f32 $5.000000000e-01, v4  }
0x71: {  	v6 =	vmul.f32 $5.000000000e-01, v6;
	v5 =	vmul.f32 $1.590000000e+02, v5  }
0x72: {  	v4 =	vmul.f32 $1.590000000e+02, v4  }
0x73: {  	v6 =	vmul.f32 $1.590000000e+02, v6;
	v8 =	vtrunc.f32 v5  }
0x74: {  	v7 =	vtrunc.f32 v4;
	v8 =	vcvt.f32.s32 v8  }
0x75: {  	v12 =	vld [tilespmem:$0xB0];
	v10 =	vadd.f32 $1.000000000e+00, v10;
	v9 =	vtrunc.f32 v6;
	v7 =	vcvt.f32.s32 v7  }
0x76: {  	v9 =	vcvt.f32.s32 v9;
	vm12 =	vgt.s32 v8, $0x0  }
0x77: {  	v48 =	vmul.f32 $5.000000000e-01, v10;
	vm0 =	vgt.s32 v7, $0x0;
	v8 =	vnsel vm12, $0x0, v8  }
0x78: {  	v13 =	vld [tilespmem:$0x130];
	vm1 =	vgt.s32 v9, $0x0;
	v7 =	vnsel vm0, $0x0, v7;
	v8 =	vmin.u32 v8, $0x9E  }
0x79: {  	v9 =	vnsel vm1, $0x0, v9;
	v7 =	vmin.u32 v7, $0x9E;
	v47 =	vcvt.s32.f32 v8  }
0x7a: {  	v49 =	vadd.f32 $1.000000000e+00, v12;
	v9 =	vmin.u32 v9, $0x9E;
	v11 =	vcvt.s32.f32 v7  }
0x7b: {  	v50 =	vmul.f32 $1.590000000e+02, v48;
	v53 =	vand.u32 $0x1, v9;
	v5 =	vsub.f32 v5, v47  }
0x7c: {  	v7 =	vmul.u32 $0x6400, v7;
	v8 =	vmul.u32 $0xA0, v8;
	[tilespmem:$0x380] =	vst v53;
	v4 =	vsub.f32 v4, v11  }
0x7d: {  	v51 =	vmul.f32 $5.000000000e-01, v49;
	[tilespmem:$0x220] =	vst v5;
	v5 =	vadd.f32 $1.000000000e+00, v13  }
0x7e: {  	v54 =	vtrunc.f32 v50;
	v14 =	vcvt.s32.f32 v9;
	[tilespmem:$0x1A0] =	vst v4;
	v4 =	vadd.s32 v7, v8  }
0x7f: {  	[tilespmem:$0x3A0] =	vst v53;
	v7 =	vmul.f32 $1.590000000e+02, v51;
	v4 =	vadd.s32 v9, v4;
	v5 =	vmul.f32 $5.000000000e-01, v5  }
0x80: {  	[tilespmem:$0x3C0] =	vst v53;
	v6 =	vsub.f32 v6, v14;
	v9 =	vcvt.f32.s32 v54;
	v4 =	vshrl.u32 v4, $0x1  }
0x81: {  	[tilespmem:$0x3E0] =	vst v53;
	v57 =	vtrunc.f32 v7;
	v52 =	vadd.s32 $0x1, v4;
	v5 =	vmul.f32 $1.590000000e+02, v5  }
0x82: {  	[tilespmem:$0x2A0] =	vst v6;
	v55 =	vadd.s32 $0x50, v4;
	v56 =	vadd.s32 $0x3200, v4;
	vm13 =	vgt.s32 v9, $0x0  }
0x83: {  	[tilespmem:$0x500] =	vst v4;
	v58 =	vcvt.f32.s32 v57;
	v4 =	vadd.s32 $0x3250, v4;
	v59 =	vtrunc.f32 v5  }
0x84: {  	[tilespmem:$0x520] =	vst v52;
	v10 =	vadd.s32 $0x1, v55;
	v11 =	vadd.s32 $0x1, v56;
	v12 =	vcvt.f32.s32 v59  }
0x85: {  	v9 =	vnsel vm13, $0x0, v9;
	[tilespmem:$0x5C0] =	vst v4;
	v4 =	vadd.s32 $0x1, v4;
	vm14 =	vgt.s32 v58, $0x0  }
0x86: {  	[tilespmem:$0x560] =	vst v10;
	v9 =	vmin.u32 v9, $0x9E;
	v10 =	vnsel vm14, $0x0, v58;
	vm15 =	vgt.s32 v12, $0x0  }
0x87: {  	[tilespmem:$0x540] =	vst v55;
	v60 =	vcvt.s32.f32 v9;
	v10 =	vmin.u32 v10, $0x9E;
	v12 =	vnsel vm15, $0x0, v12  }
0x88: {  	[tilespmem:$0x580] =	vst v56;
	v9 =	vmul.u32 $0x6400, v9;
	v61 =	vcvt.s32.f32 v10;
	v12 =	vmin.u32 v12, $0x9E  }
0x89: {  	[tilespmem:$0x5E0] =	vst v4;
	v6 =	vsub.f32 v50, v60;
	v10 =	vmul.u32 $0xA0, v10;
	v4 =	vcvt.s32.f32 v12  }
0x8a: {  	[tilespmem:$0x5A0] =	vst v11;
	v7 =	vsub.f32 v7, v61  }
0x8b: {  	[tilespmem:$0x1B0] =	vst v6;
	v4 =	vsub.f32 v5, v4;
	v5 =	vadd.s32 v9, v10  }
0x8c: {  	[tilespmem:$0x230] =	vst v7;
	v5 =	vadd.s32 v12, v5  }
0x8d: {  	[tilespmem:$0x2B0] =	vst v4;
	v4 =	vshrl.u32 v5, $0x1  }
0x8e: {  	[tilespmem:$0x510] =	vst v4;
	v5 =	vadd.s32 $0x1, v4  }
0x8f: {  	v62 =	vadd.s32 $0x50, v4;
	[tilespmem:$0x530] =	vst v5  }
0x90: {  	v63 =	vadd.s32 $0x3200, v4;
	[tilespmem:$0x550] =	vst v62  }
0x91: {  	v4 =	vadd.s32 $0x3250, v4;
	[tilespmem:$0x590] =	vst v63  }
0x92: {  	v5 =	vand.u32 $0x1, v12;
	[tilespmem:$0x5D0] =	vst v4  }
0x93: {  	v6 =	vadd.s32 $0x1, v62;
	[tilespmem:$0x390] =	vst v5  }
0x94: {  	[tilespmem:$0x570] =	vst v6  }
0x95: {  	[tilespmem:$0x3B0] =	vst v5  }
0x96: {  	p0 =	seq.s32 s11, $0x1FF;
	v4 =	vadd.s32 $0x1, v4;
	[tilespmem:$0x3D0] =	vst v5  }
0x97: {  	s12 =	sshll.u32 @!p0 s11, $0x6;
	[tilespmem:$0x5F0] =	vst v4  }
0x98: {  	s12 =	sadd.s32 @!p0 s12, s17;
	v6 =	vadd.s32 $0x1, v63;
	[tilespmem:$0x3F0] =	vst v5  }
0x99: {  	s12 =	sshrl.u32 @!p0 s12, $0x3;
	[tilespmem:$0x5B0] =	vst v6  }
0x9a: {  	[tilespmem:s2], [sflag:$0x4] =	stream.indirect.gather [hbm4b:s6+s23], $0x80, s0, s23, $0xb8;
	[tilespmem:$0x12600] =	vst v63  }
0x9b: {  	s14 =	simm.s32 @!p0 $0x0;
	s15 =	simm.s32 @!p0 $0x20;
	s13 =	sadd.s32 @!p0 s4, s12  }
0x9c: {  	[tilespmem:s15], [sflag:$0x2] =	stream.linear.gather @!p0 [hbm4b:s13+s14], $0x20, $0x38;
	[tilespmem:$0x12600] =	vst v63  }
0x9d: {  	s13 =	sadd.s32 @!p0 s5, s12;
	s15 =	simm.s32 @!p0 $0xA0  }
0x9e: {  	[tilespmem:s15], [sflag:$0x2] =	stream.linear.gather @!p0 [hbm4b:s13+s14], $0x20, $0x38;
	[tilespmem:$0x12600] =	vst v63  }
0x9f: {  	s12 =	sadd.s32 @!p0 s1, s12;
	s13 =	simm.s32 @!p0 $0x120  }
0xa0: {  	[tilespmem:s13], [sflag:$0x2] =	stream.linear.gather @!p0 [hbm4b:s12+s14], $0x20, $0x38;
	[tilespmem:$0x12600] =	vst v63  }
0xa1: {  	_ =	swait.ge [sflag:s24], $0x8000  }
0xa2: {  	p1 =	seq.s32 s11, $0x0;
	[sflag:s24] =	ssyncset.done $0x0  }
0xa3: {  	s13 =	simm.s32 @!p1 $0x5;
	[sflag:s24] =	ssyncadd.s32 $0xFFFF8000  }
0xa4: {  	_ =	swait.ge @!p1 [sflag:s13], $0x1000  }
0xa5: {  	p2 =	por $0x1, $0x1;
	[sflag:s13] =	ssyncset.done @!p1 $0x0  }
0xa6: {  	s12 =	sshll.u32 s11, $0xA;
	[sflag:s13] =	ssyncadd.s32 @!p1 $0xFFFFF000;
	s13 =	simm.s32 $0x0  }
.LBB2_3:
0xa7: {  	v12 =	vld [tilespmem:s13+$0x300]  }
0xa8: {  	v8 =	vld [tilespmem:s13+$0x180]  }
0xa9: {  	v9 =	vld [tilespmem:s13+$0x200];
	_ =	sdelay $0x2  }
0xaa: {  	v4 =	vmov s13  }
0xab: {  	v7 =	vshll.u32 v4, $0x7  }
0xac: {  	v11 =	vmul.u32 $0xC, v12;
	v13 =	vsub.f32 $1.000000000e+00, v8;
	v10 =	vsub.f32 $1.000000000e+00, v9  }
0xad: {  	v4 =	vor.u32 v0, v7;
	v12 =	vshll.u32 v12, $0xC  }
0xae: {  	v6 =	vand.u32 $0xFFFFFF80, v11;
	v14 =	vand.u32 $0x7C, v11;
	v16 =	vmul.f32 v10, v13  }
0xaf: {  	v61 =	vsub.s32 $0xC, v11;
	v18 =	vadd.s32 $0x4, v11;
	v22 =	vadd.s32 $0x5, v11  }
0xb0: {  	v5 =	vld [tilespmem:s13+$0x280];
	v23 =	vadd.s32 $0x6, v11;
	v25 =	vadd.s32 $0x7, v11;
	v33 =	vadd.s32 $0x8, v11  }
0xb1: {  	v26 =	vadd.s32 $0x9, v11;
	v37 =	vadd.s32 $0xA, v11;
	v38 =	vadd.s32 $0xB, v11  }
0xb2: {  	v40 =	vsub.s32 $0xD, v11;
	v43 =	vsub.s32 $0xF, v11;
	v13 =	vmul.f32 v9, v13  }
0xb3: {  	v51 =	vsub.s32 $0x11, v11;
	v54 =	vsub.s32 $0x12, v11;
	v55 =	vsub.s32 $0x13, v11  }
0xb4: {  	v58 =	vsub.s32 $0x14, v11;
	v10 =	vmul.f32 v10, v8;
	v9 =	vmul.f32 v9, v8  }
0xb5: {  	v15 =	vadd.s32 v4, v6;
	v6 =	vsub.f32 $1.000000000e+00, v5;
	v21 =	vand.u32 $0xFFFFFF80, v18  }
0xb6: {  	v18 =	vand.u32 $0x7C, v18;
	v62 =	vand.u32 $0xFFFFFF80, v22;
	v22 =	vand.u32 $0x7D, v22  }
0xb7: {  	v24 =	vand.u32 $0xFFFFFF80, v23;
	v23 =	vand.u32 $0x7E, v23;
	v31 =	vand.u32 $0xFFFFFF80, v25  }
0xb8: {  	v32 =	vand.u32 $0x7F, v25;
	v34 =	vand.u32 $0xFFFFFF80, v33;
	v25 =	vand.u32 $0x7C, v33  }
0xb9: {  	v27 =	vand.u32 $0xFFFFFF80, v26;
	v35 =	vand.u32 $0x7D, v26;
	v28 =	vand.u32 $0xFFFFFF80, v37  }
0xba: {  	v26 =	vand.u32 $0x7E, v37;
	v29 =	vand.u32 $0xFFFFFF80, v38;
	v39 =	vand.u32 $0xFFFFFF80, v61  }
0xbb: {  	v30 =	vand.u32 $0xFFFFFF80, v40;
	v44 =	vand.u32 $0xFFFFFF80, v43;
	v52 =	vand.u32 $0xFFFFFF80, v51  }
0xbc: {  	v53 =	vand.u32 $0x7D, v51;
	v56 =	vand.u32 $0xFFFFFF80, v54;
	v14 =	vor.u32 v14, v15  }
0xbd: {  	v57 =	vand.u32 $0xFFFFFF80, v55;
	v59 =	vand.u32 $0xFFFFFF80, v58;
	v17 =	vor.u32 $0x1, v14  }
0xbe: {  	v60 =	vand.u32 $0x7C, v58;
	v21 =	vadd.s32 v4, v21;
	v19 =	vor.u32 $0x2, v14  }
0xbf: {  	v24 =	vadd.s32 v4, v24;
	v36 =	vadd.s32 v4, v27;
	v20 =	vor.u32 $0x3, v14  }
0xc0: {  	v28 =	vadd.s32 v4, v28;
	v27 =	vand.u32 $0x7F, v38;
	v18 =	vor.u32 v18, v21  }
0xc1: {  	v29 =	vadd.s32 v4, v29;
	v15 =	vand.u32 $0x7C, v61;
	v63 =	vor.u32 v23, v24;
	v14 =	vld.idx.msk [tilespmem:v14+s30+$0x0], $0xffff  }
0xc2: {  	v61 =	vsub.s32 $0x15, v11;
	v21 =	vadd.s32 v4, v62;
	v26 =	vor.u32 v26, v28;
	v17 =	vld.idx.msk [tilespmem:v17+s30+$0x0], $0xffff  }
0xc3: {  	v23 =	vadd.s32 v4, v31;
	v24 =	vadd.s32 v4, v34;
	v27 =	vor.u32 v27, v29;
	v19 =	vld.idx.msk [tilespmem:v19+s30+$0x0], $0xffff  }
0xc4: {  	v29 =	vor.u32 v4, v12;
	v12 =	vand.u32 $0x7D, v40;
	v21 =	vor.u32 v22, v21;
	v20 =	vld.idx.msk [tilespmem:v20+s30+$0x0], $0xffff  }
0xc5: {  	v31 =	vsub.s32 $0xE, v11;
	v47 =	vmul.f32 v6, v16;
	v23 =	vor.u32 v32, v23;
	v18 =	vld.idx.msk [tilespmem:v18+s30+$0x0], $0xffff  }
0xc6: {  	v16 =	vmul.f32 v16, v5;
	v34 =	vand.u32 $0xFFFFFF80, v61;
	v24 =	vor.u32 v25, v24;
	v22 =	vld.idx.msk [tilespmem:v63+s30+$0x0], $0xffff  }
0xc7: {  	v25 =	vor.u32 v35, v36;
	v28 =	vadd.s32 v29, v39;
	v30 =	vadd.s32 v29, v30;
	v26 =	vld.idx.msk [tilespmem:v26+s30+$0x0], $0xffff  }
0xc8: {  	v41 =	vand.u32 $0xFFFFFF80, v31;
	v42 =	vand.u32 $0x7E, v31;
	v15 =	vor.u32 v15, v28;
	v27 =	vld.idx.msk [tilespmem:v27+s30+$0x0], $0xffff  }
0xc9: {  	v32 =	vsub.s32 $0x10, v11;
	v12 =	vor.u32 v12, v30;
	v28 =	vadd.s32 v29, v41;
	v21 =	vld.idx.msk [tilespmem:v21+s30+$0x0], $0xffff  }
0xca: {  	v31 =	vand.u32 $0x7F, v43;
	v30 =	vadd.s32 v29, v44;
	v28 =	vor.u32 v42, v28;
	v23 =	vld.idx.msk [tilespmem:v23+s30+$0x0], $0xffff  }
0xcb: {  	v35 =	vsub.s32 $0x16, v11;
	v33 =	vand.u32 $0xFFFFFF80, v32;
	v30 =	vor.u32 v31, v30;
	v24 =	vld.idx.msk [tilespmem:v24+s30+$0x0], $0xffff  }
0xcc: {  	v45 =	vand.u32 $0x7C, v32;
	v62 =	vand.u32 $0xFFFFFF80, v35;
	v46 =	vadd.s32 v29, v33;
	v25 =	vld.idx.msk [tilespmem:v25+s30+$0x0], $0xffff  }
0xcd: {  	v35 =	vand.u32 $0x7E, v35;
	v37 =	vadd.s32 v29, v62;
	v31 =	vor.u32 v45, v46;
	v15 =	vld.idx.msk [tilespmem:v15+s30+$0x0], $0xffff  }
0xce: {  	v45 =	vor.u32 v35, v37;
	v12 =	vld.idx.msk [tilespmem:v12+s30+$0x0], $0xffff;
	v14 =	vmul.f32 v14, v47;
	v17 =	vmul.f32 v17, v47  }
0xcf: {  	v36 =	vand.u32 $0x7D, v61;
	v28 =	vld.idx.msk [tilespmem:v28+s30+$0x0], $0xffff;
	v19 =	vmul.f32 v19, v47;
	v20 =	vmul.f32 v20, v47  }
0xd0: {  	v34 =	vadd.s32 v29, v34;
	v30 =	vld.idx.msk [tilespmem:v30+s30+$0x0], $0xffff;
	v18 =	vmul.f32 v18, v47;
	v22 =	vmul.f32 v22, v47  }
0xd1: {  	v11 =	vsub.s32 $0x17, v11;
	v26 =	vmul.f32 v26, v47;
	v27 =	vmul.f32 v27, v47  }
0xd2: {  	v63 =	vor.u32 v36, v34;
	v31 =	vld.idx.msk [tilespmem:v31+s30+$0x0], $0xffff;
	v21 =	vmul.f32 v21, v47;
	v23 =	vmul.f32 v23, v47  }
0xd3: {  	v36 =	vor.u32 v3, v7;
	v34 =	vld.idx.msk [tilespmem:v45+s30+$0x0], $0xffff;
	v24 =	vmul.f32 v24, v47;
	v25 =	vmul.f32 v25, v47  }
0xd4: {  	v47 =	vand.u32 $0xFFFFFF80, v11;
	v15 =	vmul.f32 v15, v16;
	v12 =	vmul.f32 v12, v16  }
0xd5: {  	v11 =	vand.u32 $0x7F, v11;
	v48 =	vmul.f32 v28, v16;
	v49 =	vmul.f32 v30, v16  }
0xd6: {  	v32 =	vld [tilespmem:s13+$0x320];
	v30 =	vadd.s32 v29, v56;
	v28 =	vand.u32 $0x7F, v55;
	v15 =	vadd.f32 v15, v14  }
0xd7: {  	v17 =	vadd.f32 v12, v17;
	v50 =	vmul.f32 v31, v16;
	v14 =	vadd.s32 v29, v52  }
0xd8: {  	v33 =	vld.idx.msk [tilespmem:v63+s30+$0x0], $0xffff;
	v12 =	vand.u32 $0x7E, v54;
	v31 =	vadd.s32 v29, v57;
	v62 =	vmul.f32 v34, v16  }
0xd9: {  	v19 =	vadd.f32 v48, v19;
	v20 =	vadd.f32 v49, v20;
	v14 =	vor.u32 v53, v14  }
0xda: {  	v30 =	vor.u32 v12, v30;
	v28 =	vor.u32 v28, v31;
	v31 =	vadd.s32 v29, v59  }
0xdb: {  	v12 =	vmul.u32 $0xC, v32;
	v29 =	vadd.s32 v29, v47;
	v32 =	vshll.u32 v32, $0xC  }
0xdc: {  	v18 =	vadd.f32 v50, v18;
	v31 =	vor.u32 v60, v31;
	v11 =	vor.u32 v11, v29  }
0xdd: {  	v60 =	vmul.f32 v33, v16;
	v26 =	vadd.f32 v62, v26;
	v32 =	vadd.s32 v36, v32  }
0xde: {  	v46 =	vand.u32 $0xFFFFFF80, v12;
	v38 =	vand.u32 $0x7C, v12;
	v49 =	vadd.s32 $0x4, v12  }
0xdf: {  	v41 =	vadd.s32 $0x5, v12;
	v42 =	vadd.s32 $0x6, v12;
	v44 =	vadd.s32 $0x7, v12  }
0xe0: {  	v55 =	vadd.s32 $0x8, v12;
	v62 =	vsub.s32 $0xF, v12;
	v35 =	vadd.s32 v36, v46  }
0xe1: {  	v40 =	vand.u32 $0xFFFFFF80, v49;
	v37 =	vand.u32 $0x7C, v49;
	v50 =	vand.u32 $0xFFFFFF80, v41  }
0xe2: {  	v41 =	vand.u32 $0x7D, v41;
	v43 =	vand.u32 $0xFFFFFF80, v42;
	v42 =	vand.u32 $0x7E, v42  }
0xe3: {  	v53 =	vand.u32 $0xFFFFFF80, v44;
	v54 =	vand.u32 $0x7F, v44;
	v56 =	vand.u32 $0xFFFFFF80, v55  }
0xe4: {  	v58 =	vand.u32 $0x7C, v55;
	v25 =	vadd.f32 v60, v25;
	v49 =	vadd.s32 $0x9, v12  }
0xe5: {  	v60 =	vsub.s32 $0xE, v12;
	v35 =	vor.u32 v38, v35;
	v40 =	vadd.s32 v36, v40;
	v14 =	vld.idx.msk [tilespmem:v14+s30+$0x0], $0xffff  }
0xe6: {  	v43 =	vadd.s32 v36, v43;
	v34 =	vand.u32 $0x7E, v60;
	v48 =	vor.u32 $0x1, v35;
	v30 =	vld.idx.msk [tilespmem:v30+s30+$0x0], $0xffff  }
0xe7: {  	v38 =	vor.u32 $0x2, v35;
	v39 =	vor.u32 $0x3, v35;
	v28 =	vld.idx.msk [tilespmem:v28+s30+$0x0], $0xffff;
	v37 =	vor.u32 v37, v40  }
0xe8: {  	v40 =	vadd.s32 v36, v50;
	v52 =	vor.u32 v42, v43;
	v42 =	vadd.s32 v36, v56;
	v31 =	vld.idx.msk [tilespmem:v31+s30+$0x0], $0xffff  }
0xe9: {  	v43 =	vsub.s32 $0xC, v12;
	v50 =	vand.u32 $0xFFFFFF80, v49;
	v45 =	vld.idx.msk [tilespmem:v11+s30+$0x0], $0xffff;
	v51 =	vor.u32 v41, v40  }
0xea: {  	v41 =	vadd.s32 v36, v53;
	v42 =	vor.u32 v58, v42;
	v11 =	vmul.f32 v6, v10;
	v35 =	vld.idx.msk [tilespmem:v35+s30+$0x0], $0xffff  }
0xeb: {  	v53 =	vadd.s32 $0xB, v12;
	v10 =	vmul.f32 v10, v5;
	v29 =	vld.idx.msk [tilespmem:v48+s30+$0x0], $0xffff;
	v57 =	vmul.f32 v14, v16  }
0xec: {  	v58 =	vsub.s32 $0xD, v12;
	v38 =	vld.idx.msk [tilespmem:v38+s30+$0x0], $0xffff;
	v14 =	vmul.f32 v6, v13;
	v30 =	vmul.f32 v30, v16  }
0xed: {  	v41 =	vor.u32 v54, v41;
	v39 =	vld.idx.msk [tilespmem:v39+s30+$0x0], $0xffff;
	v13 =	vmul.f32 v5, v13;
	v28 =	vmul.f32 v28, v16  }
0xee: {  	v55 =	vand.u32 $0xFFFFFF80, v53;
	v37 =	vld.idx.msk [tilespmem:v37+s30+$0x0], $0xffff;
	v6 =	vmul.f32 v6, v9;
	v5 =	vmul.f32 v5, v9  }
0xef: {  	v56 =	vand.u32 $0x7F, v53;
	v63 =	vld.idx.msk [tilespmem:v52+s30+$0x0], $0xffff;
	v59 =	vmul.f32 v31, v16;
	v16 =	vmul.f32 v45, v16  }
0xf0: {  	v61 =	vld.idx.msk [tilespmem:v51+s30+$0x0], $0xffff;
	v51 =	vadd.s32 $0xA, v12;
	v21 =	vadd.f32 v57, v21;
	v22 =	vadd.f32 v30, v22  }
0xf1: {  	v42 =	vld.idx.msk [tilespmem:v42+s30+$0x0], $0xffff;
	v23 =	vadd.f32 v28, v23;
	v28 =	vand.u32 $0x7D, v49;
	v52 =	vand.u32 $0xFFFFFF80, v51  }
0xf2: {  	v57 =	vand.u32 $0xFFFFFF80, v43;
	v24 =	vadd.f32 v59, v24;
	v16 =	vadd.f32 v16, v27  }
0xf3: {  	v40 =	vld.idx.msk [tilespmem:v41+s30+$0x0], $0xffff;
	v31 =	vadd.s32 v36, v52;
	v41 =	vmul.f32 v35, v14;
	v29 =	vmul.f32 v29, v14  }
0xf4: {  	v27 =	vand.u32 $0x7C, v43;
	v44 =	vmul.f32 v38, v14;
	v45 =	vmul.f32 v39, v14  }
0xf5: {  	v59 =	vand.u32 $0xFFFFFF80, v58;
	v46 =	vmul.f32 v37, v14;
	v47 =	vmul.f32 v63, v14  }
0xf6: {  	v15 =	vadd.f32 v41, v15;
	v33 =	vmul.f32 v61, v14;
	v48 =	vmul.f32 v42, v14  }
0xf7: {  	v61 =	vand.u32 $0xFFFFFF80, v60;
	v17 =	vadd.f32 v29, v17;
	v19 =	vadd.f32 v44, v19  }
0xf8: {  	v20 =	vadd.f32 v45, v20;
	v30 =	vmul.f32 v40, v14;
	v18 =	vadd.f32 v46, v18  }
0xf9: {  	v22 =	vadd.f32 v47, v22;
	v29 =	vadd.s32 v36, v50;
	v35 =	vadd.s32 v32, v61  }
0xfa: {  	v44 =	vand.u32 $0xFFFFFF80, v62;
	v45 =	vand.u32 $0x7F, v62;
	v46 =	vsub.s32 $0x10, v12  }
0xfb: {  	v50 =	vsub.s32 $0x12, v12;
	v62 =	vsub.s32 $0x16, v12;
	v21 =	vadd.f32 v33, v21  }
0xfc: {  	v24 =	vadd.f32 v48, v24;
	v28 =	vor.u32 v28, v29;
	v33 =	vand.u32 $0x7D, v58  }
0xfd: {  	v63 =	vor.u32 v34, v35;
	v34 =	vadd.s32 v32, v44;
	v47 =	vand.u32 $0xFFFFFF80, v46  }
0xfe: {  	v48 =	vsub.s32 $0x11, v12;
	v52 =	vand.u32 $0xFFFFFF80, v50;
	v53 =	vand.u32 $0x7E, v50  }
0xff: {  	v58 =	vsub.s32 $0x15, v12;
	v42 =	vand.u32 $0x7E, v62;
	v23 =	vadd.f32 v30, v23  }
0x100: {  	v30 =	vand.u32 $0x7E, v51;
	v34 =	vor.u32 v45, v34;
	v35 =	vadd.s32 v32, v47  }
0x101: {  	v49 =	vand.u32 $0xFFFFFF80, v48;
	v54 =	vor.u32 v30, v31;
	v30 =	vadd.s32 v36, v55  }
0x102: {  	v37 =	vand.u32 $0x7D, v48;
	v31 =	vadd.s32 v32, v57;
	v30 =	vor.u32 v56, v30  }
0x103: {  	v36 =	vand.u32 $0x7C, v46;
	v27 =	vor.u32 v27, v31;
	v31 =	vadd.s32 v32, v59;
	v28 =	vld.idx.msk [tilespmem:v28+s30+$0x0], $0xffff  }
0x104: {  	v38 =	vadd.s32 v32, v49;
	v35 =	vor.u32 v36, v35;
	v31 =	vor.u32 v33, v31;
	v33 =	vld.idx.msk [tilespmem:v63+s30+$0x0], $0xffff  }
0x105: {  	v60 =	vand.u32 $0xFFFFFF80, v58;
	v51 =	vor.u32 v37, v38;
	v56 =	vsub.s32 $0x14, v12;
	v34 =	vld.idx.msk [tilespmem:v34+s30+$0x0], $0xffff  }
0x106: {  	v61 =	vand.u32 $0x7D, v58;
	v37 =	vadd.s32 v32, v52;
	v57 =	vand.u32 $0xFFFFFF80, v56;
	v29 =	vld.idx.msk [tilespmem:v54+s30+$0x0], $0xffff  }
0x107: {  	v37 =	vor.u32 v53, v37;
	v40 =	vand.u32 $0x7C, v56;
	v41 =	vadd.s32 v32, v57;
	v30 =	vld.idx.msk [tilespmem:v30+s30+$0x0], $0xffff  }
0x108: {  	v63 =	vand.u32 $0xFFFFFF80, v62;
	v59 =	vor.u32 v40, v41;
	v40 =	vadd.s32 v32, v60;
	v27 =	vld.idx.msk [tilespmem:v27+s30+$0x0], $0xffff  }
0x109: {  	v41 =	vadd.s32 v32, v63;
	v54 =	vsub.s32 $0x13, v12;
	v40 =	vor.u32 v61, v40;
	v35 =	vld.idx.msk [tilespmem:v35+s30+$0x0], $0xffff  }
0x10a: {  	v12 =	vsub.s32 $0x17, v12;
	v45 =	vor.u32 v42, v41;
	v55 =	vand.u32 $0xFFFFFF80, v54;
	v36 =	vld.idx.msk [tilespmem:v51+s30+$0x0], $0xffff  }
0x10b: {  	v39 =	vand.u32 $0x7F, v54;
	v46 =	vand.u32 $0xFFFFFF80, v12;
	v12 =	vand.u32 $0x7F, v12;
	v31 =	vld.idx.msk [tilespmem:v31+s30+$0x0], $0xffff  }
0x10c: {  	v38 =	vadd.s32 v32, v55;
	v44 =	vld.idx.msk [tilespmem:v37+s30+$0x0], $0xffff;
	v32 =	vadd.s32 v32, v46;
	v28 =	vmul.f32 v28, v14  }
0x10d: {  	v38 =	vor.u32 v39, v38;
	v12 =	vor.u32 v12, v32;
	v49 =	vmul.f32 v33, v13;
	v32 =	vld [tilespmem:s13+$0x340]  }
0x10e: {  	v47 =	vld.idx.msk [tilespmem:v59+s30+$0x0], $0xffff;
	v50 =	vmul.f32 v34, v13;
	v25 =	vadd.f32 v28, v25;
	v29 =	vmul.f32 v29, v14  }
0x10f: {  	v51 =	vld.idx.msk [tilespmem:v40+s30+$0x0], $0xffff;
	v19 =	vadd.f32 v49, v19;
	v14 =	vmul.f32 v30, v14;
	v27 =	vmul.f32 v27, v13  }
0x110: {  	v53 =	vld.idx.msk [tilespmem:v45+s30+$0x0], $0xffff;
	v52 =	vmul.f32 v35, v13;
	v54 =	vmul.f32 v36, v13;
	v26 =	vadd.f32 v29, v26  }
0x111: {  	v48 =	vmul.f32 v31, v13;
	v28 =	vmul.f32 v44, v13;
	v14 =	vadd.f32 v14, v16  }
0x112: {  	v29 =	vor.u32 v2, v7;
	v15 =	vadd.f32 v27, v15;
	v16 =	vadd.f32 v50, v20  }
0x113: {  	v18 =	vadd.f32 v52, v18;
	v56 =	vld.idx.msk [tilespmem:v12+s30+$0x0], $0xffff;
	v20 =	vadd.f32 v54, v21;
	v12 =	vmul.u32 $0xC, v32  }
0x114: {  	v32 =	vshll.u32 v32, $0xC;
	v17 =	vadd.f32 v48, v17;
	v30 =	vmul.f32 v47, v13  }
0x115: {  	v21 =	vadd.f32 v28, v22;
	v57 =	vmul.f32 v51, v13;
	v58 =	vmul.f32 v53, v13  }
0x116: {  	v59 =	vand.u32 $0xFFFFFF80, v12;
	v60 =	vand.u32 $0x7C, v12;
	v27 =	vsub.s32 $0xC, v12  }
0x117: {  	v61 =	vadd.s32 $0x4, v12;
	v41 =	vadd.s32 $0x5, v12;
	v43 =	vadd.s32 $0x6, v12  }
0x118: {  	v45 =	vadd.s32 $0x7, v12;
	v49 =	vadd.s32 $0x8, v12;
	v51 =	vadd.s32 $0x9, v12  }
0x119: {  	v38 =	vld.idx.msk [tilespmem:v38+s30+$0x0], $0xffff;
	v28 =	vadd.s32 v29, v59;
	v40 =	vand.u32 $0xFFFFFF80, v61;
	v42 =	vand.u32 $0xFFFFFF80, v41  }
0x11a: {  	v35 =	vand.u32 $0x7D, v41;
	v44 =	vand.u32 $0xFFFFFF80, v43;
	v36 =	vand.u32 $0x7E, v43  }
0x11b: {  	v47 =	vand.u32 $0xFFFFFF80, v45;
	v48 =	vand.u32 $0x7F, v45;
	v50 =	vand.u32 $0xFFFFFF80, v49  }
0x11c: {  	v52 =	vand.u32 $0xFFFFFF80, v51;
	v53 =	vand.u32 $0x7D, v51;
	v59 =	vand.u32 $0xFFFFFF80, v27  }
0x11d: {  	v27 =	vand.u32 $0x7C, v27;
	v26 =	vadd.f32 v58, v26;
	v34 =	vadd.s32 v29, v40  }
0x11e: {  	v37 =	vadd.s32 v29, v44;
	v54 =	vadd.s32 v29, v52;
	v55 =	vmul.f32 v38, v13  }
0x11f: {  	v13 =	vmul.f32 v56, v13;
	v46 =	vor.u32 v36, v37;
	v36 =	vadd.s32 v29, v47  }
0x120: {  	v38 =	vand.u32 $0x7C, v49;
	v37 =	vadd.s32 v29, v50;
	v56 =	vadd.s32 $0xB, v12  }
0x121: {  	v36 =	vor.u32 v48, v36;
	v37 =	vor.u32 v38, v37;
	v38 =	vor.u32 v53, v54  }
0x122: {  	v58 =	vand.u32 $0xFFFFFF80, v56;
	v40 =	vand.u32 $0x7F, v56;
	v22 =	vadd.f32 v55, v23  }
0x123: {  	v48 =	vsub.s32 $0xF, v12;
	v23 =	vadd.f32 v30, v24;
	v24 =	vadd.f32 v57, v25  }
0x124: {  	v25 =	vor.u32 v60, v28;
	v30 =	vand.u32 $0x7C, v61;
	v55 =	vadd.s32 $0xA, v12  }
0x125: {  	v60 =	vsub.s32 $0xD, v12;
	v13 =	vadd.f32 v13, v14;
	v51 =	vand.u32 $0xFFFFFF80, v48  }
0x126: {  	v28 =	vor.u32 $0x1, v25;
	v62 =	vor.u32 $0x2, v25;
	v63 =	vor.u32 $0x3, v25  }
0x127: {  	v30 =	vor.u32 v30, v34;
	v34 =	vadd.s32 v29, v42;
	v57 =	vand.u32 $0xFFFFFF80, v55  }
0x128: {  	v39 =	vand.u32 $0x7E, v55;
	v42 =	vadd.s32 v29, v58;
	v34 =	vor.u32 v35, v34;
	v35 =	vld.idx.msk [tilespmem:v46+s30+$0x0], $0xffff  }
0x129: {  	v61 =	vand.u32 $0xFFFFFF80, v60;
	v41 =	vadd.s32 v29, v57;
	v29 =	vadd.s32 v29, v32;
	v36 =	vld.idx.msk [tilespmem:v36+s30+$0x0], $0xffff  }
0x12a: {  	v40 =	vor.u32 v40, v42;
	v39 =	vor.u32 v39, v41;
	v41 =	vadd.s32 v29, v59;
	v37 =	vld.idx.msk [tilespmem:v37+s30+$0x0], $0xffff  }
0x12b: {  	v32 =	vand.u32 $0x7D, v60;
	v42 =	vadd.s32 v29, v61;
	v27 =	vor.u32 v27, v41;
	v46 =	vld.idx.msk [tilespmem:v38+s30+$0x0], $0xffff  }
0x12c: {  	v32 =	vor.u32 v32, v42;
	v38 =	vsub.s32 $0x13, v12;
	v42 =	vsub.s32 $0x15, v12;
	v25 =	vld.idx.msk [tilespmem:v25+s30+$0x0], $0xffff  }
0x12d: {  	v43 =	vand.u32 $0xFFFFFF80, v42;
	v44 =	vand.u32 $0x7D, v42;
	v31 =	vld.idx.msk [tilespmem:v62+s30+$0x0], $0xffff;
	v62 =	vsub.s32 $0xE, v12  }
0x12e: {  	v33 =	vld.idx.msk [tilespmem:v63+s30+$0x0], $0xffff;
	v63 =	vand.u32 $0xFFFFFF80, v62;
	v45 =	vand.u32 $0x7E, v62;
	v62 =	vsub.s32 $0x10, v12  }
0x12f: {  	v41 =	vadd.s32 v29, v63;
	v50 =	vld.idx.msk [tilespmem:v39+s30+$0x0], $0xffff;
	v39 =	vadd.s32 v29, v51;
	v55 =	vmul.f32 v35, v11  }
0x130: {  	v28 =	vld.idx.msk [tilespmem:v28+s30+$0x0], $0xffff;
	v8 =	vand.u32 $0x7C, v62;
	v35 =	vsub.s32 $0x12, v12;
	v47 =	vor.u32 v45, v41  }
0x131: {  	v30 =	vld.idx.msk [tilespmem:v30+s30+$0x0], $0xffff;
	v41 =	vand.u32 $0x7F, v48;
	v57 =	vmul.f32 v36, v11;
	v58 =	vmul.f32 v37, v11  }
0x132: {  	v53 =	vld.idx.msk [tilespmem:v32+s30+$0x0], $0xffff;
	v14 =	vmul.f32 v46, v11;
	v32 =	vand.u32 $0xFFFFFF80, v62;
	v36 =	vand.u32 $0xFFFFFF80, v35  }
0x133: {  	v34 =	vld.idx.msk [tilespmem:v34+s30+$0x0], $0xffff;
	v37 =	vand.u32 $0x7E, v35;
	v45 =	vsub.s32 $0x16, v12;
	v35 =	vor.u32 v1, v7  }
0x134: {  	v25 =	vmul.f32 v25, v11;
	v52 =	vor.u32 v41, v39;
	v21 =	vadd.f32 v55, v21  }
0x135: {  	v39 =	vand.u32 $0xFFFFFF80, v38;
	v46 =	vand.u32 $0xFFFFFF80, v45;
	v49 =	vmul.f32 v28, v11  }
0x136: {  	v40 =	vld.idx.msk [tilespmem:v40+s30+$0x0], $0xffff;
	v31 =	vmul.f32 v31, v11;
	v33 =	vmul.f32 v33, v11;
	v22 =	vadd.f32 v57, v22  }
0x137: {  	v30 =	vmul.f32 v30, v11;
	v23 =	vadd.f32 v58, v23;
	v14 =	vadd.f32 v14, v24  }
0x138: {  	v27 =	vld.idx.msk [tilespmem:v27+s30+$0x0], $0xffff;
	v24 =	vadd.s32 v29, v32;
	v15 =	vadd.f32 v25, v15;
	v54 =	vmul.f32 v34, v11  }
0x139: {  	v24 =	vor.u32 v8, v24;
	v17 =	vadd.f32 v49, v17;
	v19 =	vadd.f32 v31, v19  }
0x13a: {  	v8 =	vadd.s32 v29, v36;
	v16 =	vadd.f32 v33, v16;
	v18 =	vadd.f32 v30, v18  }
0x13b: {  	v28 =	vmul.f32 v50, v11;
	v11 =	vmul.f32 v40, v11;
	v33 =	vsub.s32 $0x11, v12  }
0x13c: {  	v40 =	vsub.s32 $0x14, v12;
	v12 =	vsub.s32 $0x17, v12;
	v56 =	vld.idx.msk [tilespmem:v47+s30+$0x0], $0xffff;
	v20 =	vadd.f32 v54, v20  }
0x13d: {  	v59 =	vmul.f32 v27, v10;
	v60 =	vmul.f32 v53, v10;
	v34 =	vand.u32 $0xFFFFFF80, v33;
	v25 =	vld.idx.msk [tilespmem:v52+s30+$0x0], $0xffff  }
0x13e: {  	v41 =	vand.u32 $0xFFFFFF80, v40;
	v30 =	vand.u32 $0x7C, v40;
	v47 =	vadd.s32 v29, v46  }
0x13f: {  	v48 =	vand.u32 $0xFFFFFF80, v12;
	v12 =	vand.u32 $0x7F, v12;
	v26 =	vadd.f32 v28, v26  }
0x140: {  	v32 =	vld [tilespmem:s13+$0x360];
	v11 =	vadd.f32 v11, v13;
	v27 =	vadd.s32 v29, v34;
	v28 =	vand.u32 $0x7F, v38  }
0x141: {  	v31 =	vadd.s32 v29, v41;
	v13 =	vadd.f32 v59, v15;
	v24 =	vld.idx.msk [tilespmem:v24+s30+$0x0], $0xffff;
	v61 =	vmul.f32 v56, v10  }
0x142: {  	v15 =	vadd.f32 v60, v17;
	v30 =	vor.u32 v30, v31;
	v63 =	vmul.f32 v25, v10  }
0x143: {  	v25 =	vand.u32 $0x7D, v33;
	v33 =	vand.u32 $0x7E, v45;
	v17 =	vadd.f32 v61, v19  }
0x144: {  	v25 =	vor.u32 v25, v27;
	v27 =	vor.u32 v37, v8;
	v8 =	vadd.s32 v29, v39  }
0x145: {  	v28 =	vor.u32 v28, v8;
	v8 =	vadd.s32 v29, v43;
	v29 =	vadd.s32 v29, v48  }
0x146: {  	v24 =	vmul.f32 v24, v10;
	v31 =	vor.u32 v44, v8;
	v8 =	vmul.u32 $0xC, v32  }
0x147: {  	v33 =	vor.u32 v33, v47;
	v55 =	vld.idx.msk [tilespmem:v30+s30+$0x0], $0xffff;
	v16 =	vadd.f32 v63, v16;
	v12 =	vor.u32 v12, v29  }
0x148: {  	v18 =	vadd.f32 v24, v18;
	v49 =	vand.u32 $0xFFFFFF80, v8;
	v51 =	vand.u32 $0x7C, v8  }
0x149: {  	v54 =	vadd.s32 $0x4, v8;
	v59 =	vadd.s32 $0x5, v8;
	v62 =	vadd.s32 $0x6, v8  }
0x14a: {  	v48 =	vsub.s32 $0xC, v8;
	v52 =	vadd.s32 v35, v49;
	v58 =	vand.u32 $0xFFFFFF80, v54  }
0x14b: {  	v25 =	vld.idx.msk [tilespmem:v25+s30+$0x0], $0xffff;
	v61 =	vand.u32 $0xFFFFFF80, v59;
	v37 =	vand.u32 $0x7D, v59;
	v63 =	vand.u32 $0xFFFFFF80, v62  }
0x14c: {  	v50 =	vld.idx.msk [tilespmem:v27+s30+$0x0], $0xffff;
	v39 =	vand.u32 $0x7E, v62;
	v42 =	vmul.f32 v55, v10;
	v62 =	vadd.s32 $0xB, v8  }
0x14d: {  	v53 =	vld.idx.msk [tilespmem:v28+s30+$0x0], $0xffff;
	v27 =	vor.u32 v51, v52;
	v28 =	vand.u32 $0x7C, v54;
	v36 =	vadd.s32 v35, v58  }
0x14e: {  	v33 =	vld.idx.msk [tilespmem:v33+s30+$0x0], $0xffff;
	v54 =	vadd.s32 $0x7, v8;
	v58 =	vadd.s32 $0x9, v8;
	v56 =	vor.u32 $0x1, v27  }
0x14f: {  	v57 =	vor.u32 $0x2, v27;
	v60 =	vor.u32 $0x3, v27;
	v28 =	vor.u32 v28, v36  }
0x150: {  	v31 =	vld.idx.msk [tilespmem:v31+s30+$0x0], $0xffff;
	v36 =	vadd.s32 v35, v61;
	v23 =	vadd.f32 v42, v23;
	v55 =	vand.u32 $0xFFFFFF80, v54  }
0x151: {  	v12 =	vld.idx.msk [tilespmem:v12+s30+$0x0], $0xffff;
	v59 =	vand.u32 $0xFFFFFF80, v58;
	v36 =	vor.u32 v37, v36;
	v37 =	vadd.s32 v35, v63  }
0x152: {  	v37 =	vor.u32 v39, v37;
	v39 =	vsub.s32 $0xE, v8;
	v25 =	vmul.f32 v25, v10  }
0x153: {  	v7 =	vmul.f32 v50, v10;
	v44 =	vmul.f32 v33, v10;
	v33 =	vand.u32 $0x7F, v62;
	v27 =	vld.idx.msk [tilespmem:v27+s30+$0x0], $0xffff  }
0x154: {  	v40 =	vand.u32 $0xFFFFFF80, v39;
	v29 =	vand.u32 $0x7E, v39;
	v19 =	vmul.f32 v53, v10;
	v30 =	vld.idx.msk [tilespmem:v56+s30+$0x0], $0xffff  }
0x155: {  	v34 =	vld.idx.msk [tilespmem:v57+s30+$0x0], $0xffff;
	v20 =	vadd.f32 v25, v20;
	v21 =	vadd.f32 v7, v21;
	v43 =	vmul.f32 v31, v10  }
0x156: {  	v41 =	vld.idx.msk [tilespmem:v60+s30+$0x0], $0xffff;
	v10 =	vmul.f32 v12, v10;
	v56 =	vadd.s32 $0x8, v8;
	v60 =	vadd.s32 $0xA, v8  }
0x157: {  	v28 =	vld.idx.msk [tilespmem:v28+s30+$0x0], $0xffff;
	v31 =	vand.u32 $0xFFFFFF80, v62;
	v19 =	vadd.f32 v19, v22;
	v22 =	vadd.f32 v44, v26  }
0x158: {  	v45 =	vld.idx.msk [tilespmem:v36+s30+$0x0], $0xffff;
	v57 =	vand.u32 $0xFFFFFF80, v56;
	v61 =	vand.u32 $0xFFFFFF80, v60;
	v36 =	vand.u32 $0xFFFFFF80, v48  }
0x159: {  	v26 =	vand.u32 $0x7C, v48;
	v14 =	vadd.f32 v43, v14;
	v25 =	vadd.f32 v10, v11  }
0x15a: {  	v47 =	vld.idx.msk [tilespmem:v37+s30+$0x0], $0xffff;
	v24 =	vadd.s32 v35, v61;
	v37 =	vsub.s32 $0xD, v8;
	v61 =	vsub.s32 $0x16, v8  }
0x15b: {  	v38 =	vand.u32 $0xFFFFFF80, v37;
	v46 =	vmul.f32 v27, v6;
	v49 =	vmul.f32 v30, v6  }
0x15c: {  	v62 =	vand.u32 $0xFFFFFF80, v61;
	v50 =	vmul.f32 v34, v6;
	v51 =	vmul.f32 v41, v6  }
0x15d: {  	v52 =	vmul.f32 v28, v6;
	v34 =	vshll.u32 v32, $0xC;
	v28 =	vand.u32 $0x7D, v37  }
0x15e: {  	v41 =	vsub.s32 $0xF, v8;
	v37 =	vand.u32 $0x7E, v61;
	v13 =	vadd.f32 v46, v13  }
0x15f: {  	v53 =	vmul.f32 v45, v6;
	v27 =	vadd.s32 v35, v34;
	v43 =	vand.u32 $0xFFFFFF80, v41  }
0x160: {  	v44 =	vand.u32 $0x7F, v41;
	v45 =	vsub.s32 $0x10, v8;
	v15 =	vadd.f32 v49, v15  }
0x161: {  	v41 =	vor.u32 $0x1, v4;
	v12 =	vadd.f32 v50, v17;
	v11 =	vadd.f32 v51, v16  }
0x162: {  	v9 =	vadd.f32 v52, v18;
	v10 =	vmul.f32 v47, v6;
	v16 =	vand.u32 $0x7F, v54  }
0x163: {  	v17 =	vadd.s32 v35, v55;
	v18 =	vand.u32 $0x7C, v56;
	v30 =	vadd.s32 v27, v40  }
0x164: {  	v46 =	vand.u32 $0xFFFFFF80, v45;
	v47 =	vsub.s32 $0x11, v8;
	v49 =	vsub.s32 $0x12, v8  }
0x165: {  	v55 =	vsub.s32 $0x14, v8;
	v7 =	vadd.f32 v53, v20;
	v16 =	vor.u32 v16, v17  }
0x166: {  	v17 =	vadd.s32 v35, v57;
	v20 =	vand.u32 $0x7D, v58;
	v42 =	vor.u32 v29, v30  }
0x167: {  	v29 =	vadd.s32 v27, v43;
	v30 =	vadd.s32 v27, v46;
	v48 =	vand.u32 $0xFFFFFF80, v47  }
0x168: {  	v32 =	vand.u32 $0x7D, v47;
	v51 =	vand.u32 $0xFFFFFF80, v49;
	v52 =	vand.u32 $0x7E, v49  }
0x169: {  	v53 =	vsub.s32 $0x13, v8;
	v56 =	vand.u32 $0xFFFFFF80, v55;
	v57 =	vsub.s32 $0x15, v8  }
0x16a: {  	v8 =	vsub.s32 $0x17, v8;
	v10 =	vadd.f32 v10, v21;
	v17 =	vor.u32 v18, v17  }
0x16b: {  	v18 =	vadd.s32 v35, v59;
	v21 =	vand.u32 $0x7E, v60;
	v29 =	vor.u32 v44, v29  }
0x16c: {  	v18 =	vor.u32 v20, v18;
	v63 =	vor.u32 v21, v24;
	v24 =	vadd.s32 v27, v36  }
0x16d: {  	v21 =	vadd.s32 v35, v31;
	v24 =	vor.u32 v26, v24;
	v26 =	vadd.s32 v27, v38;
	v16 =	vld.idx.msk [tilespmem:v16+s30+$0x0], $0xffff  }
0x16e: {  	v47 =	vor.u32 $0x3, v4;
	v21 =	vor.u32 v33, v21;
	v26 =	vor.u32 v28, v26;
	v28 =	vld.idx.msk [tilespmem:v42+s30+$0x0], $0xffff  }
0x16f: {  	v49 =	vor.u32 $0x4, v4;
	v54 =	vand.u32 $0xFFFFFF80, v53;
	v34 =	vand.u32 $0x7F, v53;
	v17 =	vld.idx.msk [tilespmem:v17+s30+$0x0], $0xffff  }
0x170: {  	v59 =	vand.u32 $0xFFFFFF80, v57;
	v60 =	vand.u32 $0x7D, v57;
	v31 =	vand.u32 $0x7C, v45;
	v29 =	vld.idx.msk [tilespmem:v29+s30+$0x0], $0xffff  }
0x171: {  	v35 =	vand.u32 $0x7C, v55;
	v36 =	vadd.s32 v27, v56;
	v30 =	vor.u32 v31, v30;
	v18 =	vld.idx.msk [tilespmem:v18+s30+$0x0], $0xffff  }
0x172: {  	v44 =	vor.u32 $0x2, v4;
	v33 =	vadd.s32 v27, v48;
	v58 =	vor.u32 v35, v36;
	v20 =	vld.idx.msk [tilespmem:v63+s30+$0x0], $0xffff  }
0x173: {  	v35 =	vadd.s32 v27, v59;
	v36 =	vadd.s32 v27, v62;
	v50 =	vor.u32 v32, v33;
	v21 =	vld.idx.msk [tilespmem:v21+s30+$0x0], $0xffff  }
0x174: {  	v32 =	vadd.s32 v27, v51;
	v33 =	vadd.s32 v27, v54;
	v35 =	vor.u32 v60, v35;
	v24 =	vld.idx.msk [tilespmem:v24+s30+$0x0], $0xffff  }
0x175: {  	v36 =	vor.u32 v37, v36;
	v51 =	vor.u32 $0x5, v4;
	v32 =	vor.u32 v52, v32;
	v26 =	vld.idx.msk [tilespmem:v26+s30+$0x0], $0xffff  }
0x176: {  	v33 =	vor.u32 v34, v33;
	v63 =	vand.u32 $0xFFFFFF80, v8;
	v8 =	vand.u32 $0x7F, v8;
	v30 =	vld.idx.msk [tilespmem:v30+s30+$0x0], $0xffff  }
0x177: {  	v27 =	vadd.s32 v27, v63;
	v40 =	vld.idx.msk [tilespmem:v58+s30+$0x0], $0xffff;
	v16 =	vmul.f32 v16, v6;
	v45 =	vmul.f32 v28, v5  }
0x178: {  	v31 =	vld.idx.msk [tilespmem:v50+s30+$0x0], $0xffff;
	v8 =	vor.u32 v8, v27;
	v17 =	vmul.f32 v17, v6;
	v48 =	vmul.f32 v29, v5  }
0x179: {  	v43 =	vld.idx.msk [tilespmem:v35+s30+$0x0], $0xffff;
	v18 =	vmul.f32 v18, v6;
	v16 =	vadd.f32 v16, v19;
	v39 =	vmul.f32 v24, v5  }
0x17a: {  	v37 =	vld.idx.msk [tilespmem:v32+s30+$0x0], $0xffff;
	v27 =	vmul.f32 v20, v6;
	v12 =	vadd.f32 v45, v12;
	v42 =	vmul.f32 v26, v5  }
0x17b: {  	v38 =	vld.idx.msk [tilespmem:v33+s30+$0x0], $0xffff;
	v17 =	vadd.f32 v17, v23;
	v6 =	vmul.f32 v21, v6;
	v13 =	vadd.f32 v39, v13  }
0x17c: {  	v46 =	vld.idx.msk [tilespmem:v36+s30+$0x0], $0xffff;
	v50 =	vmul.f32 v30, v5;
	v11 =	vadd.f32 v48, v11;
	v15 =	vadd.f32 v42, v15  }
0x17d: {  	v56 =	vmul.f32 v40, v5;
	v14 =	vadd.f32 v18, v14;
	v8 =	vld.idx.msk [tilespmem:v8+s30+$0x0], $0xffff;
	[tilespmem:v4+s25+$0x0] =	vst.idx.msk $0xffff, v13  }
0x17e: {  	v53 =	vor.u32 $0x6, v4;
	v19 =	vadd.f32 v27, v22;
	v52 =	vmul.f32 v31, v5;
	[tilespmem:v41+s25+$0x0] =	vst.idx.msk $0xffff, v15  }
0x17f: {  	v54 =	vor.u32 $0x7, v4;
	v9 =	vadd.f32 v50, v9;
	v20 =	vmul.f32 v37, v5;
	[tilespmem:v44+s25+$0x0] =	vst.idx.msk $0xffff, v12  }
0x180: {  	v55 =	vor.u32 $0x8, v4;
	v18 =	vmul.f32 v38, v5;
	v7 =	vadd.f32 v52, v7;
	[tilespmem:v47+s25+$0x0] =	vst.idx.msk $0xffff, v11  }
0x181: {  	v57 =	vor.u32 $0x9, v4;
	v58 =	vmul.f32 v43, v5;
	v10 =	vadd.f32 v20, v10;
	[tilespmem:v49+s25+$0x0] =	vst.idx.msk $0xffff, v9  }
0x182: {  	v59 =	vor.u32 $0xA, v4;
	v61 =	vmul.f32 v46, v5;
	v16 =	vadd.f32 v18, v16;
	[tilespmem:v51+s25+$0x0] =	vst.idx.msk $0xffff, v7  }
0x183: {  	p3 =	por p2, p2;
	v6 =	vadd.f32 v6, v25;
	v60 =	vadd.f32 v56, v17;
	v4 =	vor.u32 $0xB, v4;
	[tilespmem:v53+s25+$0x0] =	vst.idx.msk $0xffff, v10  }
.Ltmp0:
0x184: {  	v62 =	vadd.f32 v58, v14;
	v5 =	vmul.f32 v8, v5;
	[tilespmem:v54+s25+$0x0] =	vst.idx.msk $0xffff, v16;
	(pc) =	sbr.rel @p3 .LBB2_3-.Ltmp0, $4  }
0x185: {  	v63 =	vadd.f32 v61, v19;
	[tilespmem:v55+s25+$0x0] =	vst.idx.msk $0xffff, v60  }
0x186: {  	v5 =	vadd.f32 v5, v6;
	[tilespmem:v57+s25+$0x0] =	vst.idx.msk $0xffff, v62  }
0x187: {  	[tilespmem:v59+s25+$0x0] =	vst.idx.msk $0xffff, v63  }
0x188: {  	p2 =	por $0x0, $0x0;
	s13 =	simm.s32 $0x10;
	[tilespmem:v4+s25+$0x0] =	vst.idx.msk $0xffff, v5  }
0x189: {  	s12 =	sadd.s32 s18, s12  }
0x18a: {  	s13 =	sadd.s32 s7, s12  }
0x18b: {  	[hbm4b:s13+s3] =	stream.linear.scatter [tilespmem:s25], [sflag:$0x5], $0x1000, $0x38;
	[tilespmem:$0x12600] =	vst v63  }
0x18c: {  	s13 =	simm.s32 @!p0 $0x1  }
0x18d: {  	_ =	swait.ge @!p0 [sflag:s13], $0x20  }
0x18e: {  	[sflag:s13] =	ssyncset.done @!p0 $0x0  }
0x18f: {  	[sflag:s13] =	ssyncadd.s32 @!p0 $0xFFFFFFE0  }
0x190: {  	_ =	swait.ge @!p0 [sflag:s13], $0x20  }
0x191: {  	[sflag:s13] =	ssyncset.done @!p0 $0x0  }
0x192: {  	[sflag:s13] =	ssyncadd.s32 @!p0 $0xFFFFFFE0  }
0x193: {  	_ =	swait.ge @!p0 [sflag:s13], $0x20  }
0x194: {  	[sflag:s13] =	ssyncset.done @!p0 $0x0  }
0x195: {  	[sflag:s13] =	ssyncadd.s32 @!p0 $0xFFFFFFE0  }
0x196: {  	v4 =	vld @!p0 [tilespmem:$0x0]  }
0x197: {  	v5 =	vld @!p0 [tilespmem:$0x80]  }
0x198: {  	v6 =	vld @!p0 [tilespmem:$0x100];
	_ =	sdelay $0x2  }
0x199: {  	v4 =	vadd.f32 @!p0 $1.000000000e+00, v4  }
0x19a: {  	v5 =	vadd.f32 @!p0 $1.000000000e+00, v5  }
0x19b: {  	v6 =	vadd.f32 @!p0 $1.000000000e+00, v6;
	v4 =	vmul.f32 @!p0 $5.000000000e-01, v4  }
0x19c: {  	v5 =	vmul.f32 @!p0 $5.000000000e-01, v5  }
0x19d: {  	v6 =	vmul.f32 @!p0 $5.000000000e-01, v6;
	v4 =	vmul.f32 @!p0 $1.590000000e+02, v4  }
0x19e: {  	v5 =	vmul.f32 @!p0 $1.590000000e+02, v5  }
0x19f: {  	v6 =	vmul.f32 @!p0 $1.590000000e+02, v6;
	v7 =	vtrunc.f32 @!p0 v4  }
0x1a0: {  	v7 =	vcvt.f32.s32 @!p0 v7  }
0x1a1: {  	v8 =	vtrunc.f32 @!p0 v5;
	v9 =	vtrunc.f32 @!p0 v6  }
0x1a2: {  	v8 =	vcvt.f32.s32 @!p0 v8;
	v9 =	vcvt.f32.s32 @!p0 v9;
	vm0 =	vgt.s32 @!p0 v7, $0x0  }
0x1a3: {  	v10 =	vld @!p0 [tilespmem:$0x10];
	v7 =	vnsel @!p0 vm0, $0x0, v7  }
0x1a4: {  	vm1 =	vgt.s32 @!p0 v9, $0x0;
	vm0 =	vgt.s32 @!p0 v8, $0x0;
	v7 =	vmin.u32 @!p0 v7, $0x9E  }
0x1a5: {  	v12 =	vld @!p0 [tilespmem:$0x90];
	v9 =	vnsel @!p0 vm1, $0x0, v9;
	v8 =	vnsel @!p0 vm0, $0x0, v8;
	v11 =	vcvt.s32.f32 @!p0 v7  }
0x1a6: {  	v13 =	vld @!p0 [tilespmem:$0x110];
	v9 =	vmin.u32 @!p0 v9, $0x9E;
	v8 =	vmin.u32 @!p0 v8, $0x9E  }
0x1a7: {  	v14 =	vcvt.s32.f32 @!p0 v9;
	v4 =	vsub.f32 @!p0 v4, v11;
	v11 =	vcvt.s32.f32 @!p0 v8  }
0x1a8: {  	v10 =	vadd.f32 @!p0 $1.000000000e+00, v10;
	v7 =	vmul.u32 @!p0 $0x6400, v7;
	v8 =	vmul.u32 @!p0 $0xA0, v8  }
0x1a9: {  	v6 =	vsub.f32 @!p0 v6, v14;
	v5 =	vsub.f32 @!p0 v5, v11  }
0x1aa: {  	[tilespmem:$0x180] =	vst @!p0 v4;
	v4 =	vadd.s32 @!p0 v7, v8;
	v7 =	vmul.f32 @!p0 $5.000000000e-01, v10;
	v8 =	vadd.f32 @!p0 $1.000000000e+00, v12  }
0x1ab: {  	v4 =	vadd.s32 @!p0 v9, v4;
	[tilespmem:$0x200] =	vst @!p0 v5;
	v5 =	vadd.f32 @!p0 $1.000000000e+00, v13  }
0x1ac: {  	[tilespmem:$0x280] =	vst @!p0 v6;
	v4 =	vshrl.u32 @!p0 v4, $0x1;
	v6 =	vmul.f32 @!p0 $1.590000000e+02, v7;
	v7 =	vmul.f32 @!p0 $5.000000000e-01, v8  }
0x1ad: {  	[tilespmem:$0x400] =	vst @!p0 v4;
	v8 =	vadd.s32 @!p0 $0x1, v4;
	v10 =	vadd.s32 @!p0 $0x50, v4;
	v5 =	vmul.f32 @!p0 $5.000000000e-01, v5  }
0x1ae: {  	[tilespmem:$0x420] =	vst @!p0 v8;
	v8 =	vand.u32 @!p0 $0x1, v9;
	v7 =	vmul.f32 @!p0 $1.590000000e+02, v7;
	v9 =	vtrunc.f32 @!p0 v6  }
0x1af: {  	v11 =	vadd.s32 @!p0 $0x3200, v4;
	[tilespmem:$0x440] =	vst @!p0 v10;
	v9 =	vcvt.f32.s32 @!p0 v9;
	v5 =	vmul.f32 @!p0 $1.590000000e+02, v5  }
0x1b0: {  	v4 =	vadd.s32 @!p0 $0x3250, v4;
	v10 =	vadd.s32 @!p0 $0x1, v10;
	[tilespmem:$0x480] =	vst @!p0 v11;
	v12 =	vtrunc.f32 @!p0 v7  }
0x1b1: {  	[tilespmem:$0x460] =	vst @!p0 v10;
	vm0 =	vgt.s32 @!p0 v9, $0x0;
	v10 =	vcvt.f32.s32 @!p0 v12;
	v12 =	vtrunc.f32 @!p0 v5  }
0x1b2: {  	[tilespmem:$0x4C0] =	vst @!p0 v4;
	v9 =	vnsel @!p0 vm0, $0x0, v9;
	v12 =	vcvt.f32.s32 @!p0 v12  }
0x1b3: {  	v11 =	vadd.s32 @!p0 $0x1, v11;
	[tilespmem:$0x300] =	vst @!p0 v8;
	v9 =	vmin.u32 @!p0 v9, $0x9E;
	vm0 =	vgt.s32 @!p0 v10, $0x0  }
0x1b4: {  	[tilespmem:$0x4A0] =	vst @!p0 v11;
	v10 =	vnsel @!p0 vm0, $0x0, v10;
	v11 =	vcvt.s32.f32 @!p0 v9;
	vm0 =	vgt.s32 @!p0 v12, $0x0  }
0x1b5: {  	v4 =	vadd.s32 @!p0 $0x1, v4;
	[tilespmem:$0x320] =	vst @!p0 v8;
	v10 =	vmin.u32 @!p0 v10, $0x9E;
	v12 =	vnsel @!p0 vm0, $0x0, v12  }
0x1b6: {  	[tilespmem:$0x340] =	vst @!p0 v8;
	v6 =	vsub.f32 @!p0 v6, v11;
	v11 =	vcvt.s32.f32 @!p0 v10;
	v12 =	vmin.u32 @!p0 v12, $0x9E  }
0x1b7: {  	[tilespmem:$0x4E0] =	vst @!p0 v4;
	v9 =	vmul.u32 @!p0 $0x6400, v9;
	v10 =	vmul.u32 @!p0 $0xA0, v10;
	v4 =	vcvt.s32.f32 @!p0 v12  }
0x1b8: {  	[tilespmem:$0x360] =	vst @!p0 v8;
	v7 =	vsub.f32 @!p0 v7, v11  }
0x1b9: {  	[tilespmem:$0x190] =	vst @!p0 v6;
	v4 =	vsub.f32 @!p0 v5, v4;
	v5 =	vadd.s32 @!p0 v9, v10  }
0x1ba: {  	[tilespmem:$0x210] =	vst @!p0 v7;
	v5 =	vadd.s32 @!p0 v12, v5  }
0x1bb: {  	[tilespmem:$0x290] =	vst @!p0 v4;
	v4 =	vshrl.u32 @!p0 v5, $0x1  }
0x1bc: {  	[tilespmem:$0x410] =	vst @!p0 v4;
	v5 =	vadd.s32 @!p0 $0x1, v4  }
0x1bd: {  	v6 =	vadd.s32 @!p0 $0x50, v4;
	[tilespmem:$0x430] =	vst @!p0 v5  }
0x1be: {  	v5 =	vand.u32 @!p0 $0x1, v12;
	[tilespmem:$0x450] =	vst @!p0 v6  }
0x1bf: {  	v6 =	vadd.s32 @!p0 $0x1, v6;
	[tilespmem:$0x310] =	vst @!p0 v5  }
0x1c0: {  	[tilespmem:$0x470] =	vst @!p0 v6  }
0x1c1: {  	[tilespmem:$0x330] =	vst @!p0 v5  }
0x1c2: {  	[tilespmem:$0x350] =	vst @!p0 v5  }
0x1c3: {  	v6 =	vadd.s32 @!p0 $0x3200, v4;
	[tilespmem:$0x370] =	vst @!p0 v5  }
0x1c4: {  	v4 =	vadd.s32 @!p0 $0x3250, v4;
	[tilespmem:$0x490] =	vst @!p0 v6  }
0x1c5: {  	v6 =	vadd.s32 @!p0 $0x1, v6;
	[tilespmem:$0x4D0] =	vst @!p0 v4  }
0x1c6: {  	s14 =	simm.s32 @!p0 $0x400;
	v4 =	vadd.s32 @!p0 $0x1, v4;
	[tilespmem:$0x4B0] =	vst @!p0 v6  }
0x1c7: {  	s15 =	simm.s32 @!p0 $0x600;
	p2 =	slt.u32 @!p0 s11, $0x1FE;
	s13 =	simm.s32 @!p0 $0x100;
	[tilespmem:$0x4F0] =	vst @!p0 v4  }
0x1c8: {  	[tilespmem:s15], [sflag:$0x3] =	stream.indirect.gather @!p0 [hbm4b:s6+s13], $0x80, s14, s13, $0xb8;
	[tilespmem:$0x12600] =	vst v63  }
0x1c9: {  	p0 =	por p0, !p2  }
.Ltmp1:
0x1ca: {  	_ = 	snop;
	(pc) =	sbr.rel @p0 .LBB2_5-.Ltmp1, $1  }
0x1cb: {  	_ =	sdelay $0x3  }
0x1cc: {  	s13 =	sshll.u32 s11, $0x6  }
0x1cd: {  	s13 =	sadd.s32 s13, s19  }
0x1ce: {  	s13 =	sshrl.u32 s13, $0x3  }
0x1cf: {  	s14 =	sadd.s32 s4, s13  }
0x1d0: {  	[tilespmem:s3], [sflag:$0x1] =	stream.linear.gather [hbm4b:s14+s3], $0x20, $0x38;
	[tilespmem:$0x12600] =	vst v63  }
0x1d1: {  	s15 =	sadd.s32 s5, s13  }
0x1d2: {  	[tilespmem:s22], [sflag:$0x1] =	stream.linear.gather [hbm4b:s15+s3], $0x20, $0x38;
	[tilespmem:$0x12600] =	vst v63  }
0x1d3: {  	s13 =	sadd.s32 s1, s13  }
0x1d4: {  	[tilespmem:s23], [sflag:$0x1] =	stream.linear.gather [hbm4b:s13+s3], $0x20, $0x38;
	[tilespmem:$0x12600] =	vst v63  }
.Ltmp2:
0x1d5: {  	_ = 	snop;
	(pc) =	sbr.rel @!p1 .LBB2_7-.Ltmp2, $4  }
.Ltmp3:
0x1d6: {  	_ = 	snop;
	(pc) =	sbr.rel @p1 .LBB2_8-.Ltmp3, $4  }
0x1d7: {  	_ =	swait.ge [sflag:s26], $0x8000  }
0x1d8: {  	[sflag:s26] =	ssyncset.done $0x0  }
0x1d9: {  	[sflag:s26] =	ssyncadd.s32 $0xFFFF8000  }
0x1da: {  	_ = 	snop  }
.LBB2_5:
0x1db: {  	_ =	swait.ge [sflag:s26], $0x8000  }
0x1dc: {  	[sflag:s26] =	ssyncset.done $0x0  }
0x1dd: {  	[sflag:s26] =	ssyncadd.s32 $0xFFFF8000  }
.LBB2_7:
0x1de: {  	_ =	swait.ge [sflag:s9], $0x1000  }
0x1df: {  	[sflag:s9] =	ssyncset.done $0x0  }
0x1e0: {  	[sflag:s9] =	ssyncadd.s32 $0xFFFFF000  }
.LBB2_8:
0x1e1: {  	s13 =	simm.s32 $0x0;
	p0 =	por $0x1, $0x1  }
.LBB2_9:
0x1e2: {  	v4 =	vld [tilespmem:s13+$0x1A0]  }
0x1e3: {  	v5 =	vld [tilespmem:s13+$0x220]  }
0x1e4: {  	v14 =	vld [tilespmem:s13+$0x2A0]  }
0x1e5: {  	v15 =	vld [tilespmem:s13+$0x380];
	_ =	sdelay $0x3  }
0x1e6: {  	v6 =	vsub.f32 $1.000000000e+00, v4;
	v7 =	vsub.f32 $1.000000000e+00, v5  }
0x1e7: {  	v60 =	vor.u32 $0x8000, v0;
	v16 =	vsub.f32 $1.000000000e+00, v14;
	v12 =	vmul.u32 $0xC, v15  }
0x1e8: {  	v15 =	vshll.u32 v15, $0xC;
	v8 =	vmul.f32 v7, v6;
	v6 =	vmul.f32 v5, v6  }
0x1e9: {  	v17 =	vmul.f32 v7, v4;
	v5 =	vmul.f32 v5, v4;
	v4 =	vmov s13  }
0x1ea: {  	v61 =	vand.u32 $0x7C, v12;
	v62 =	vsub.s32 $0xC, v12;
	v21 =	vadd.s32 $0x4, v12  }
0x1eb: {  	v24 =	vadd.s32 $0x5, v12;
	v26 =	vadd.s32 $0x6, v12;
	v36 =	vadd.s32 $0x7, v12  }
0x1ec: {  	v27 =	vadd.s32 $0x8, v12;
	v40 =	vadd.s32 $0x9, v12;
	v41 =	vadd.s32 $0xA, v12  }
0x1ed: {  	v42 =	vadd.s32 $0xB, v12;
	v31 =	vsub.s32 $0xD, v12;
	v33 =	vsub.s32 $0xE, v12  }
0x1ee: {  	v49 =	vsub.s32 $0x11, v12;
	v7 =	vshll.u32 v4, $0x7;
	v4 =	vand.u32 $0xFFFFFF80, v12  }
0x1ef: {  	v23 =	vand.u32 $0xFFFFFF80, v21;
	v21 =	vand.u32 $0x7C, v21;
	v25 =	vand.u32 $0xFFFFFF80, v24  }
0x1f0: {  	v24 =	vand.u32 $0x7D, v24;
	v34 =	vand.u32 $0xFFFFFF80, v26;
	v35 =	vand.u32 $0x7E, v26  }
0x1f1: {  	v37 =	vand.u32 $0xFFFFFF80, v36;
	v26 =	vand.u32 $0x7F, v36;
	v28 =	vand.u32 $0xFFFFFF80, v27  }
0x1f2: {  	v38 =	vand.u32 $0x7C, v27;
	v29 =	vand.u32 $0xFFFFFF80, v40;
	v27 =	vand.u32 $0x7D, v40  }
0x1f3: {  	v30 =	vand.u32 $0xFFFFFF80, v41;
	v43 =	vand.u32 $0xFFFFFF80, v62;
	v32 =	vand.u32 $0xFFFFFF80, v42  }
0x1f4: {  	v44 =	vand.u32 $0xFFFFFF80, v31;
	v31 =	vand.u32 $0x7D, v31;
	v45 =	vand.u32 $0xFFFFFF80, v33  }
0x1f5: {  	v33 =	vand.u32 $0x7E, v33;
	v36 =	vsub.s32 $0x10, v12;
	v50 =	vand.u32 $0xFFFFFF80, v49  }
0x1f6: {  	v40 =	vsub.s32 $0x15, v12;
	v13 =	vmul.f32 v16, v8;
	v11 =	vmul.f32 v8, v14  }
0x1f7: {  	v10 =	vmul.f32 v16, v6;
	v9 =	vmul.f32 v14, v6;
	v18 =	vor.u32 v60, v7  }
0x1f8: {  	v8 =	vmul.f32 v16, v17;
	v6 =	vmul.f32 v17, v14;
	v19 =	vadd.s32 v18, v4  }
0x1f9: {  	v47 =	vand.u32 $0xFFFFFF80, v36;
	v23 =	vadd.s32 v18, v23;
	v17 =	vor.u32 v61, v19  }
0x1fa: {  	v48 =	vand.u32 $0x7C, v36;
	v25 =	vadd.s32 v18, v25;
	v21 =	vor.u32 v21, v23  }
0x1fb: {  	v39 =	vadd.s32 v18, v28;
	v29 =	vadd.s32 v18, v29;
	v63 =	vor.u32 v24, v25  }
0x1fc: {  	v28 =	vand.u32 $0x7E, v41;
	v30 =	vadd.s32 v18, v30;
	v27 =	vor.u32 v27, v29  }
0x1fd: {  	v36 =	vand.u32 $0x7D, v49;
	v60 =	vor.u32 $0xA000, v0;
	v28 =	vor.u32 v28, v30  }
0x1fe: {  	v19 =	vor.u32 $0x1, v17;
	v20 =	vor.u32 $0x2, v17;
	v22 =	vor.u32 $0x3, v17;
	v17 =	vld.idx.msk [tilespmem:v17+s30+$0x0], $0xffff  }
0x1ff: {  	v4 =	vmul.f32 v16, v5;
	v15 =	vadd.s32 v18, v15;
	v16 =	vand.u32 $0x7C, v62;
	v21 =	vld.idx.msk [tilespmem:v21+s30+$0x0], $0xffff  }
0x200: {  	v5 =	vmul.f32 v14, v5;
	v41 =	vand.u32 $0xFFFFFF80, v40;
	v24 =	vadd.s32 v18, v34;
	v23 =	vld.idx.msk [tilespmem:v63+s30+$0x0], $0xffff  }
0x201: {  	v25 =	vadd.s32 v18, v37;
	v30 =	vadd.s32 v15, v43;
	v24 =	vor.u32 v35, v24;
	v27 =	vld.idx.msk [tilespmem:v27+s30+$0x0], $0xffff  }
0x202: {  	v34 =	vsub.s32 $0xF, v12;
	v37 =	vsub.s32 $0x12, v12;
	v25 =	vor.u32 v26, v25;
	v28 =	vld.idx.msk [tilespmem:v28+s30+$0x0], $0xffff  }
0x203: {  	v29 =	vand.u32 $0x7F, v42;
	v18 =	vadd.s32 v18, v32;
	v26 =	vor.u32 v38, v39;
	v19 =	vld.idx.msk [tilespmem:v19+s30+$0x0], $0xffff  }
0x204: {  	v16 =	vor.u32 v16, v30;
	v30 =	vadd.s32 v15, v44;
	v35 =	vand.u32 $0xFFFFFF80, v34;
	v20 =	vld.idx.msk [tilespmem:v20+s30+$0x0], $0xffff  }
0x205: {  	v34 =	vand.u32 $0x7F, v34;
	v30 =	vor.u32 v31, v30;
	v31 =	vadd.s32 v15, v45;
	v22 =	vld.idx.msk [tilespmem:v22+s30+$0x0], $0xffff  }
0x206: {  	v38 =	vand.u32 $0xFFFFFF80, v37;
	v35 =	vadd.s32 v15, v35;
	v31 =	vor.u32 v33, v31;
	v24 =	vld.idx.msk [tilespmem:v24+s30+$0x0], $0xffff  }
0x207: {  	v51 =	vand.u32 $0x7E, v37;
	v52 =	vadd.s32 v15, v38;
	v46 =	vor.u32 v34, v35;
	v25 =	vld.idx.msk [tilespmem:v25+s30+$0x0], $0xffff  }
0x208: {  	v42 =	vsub.s32 $0x16, v12;
	v34 =	vadd.s32 v15, v47;
	v53 =	vor.u32 v51, v52;
	v26 =	vld.idx.msk [tilespmem:v26+s30+$0x0], $0xffff  }
0x209: {  	v37 =	vsub.s32 $0x14, v12;
	v35 =	vadd.s32 v15, v50;
	v34 =	vor.u32 v48, v34;
	v16 =	vld.idx.msk [tilespmem:v16+s30+$0x0], $0xffff  }
0x20a: {  	v55 =	vor.u32 v29, v18;
	v39 =	vand.u32 $0xFFFFFF80, v37;
	v35 =	vor.u32 v36, v35;
	v30 =	vld.idx.msk [tilespmem:v30+s30+$0x0], $0xffff  }
0x20b: {  	v43 =	vand.u32 $0xFFFFFF80, v42;
	v44 =	vsub.s32 $0x17, v12;
	v29 =	vadd.s32 v15, v39;
	v56 =	vld.idx.msk [tilespmem:v31+s30+$0x0], $0xffff  }
0x20c: {  	v47 =	vand.u32 $0x7F, v44;
	v57 =	vld.idx.msk [tilespmem:v46+s30+$0x0], $0xffff;
	v54 =	vmul.f32 v17, v13;
	v21 =	vmul.f32 v21, v13  }
0x20d: {  	v36 =	vsub.s32 $0x13, v12;
	v32 =	vld.idx.msk [tilespmem:v53+s30+$0x0], $0xffff;
	v23 =	vmul.f32 v23, v13;
	v27 =	vmul.f32 v27, v13  }
0x20e: {  	v38 =	vand.u32 $0xFFFFFF80, v36;
	v58 =	vld.idx.msk [tilespmem:v34+s30+$0x0], $0xffff;
	v28 =	vmul.f32 v28, v13;
	v19 =	vmul.f32 v19, v13  }
0x20f: {  	v31 =	vand.u32 $0x7E, v42;
	v59 =	vld.idx.msk [tilespmem:v35+s30+$0x0], $0xffff;
	v20 =	vmul.f32 v20, v13;
	v22 =	vmul.f32 v22, v13  }
0x210: {  	v46 =	vand.u32 $0xFFFFFF80, v44;
	v24 =	vmul.f32 v24, v13;
	v16 =	vmul.f32 v16, v11  }
0x211: {  	v34 =	vor.u32 v60, v7;
	v17 =	vld.idx.msk [tilespmem:v55+s30+$0x0], $0xffff;
	v25 =	vmul.f32 v25, v13;
	v26 =	vmul.f32 v26, v13  }
0x212: {  	v30 =	vmul.f32 v30, v11;
	v14 =	vadd.f32 v16, v54;
	v61 =	vmul.f32 v56, v11  }
0x213: {  	v62 =	vmul.f32 v57, v11;
	v35 =	vmul.f32 v32, v11;
	v32 =	vadd.s32 v15, v43  }
0x214: {  	v19 =	vadd.f32 v30, v19;
	v63 =	vmul.f32 v58, v11;
	v33 =	vmul.f32 v59, v11;
	v30 =	vld [tilespmem:s13+$0x3A0]  }
0x215: {  	v45 =	vor.u32 v31, v32;
	v16 =	vadd.f32 v61, v20;
	v18 =	vadd.f32 v62, v22  }
0x216: {  	v13 =	vmul.f32 v17, v13;
	v20 =	vadd.f32 v35, v24;
	v22 =	vand.u32 $0x7F, v36  }
0x217: {  	v24 =	vadd.s32 v15, v38;
	v17 =	vadd.f32 v63, v21;
	v21 =	vadd.f32 v33, v23  }
0x218: {  	v23 =	vand.u32 $0x7C, v37;
	v22 =	vor.u32 v22, v24;
	v24 =	vand.u32 $0x7D, v40  }
0x219: {  	v23 =	vor.u32 v23, v29;
	v29 =	vadd.s32 v15, v41;
	v12 =	vmul.u32 $0xC, v30  }
0x21a: {  	v15 =	vadd.s32 v15, v46;
	v24 =	vor.u32 v24, v29;
	v30 =	vshll.u32 v30, $0xC  }
0x21b: {  	v15 =	vor.u32 v47, v15;
	v30 =	vadd.s32 v34, v30;
	v48 =	vand.u32 $0xFFFFFF80, v12  }
0x21c: {  	v49 =	vand.u32 $0x7C, v12;
	v50 =	vadd.s32 $0x4, v12;
	v53 =	vadd.s32 $0x5, v12  }
0x21d: {  	v39 =	vadd.s32 $0x6, v12;
	v40 =	vadd.s32 $0x7, v12;
	v42 =	vadd.s32 $0x8, v12  }
0x21e: {  	v60 =	vadd.s32 $0x9, v12;
	v33 =	vadd.s32 v34, v48;
	v52 =	vand.u32 $0xFFFFFF80, v50  }
0x21f: {  	v32 =	vand.u32 $0x7C, v50;
	v55 =	vand.u32 $0xFFFFFF80, v53;
	v37 =	vand.u32 $0x7D, v53  }
0x220: {  	v56 =	vand.u32 $0xFFFFFF80, v39;
	v39 =	vand.u32 $0x7E, v39;
	v41 =	vand.u32 $0xFFFFFF80, v40  }
0x221: {  	v40 =	vand.u32 $0x7F, v40;
	v58 =	vand.u32 $0xFFFFFF80, v42;
	v59 =	vand.u32 $0x7C, v42  }
0x222: {  	v29 =	vld.idx.msk [tilespmem:v45+s30+$0x0], $0xffff;
	v61 =	vand.u32 $0xFFFFFF80, v60;
	v42 =	vand.u32 $0x7D, v60;
	v50 =	vadd.s32 $0xA, v12  }
0x223: {  	v60 =	vsub.s32 $0xF, v12;
	v31 =	vor.u32 v49, v33;
	v36 =	vadd.s32 v34, v52  }
0x224: {  	v22 =	vld.idx.msk [tilespmem:v22+s30+$0x0], $0xffff;
	v41 =	vadd.s32 v34, v41;
	v52 =	vadd.s32 $0xB, v12;
	v33 =	vor.u32 $0x1, v31  }
0x225: {  	v23 =	vld.idx.msk [tilespmem:v23+s30+$0x0], $0xffff;
	v51 =	vor.u32 $0x2, v31;
	v54 =	vor.u32 $0x3, v31;
	v32 =	vor.u32 v32, v36  }
0x226: {  	v24 =	vld.idx.msk [tilespmem:v24+s30+$0x0], $0xffff;
	v36 =	vadd.s32 v34, v55;
	v57 =	vor.u32 v40, v41;
	v40 =	vadd.s32 v34, v58  }
0x227: {  	v15 =	vld.idx.msk [tilespmem:v15+s30+$0x0], $0xffff;
	v41 =	vadd.s32 v34, v61;
	v29 =	vmul.f32 v29, v11;
	v53 =	vand.u32 $0xFFFFFF80, v52  }
0x228: {  	v55 =	vsub.s32 $0xD, v12;
	v58 =	vsub.s32 $0xE, v12;
	v61 =	vand.u32 $0xFFFFFF80, v60  }
0x229: {  	v36 =	vor.u32 v37, v36;
	v37 =	vadd.s32 v34, v56;
	v40 =	vor.u32 v59, v40;
	v31 =	vld.idx.msk [tilespmem:v31+s30+$0x0], $0xffff  }
0x22a: {  	v41 =	vor.u32 v42, v41;
	v56 =	vand.u32 $0xFFFFFF80, v55;
	v22 =	vmul.f32 v22, v11;
	v33 =	vld.idx.msk [tilespmem:v33+s30+$0x0], $0xffff  }
0x22b: {  	v59 =	vand.u32 $0xFFFFFF80, v58;
	v37 =	vor.u32 v39, v37;
	v23 =	vmul.f32 v23, v11;
	v35 =	vld.idx.msk [tilespmem:v51+s30+$0x0], $0xffff  }
0x22c: {  	v24 =	vmul.f32 v24, v11;
	v22 =	vadd.f32 v22, v25;
	v11 =	vmul.f32 v15, v11;
	v38 =	vld.idx.msk [tilespmem:v54+s30+$0x0], $0xffff  }
0x22d: {  	v25 =	vadd.f32 v29, v28;
	v32 =	vld.idx.msk [tilespmem:v32+s30+$0x0], $0xffff;
	v23 =	vadd.f32 v23, v26;
	v51 =	vand.u32 $0xFFFFFF80, v50  }
0x22e: {  	v43 =	vld.idx.msk [tilespmem:v57+s30+$0x0], $0xffff;
	v26 =	vand.u32 $0x7E, v50;
	v57 =	vand.u32 $0x7D, v55;
	v24 =	vadd.f32 v24, v27  }
0x22f: {  	v11 =	vadd.f32 v11, v13;
	v49 =	vld.idx.msk [tilespmem:v41+s30+$0x0], $0xffff;
	v27 =	vadd.s32 v34, v51;
	v41 =	vsub.s32 $0x11, v12  }
0x230: {  	v51 =	vsub.s32 $0x15, v12;
	v62 =	vld.idx.msk [tilespmem:v37+s30+$0x0], $0xffff;
	v37 =	vsub.s32 $0xC, v12;
	v26 =	vor.u32 v26, v27  }
0x231: {  	v36 =	vld.idx.msk [tilespmem:v36+s30+$0x0], $0xffff;
	v27 =	vand.u32 $0x7F, v52;
	v52 =	vand.u32 $0xFFFFFF80, v51;
	v54 =	vand.u32 $0xFFFFFF80, v37  }
0x232: {  	v46 =	vld.idx.msk [tilespmem:v40+s30+$0x0], $0xffff;
	v13 =	vand.u32 $0x7C, v37;
	v63 =	vmul.f32 v31, v10;
	v31 =	vadd.s32 v34, v53  }
0x233: {  	v34 =	vand.u32 $0x7F, v60;
	v42 =	vmul.f32 v33, v10;
	v44 =	vmul.f32 v35, v10  }
0x234: {  	v53 =	vand.u32 $0x7D, v51;
	v45 =	vmul.f32 v38, v10;
	v47 =	vmul.f32 v32, v10  }
0x235: {  	v32 =	vadd.s32 v30, v54;
	v27 =	vor.u32 v27, v31;
	v31 =	vadd.s32 v30, v56  }
0x236: {  	v33 =	vand.u32 $0x7E, v58;
	v35 =	vadd.s32 v30, v61;
	v54 =	vadd.s32 v30, v52  }
0x237: {  	v14 =	vadd.f32 v63, v14;
	v48 =	vmul.f32 v36, v10;
	v28 =	vmul.f32 v46, v10  }
0x238: {  	v29 =	vmul.f32 v49, v10;
	v13 =	vor.u32 v13, v32;
	v31 =	vor.u32 v57, v31  }
0x239: {  	v32 =	vadd.s32 v30, v59;
	v63 =	vor.u32 v34, v35;
	v36 =	vand.u32 $0x7D, v41  }
0x23a: {  	v49 =	vsub.s32 $0x14, v12;
	v57 =	vor.u32 v53, v54;
	v19 =	vadd.f32 v42, v19  }
0x23b: {  	v59 =	vsub.s32 $0x16, v12;
	v16 =	vadd.f32 v44, v16;
	v18 =	vadd.f32 v45, v18  }
0x23c: {  	v15 =	vmul.f32 v62, v10;
	v17 =	vadd.f32 v47, v17;
	v62 =	vsub.s32 $0x10, v12  }
0x23d: {  	v32 =	vor.u32 v33, v32;
	v42 =	vand.u32 $0xFFFFFF80, v41;
	v45 =	vsub.s32 $0x13, v12  }
0x23e: {  	v50 =	vand.u32 $0xFFFFFF80, v49;
	v61 =	vand.u32 $0xFFFFFF80, v59;
	v21 =	vadd.f32 v48, v21  }
0x23f: {  	v39 =	vand.u32 $0xFFFFFF80, v62;
	v40 =	vand.u32 $0x7C, v62;
	v35 =	vadd.s32 v30, v42  }
0x240: {  	v47 =	vand.u32 $0xFFFFFF80, v45;
	v48 =	vand.u32 $0x7F, v45;
	v55 =	vadd.f32 v28, v23  }
0x241: {  	v26 =	vld.idx.msk [tilespmem:v26+s30+$0x0], $0xffff;
	v24 =	vadd.f32 v29, v24;
	v15 =	vadd.f32 v15, v20;
	v20 =	vmul.f32 v43, v10  }
0x242: {  	v34 =	vadd.s32 v30, v39;
	v43 =	vsub.s32 $0x12, v12;
	v35 =	vor.u32 v36, v35;
	v27 =	vld.idx.msk [tilespmem:v27+s30+$0x0], $0xffff  }
0x243: {  	v39 =	vand.u32 $0x7C, v49;
	v12 =	vsub.s32 $0x17, v12;
	v49 =	vor.u32 $0xC000, v0;
	v13 =	vld.idx.msk [tilespmem:v13+s30+$0x0], $0xffff  }
0x244: {  	v34 =	vor.u32 v40, v34;
	v44 =	vand.u32 $0xFFFFFF80, v43;
	v37 =	vand.u32 $0x7E, v43;
	v31 =	vld.idx.msk [tilespmem:v31+s30+$0x0], $0xffff  }
0x245: {  	v38 =	vadd.s32 v30, v44;
	v33 =	vld.idx.msk [tilespmem:v63+s30+$0x0], $0xffff;
	v20 =	vadd.f32 v20, v22;
	v63 =	vand.u32 $0xFFFFFF80, v12  }
0x246: {  	v12 =	vand.u32 $0x7F, v12;
	v46 =	vor.u32 v37, v38;
	v32 =	vld.idx.msk [tilespmem:v32+s30+$0x0], $0xffff;
	v38 =	vadd.s32 v30, v50  }
0x247: {  	v37 =	vadd.s32 v30, v47;
	v26 =	vmul.f32 v26, v10;
	v38 =	vor.u32 v39, v38;
	v39 =	vld.idx.msk [tilespmem:v57+s30+$0x0], $0xffff  }
0x248: {  	v37 =	vor.u32 v48, v37;
	v58 =	vld.idx.msk [tilespmem:v35+s30+$0x0], $0xffff;
	v35 =	vadd.s32 v30, v61;
	v30 =	vadd.s32 v30, v63  }
0x249: {  	v25 =	vadd.f32 v26, v25;
	v26 =	vor.u32 v49, v7;
	v56 =	vld.idx.msk [tilespmem:v34+s30+$0x0], $0xffff;
	v10 =	vmul.f32 v27, v10  }
0x24a: {  	v34 =	vand.u32 $0x7E, v59;
	v12 =	vor.u32 v12, v30;
	v30 =	vld [tilespmem:s13+$0x3C0];
	v13 =	vmul.f32 v13, v9  }
0x24b: {  	v34 =	vor.u32 v34, v35;
	v40 =	vmul.f32 v31, v9;
	v42 =	vmul.f32 v33, v9;
	v60 =	vld.idx.msk [tilespmem:v46+s30+$0x0], $0xffff  }
0x24c: {  	v11 =	vadd.f32 v10, v11;
	v41 =	vmul.f32 v32, v9;
	v13 =	vadd.f32 v13, v14  }
0x24d: {  	v62 =	vld.idx.msk [tilespmem:v37+s30+$0x0], $0xffff;
	v19 =	vadd.f32 v40, v19;
	v14 =	vadd.f32 v42, v18;
	v48 =	vmul.f32 v39, v9  }
0x24e: {  	v38 =	vld.idx.msk [tilespmem:v38+s30+$0x0], $0xffff;
	v16 =	vadd.f32 v41, v16;
	v43 =	vmul.f32 v58, v9;
	v23 =	vmul.f32 v56, v9  }
0x24f: {  	v10 =	vmul.u32 $0xC, v30;
	v18 =	vadd.f32 v48, v24;
	v30 =	vshll.u32 v30, $0xC  }
0x250: {  	v21 =	vadd.f32 v43, v21;
	v17 =	vadd.f32 v23, v17;
	v44 =	vmul.f32 v60, v9  }
0x251: {  	v50 =	vand.u32 $0xFFFFFF80, v10;
	v51 =	vand.u32 $0x7C, v10;
	v53 =	vadd.s32 $0x4, v10  }
0x252: {  	v56 =	vadd.s32 $0x5, v10;
	v58 =	vadd.s32 $0x6, v10;
	v40 =	vadd.s32 $0x8, v10  }
0x253: {  	v48 =	vadd.s32 $0xB, v10;
	v46 =	vmul.f32 v62, v9;
	v47 =	vmul.f32 v38, v9  }
0x254: {  	v24 =	vadd.s32 v26, v50;
	v29 =	vand.u32 $0x7C, v53;
	v57 =	vand.u32 $0xFFFFFF80, v56  }
0x255: {  	v33 =	vand.u32 $0x7D, v56;
	v60 =	vand.u32 $0xFFFFFF80, v58;
	v61 =	vand.u32 $0x7E, v58  }
0x256: {  	v62 =	vadd.s32 $0x7, v10;
	v41 =	vand.u32 $0xFFFFFF80, v40;
	v42 =	vand.u32 $0x7C, v40  }
0x257: {  	v49 =	vand.u32 $0xFFFFFF80, v48;
	v56 =	vsub.s32 $0xE, v10;
	v15 =	vadd.f32 v44, v15  }
0x258: {  	v45 =	vld.idx.msk [tilespmem:v34+s30+$0x0], $0xffff;
	v24 =	vor.u32 v51, v24;
	v34 =	vadd.s32 v26, v57;
	v63 =	vand.u32 $0xFFFFFF80, v62  }
0x259: {  	v35 =	vand.u32 $0x7F, v62;
	v43 =	vadd.s32 v26, v41;
	v44 =	vadd.s32 $0x9, v10  }
0x25a: {  	v12 =	vld.idx.msk [tilespmem:v12+s30+$0x0], $0xffff;
	v41 =	vor.u32 $0xE000, v0;
	v57 =	vand.u32 $0xFFFFFF80, v56;
	v40 =	vand.u32 $0x7E, v56  }
0x25b: {  	v56 =	vsub.s32 $0x11, v10;
	v20 =	vadd.f32 v46, v20;
	v22 =	vadd.f32 v47, v55  }
0x25c: {  	v27 =	vor.u32 $0x1, v24;
	v52 =	vor.u32 $0x2, v24;
	v54 =	vor.u32 $0x3, v24  }
0x25d: {  	v55 =	vand.u32 $0xFFFFFF80, v53;
	v59 =	vor.u32 v33, v34;
	v33 =	vadd.s32 v26, v60  }
0x25e: {  	v34 =	vadd.s32 v26, v63;
	v46 =	vand.u32 $0xFFFFFF80, v44;
	v36 =	vand.u32 $0x7D, v44  }
0x25f: {  	v53 =	vsub.s32 $0xD, v10;
	v23 =	vmul.f32 v45, v9;
	v9 =	vmul.f32 v12, v9  }
0x260: {  	v12 =	vsub.s32 $0xC, v10;
	v32 =	vadd.s32 v26, v55;
	v33 =	vor.u32 v61, v33  }
0x261: {  	v34 =	vor.u32 v35, v34;
	v35 =	vor.u32 v42, v43;
	v45 =	vadd.s32 $0xA, v10  }
0x262: {  	v38 =	vadd.s32 v26, v46;
	v55 =	vand.u32 $0x7D, v53;
	v29 =	vor.u32 v29, v32;
	v24 =	vld.idx.msk [tilespmem:v24+s30+$0x0], $0xffff  }
0x263: {  	v47 =	vand.u32 $0xFFFFFF80, v45;
	v37 =	vand.u32 $0x7E, v45;
	v36 =	vor.u32 v36, v38;
	v27 =	vld.idx.msk [tilespmem:v27+s30+$0x0], $0xffff  }
0x264: {  	v38 =	vand.u32 $0x7F, v48;
	v50 =	vand.u32 $0xFFFFFF80, v12;
	v12 =	vand.u32 $0x7C, v12;
	v28 =	vld.idx.msk [tilespmem:v52+s30+$0x0], $0xffff  }
0x265: {  	v39 =	vadd.s32 v26, v47;
	v23 =	vadd.f32 v23, v25;
	v9 =	vadd.f32 v9, v11;
	v31 =	vld.idx.msk [tilespmem:v54+s30+$0x0], $0xffff  }
0x266: {  	v37 =	vor.u32 v37, v39;
	v39 =	vadd.s32 v26, v49;
	v26 =	vadd.s32 v26, v30;
	v51 =	vld.idx.msk [tilespmem:v59+s30+$0x0], $0xffff  }
0x267: {  	v49 =	vsub.s32 $0xF, v10;
	v52 =	vadd.s32 v26, v50;
	v38 =	vor.u32 v38, v39;
	v33 =	vld.idx.msk [tilespmem:v33+s30+$0x0], $0xffff  }
0x268: {  	v54 =	vand.u32 $0xFFFFFF80, v53;
	v39 =	vadd.s32 v26, v57;
	v57 =	vand.u32 $0xFFFFFF80, v56;
	v34 =	vld.idx.msk [tilespmem:v34+s30+$0x0], $0xffff  }
0x269: {  	v12 =	vor.u32 v12, v52;
	v32 =	vadd.s32 v26, v54;
	v35 =	vld.idx.msk [tilespmem:v35+s30+$0x0], $0xffff;
	v60 =	vor.u32 v40, v39  }
0x26a: {  	v52 =	vsub.s32 $0x10, v10;
	v29 =	vld.idx.msk [tilespmem:v29+s30+$0x0], $0xffff;
	v32 =	vor.u32 v55, v32;
	v24 =	vmul.f32 v24, v8  }
0x26b: {  	v36 =	vld.idx.msk [tilespmem:v36+s30+$0x0], $0xffff;
	v54 =	vand.u32 $0xFFFFFF80, v52;
	v58 =	vmul.f32 v27, v8;
	v62 =	vmul.f32 v28, v8  }
0x26c: {  	v55 =	vand.u32 $0x7C, v52;
	v63 =	vld.idx.msk [tilespmem:v38+s30+$0x0], $0xffff;
	v38 =	vmul.f32 v31, v8;
	v40 =	vmul.f32 v51, v8  }
0x26d: {  	v51 =	vand.u32 $0xFFFFFF80, v49;
	v61 =	vadd.f32 v24, v13;
	v42 =	vmul.f32 v33, v8  }
0x26e: {  	v44 =	vmul.f32 v34, v8;
	v45 =	vmul.f32 v35, v8;
	v24 =	vand.u32 $0x7D, v56  }
0x26f: {  	v35 =	vsub.s32 $0x15, v10;
	v19 =	vadd.f32 v58, v19;
	v13 =	vadd.f32 v62, v16  }
0x270: {  	v59 =	vld.idx.msk [tilespmem:v37+s30+$0x0], $0xffff;
	v39 =	vmul.f32 v29, v8;
	v14 =	vadd.f32 v38, v14;
	v16 =	vadd.f32 v40, v21  }
0x271: {  	v47 =	vmul.f32 v36, v8;
	v58 =	vsub.s32 $0x12, v10;
	v62 =	vsub.s32 $0x13, v10  }
0x272: {  	v36 =	vand.u32 $0xFFFFFF80, v35;
	v37 =	vand.u32 $0x7D, v35;
	v15 =	vadd.f32 v42, v15  }
0x273: {  	v12 =	vld.idx.msk [tilespmem:v12+s30+$0x0], $0xffff;
	v38 =	vsub.s32 $0x16, v10;
	v20 =	vadd.f32 v44, v20;
	v21 =	vadd.f32 v45, v22  }
0x274: {  	v46 =	vld.idx.msk [tilespmem:v60+s30+$0x0], $0xffff;
	v60 =	vand.u32 $0x7E, v58;
	v33 =	vand.u32 $0xFFFFFF80, v62;
	v40 =	vand.u32 $0x7E, v38  }
0x275: {  	v43 =	vld.idx.msk [tilespmem:v32+s30+$0x0], $0xffff;
	v17 =	vadd.f32 v39, v17;
	v27 =	vmul.f32 v59, v8;
	v18 =	vadd.f32 v47, v18  }
0x276: {  	v59 =	vand.u32 $0xFFFFFF80, v58;
	v28 =	vadd.s32 v26, v33;
	v39 =	vand.u32 $0xFFFFFF80, v38  }
0x277: {  	v8 =	vmul.f32 v63, v8;
	v63 =	vsub.s32 $0x14, v10;
	v32 =	vadd.s32 v26, v39  }
0x278: {  	v10 =	vsub.s32 $0x17, v10;
	v12 =	vmul.f32 v12, v6;
	v22 =	vadd.f32 v27, v23  }
0x279: {  	v50 =	vmul.f32 v46, v6;
	v23 =	vadd.s32 v26, v51;
	v34 =	vand.u32 $0xFFFFFF80, v63  }
0x27a: {  	v27 =	vand.u32 $0x7C, v63;
	v42 =	vor.u32 v40, v32;
	v48 =	vmul.f32 v43, v6  }
0x27b: {  	v9 =	vadd.f32 v8, v9;
	v8 =	vand.u32 $0x7F, v49;
	v29 =	vadd.s32 v26, v34  }
0x27c: {  	v30 =	vld [tilespmem:s13+$0x3E0];
	v43 =	vand.u32 $0xFFFFFF80, v10;
	v10 =	vand.u32 $0x7F, v10;
	v34 =	vor.u32 v41, v7  }
0x27d: {  	v11 =	vadd.f32 v12, v61;
	v13 =	vadd.f32 v50, v13;
	v53 =	vor.u32 v8, v23  }
0x27e: {  	v8 =	vadd.s32 v26, v54;
	v61 =	vadd.s32 v26, v59;
	v27 =	vor.u32 v27, v29  }
0x27f: {  	v29 =	vadd.s32 v26, v36;
	v23 =	vor.u32 v55, v8;
	v8 =	vadd.s32 v26, v57  }
0x280: {  	v46 =	vadd.s32 v26, v43;
	v24 =	vor.u32 v24, v8;
	v8 =	vand.u32 $0x7F, v62  }
0x281: {  	v12 =	vadd.f32 v48, v19;
	v28 =	vor.u32 v8, v28;
	v8 =	vmul.u32 $0xC, v30  }
0x282: {  	v25 =	vor.u32 v60, v61;
	v29 =	vor.u32 v37, v29;
	v10 =	vor.u32 v10, v46  }
0x283: {  	v44 =	vand.u32 $0xFFFFFF80, v8;
	v47 =	vand.u32 $0x7C, v8;
	v50 =	vadd.s32 $0x4, v8  }
0x284: {  	v19 =	vld.idx.msk [tilespmem:v53+s30+$0x0], $0xffff;
	v53 =	vadd.s32 $0x5, v8;
	v56 =	vadd.s32 $0x6, v8;
	v58 =	vadd.s32 $0x7, v8  }
0x285: {  	v31 =	vld.idx.msk [tilespmem:v42+s30+$0x0], $0xffff;
	v60 =	vadd.s32 $0x8, v8;
	v42 =	vsub.s32 $0xF, v8;
	v48 =	vadd.s32 v34, v44  }
0x286: {  	v52 =	vand.u32 $0xFFFFFF80, v50;
	v26 =	vand.u32 $0x7C, v50;
	v55 =	vand.u32 $0xFFFFFF80, v53  }
0x287: {  	v36 =	vand.u32 $0x7D, v53;
	v57 =	vand.u32 $0xFFFFFF80, v56;
	v38 =	vand.u32 $0x7E, v56  }
0x288: {  	v27 =	vld.idx.msk [tilespmem:v27+s30+$0x0], $0xffff;
	v59 =	vand.u32 $0xFFFFFF80, v58;
	v39 =	vand.u32 $0x7F, v58;
	v62 =	vand.u32 $0xFFFFFF80, v60  }
0x289: {  	v45 =	vld.idx.msk [tilespmem:v23+s30+$0x0], $0xffff;
	v63 =	vand.u32 $0x7C, v60;
	v43 =	vand.u32 $0xFFFFFF80, v42;
	v49 =	vor.u32 v47, v48  }
0x28a: {  	v25 =	vld.idx.msk [tilespmem:v25+s30+$0x0], $0xffff;
	v35 =	vadd.s32 v34, v52;
	v40 =	vadd.s32 v34, v59;
	v32 =	vor.u32 $0x1, v49  }
0x28b: {  	v29 =	vld.idx.msk [tilespmem:v29+s30+$0x0], $0xffff;
	v51 =	vor.u32 $0x2, v49;
	v54 =	vor.u32 $0x3, v49;
	v26 =	vor.u32 v26, v35  }
0x28c: {  	v24 =	vld.idx.msk [tilespmem:v24+s30+$0x0], $0xffff;
	v35 =	vadd.s32 v34, v55;
	v61 =	vor.u32 v39, v40;
	v39 =	vadd.s32 v34, v62  }
0x28d: {  	v28 =	vld.idx.msk [tilespmem:v28+s30+$0x0], $0xffff;
	v40 =	vsub.s32 $0xE, v8;
	v35 =	vor.u32 v36, v35;
	v36 =	vadd.s32 v34, v57  }
0x28e: {  	v39 =	vor.u32 v63, v39;
	v63 =	vsub.s32 $0xC, v8;
	v41 =	vand.u32 $0xFFFFFF80, v40  }
0x28f: {  	v10 =	vld.idx.msk [tilespmem:v10+s30+$0x0], $0xffff;
	v36 =	vor.u32 v38, v36;
	v19 =	vmul.f32 v19, v6;
	v46 =	vmul.f32 v27, v6  }
0x290: {  	v27 =	vadd.s32 $0x9, v8;
	v7 =	vmul.f32 v45, v6;
	v44 =	vmul.f32 v25, v6;
	v23 =	vld.idx.msk [tilespmem:v49+s30+$0x0], $0xffff  }
0x291: {  	v24 =	vmul.f32 v24, v6;
	v14 =	vadd.f32 v19, v14;
	v49 =	vmul.f32 v29, v6;
	v32 =	vld.idx.msk [tilespmem:v32+s30+$0x0], $0xffff  }
0x292: {  	v29 =	vand.u32 $0xFFFFFF80, v27;
	v33 =	vld.idx.msk [tilespmem:v51+s30+$0x0], $0xffff;
	v45 =	vmul.f32 v28, v6;
	v7 =	vadd.f32 v7, v17  }
0x293: {  	v37 =	vld.idx.msk [tilespmem:v54+s30+$0x0], $0xffff;
	v15 =	vadd.f32 v44, v15;
	v17 =	vadd.f32 v46, v21;
	v51 =	vmul.f32 v31, v6  }
0x294: {  	v26 =	vld.idx.msk [tilespmem:v26+s30+$0x0], $0xffff;
	v6 =	vmul.f32 v10, v6;
	v28 =	vadd.s32 $0xA, v8;
	v19 =	vadd.s32 v34, v29  }
0x295: {  	v52 =	vld.idx.msk [tilespmem:v61+s30+$0x0], $0xffff;
	v44 =	vsub.s32 $0x10, v8;
	v16 =	vadd.f32 v24, v16;
	v18 =	vadd.f32 v49, v18  }
0x296: {  	v47 =	vld.idx.msk [tilespmem:v35+s30+$0x0], $0xffff;
	v31 =	vand.u32 $0xFFFFFF80, v28;
	v35 =	vshll.u32 v30, $0xC;
	v48 =	vadd.f32 v45, v20  }
0x297: {  	v46 =	vand.u32 $0xFFFFFF80, v44;
	v21 =	vadd.f32 v51, v22;
	v22 =	vadd.f32 v6, v9  }
0x298: {  	v55 =	vld.idx.msk [tilespmem:v39+s30+$0x0], $0xffff;
	v20 =	vadd.s32 v34, v31;
	v53 =	vmul.f32 v23, v4;
	v54 =	vmul.f32 v32, v4  }
0x299: {  	v50 =	vld.idx.msk [tilespmem:v36+s30+$0x0], $0xffff;
	v36 =	vand.u32 $0xFFFFFF80, v63;
	v56 =	vmul.f32 v33, v4;
	v57 =	vmul.f32 v37, v4  }
0x29a: {  	v23 =	vadd.s32 v34, v35;
	v58 =	vmul.f32 v26, v4;
	v61 =	vmul.f32 v52, v4  }
0x29b: {  	v32 =	vadd.s32 $0xB, v8;
	v25 =	vadd.s32 v23, v36;
	v37 =	vsub.s32 $0xD, v8  }
0x29c: {  	v26 =	vand.u32 $0x7E, v40;
	v52 =	vsub.s32 $0x13, v8;
	v11 =	vadd.f32 v53, v11  }
0x29d: {  	v59 =	vmul.f32 v47, v4;
	v62 =	vmul.f32 v55, v4;
	v33 =	vand.u32 $0xFFFFFF80, v32  }
0x29e: {  	s15 =	sor.u32 $0x20, s13;
	v38 =	vand.u32 $0xFFFFFF80, v37;
	v39 =	vand.u32 $0x7D, v37;
	v47 =	vand.u32 $0x7C, v44  }
0x29f: {  	v55 =	vand.u32 $0x7F, v52;
	v37 =	vmov s15;
	v12 =	vadd.f32 v54, v12  }
0x2a0: {  	v13 =	vadd.f32 v56, v13;
	v14 =	vadd.f32 v57, v14;
	v60 =	vmul.f32 v50, v4  }
0x2a1: {  	v24 =	vadd.f32 v58, v7;
	v7 =	vadd.f32 v61, v48;
	v48 =	vsub.s32 $0x11, v8  }
0x2a2: {  	v50 =	vsub.s32 $0x12, v8;
	v54 =	vand.u32 $0xFFFFFF80, v52;
	v56 =	vsub.s32 $0x14, v8  }
0x2a3: {  	v58 =	vsub.s32 $0x15, v8;
	v10 =	vadd.f32 v59, v16;
	v6 =	vadd.f32 v62, v17  }
0x2a4: {  	v17 =	vand.u32 $0x7E, v28;
	v16 =	vand.u32 $0x7C, v63;
	v28 =	vadd.s32 v23, v43  }
0x2a5: {  	v49 =	vand.u32 $0xFFFFFF80, v48;
	v29 =	vand.u32 $0x7D, v48;
	v51 =	vand.u32 $0xFFFFFF80, v50  }
0x2a6: {  	v30 =	vand.u32 $0x7E, v50;
	v57 =	vand.u32 $0xFFFFFF80, v56;
	v59 =	vand.u32 $0xFFFFFF80, v58  }
0x2a7: {  	v9 =	vadd.f32 v60, v15;
	v15 =	vand.u32 $0x7D, v27;
	v17 =	vor.u32 v17, v20  }
0x2a8: {  	v20 =	vadd.s32 v34, v33;
	v16 =	vor.u32 v16, v25;
	v25 =	vadd.s32 v23, v41  }
0x2a9: {  	v27 =	vand.u32 $0x7F, v42;
	v31 =	vadd.s32 v23, v51;
	v15 =	vor.u32 v15, v19  }
0x2aa: {  	v33 =	vand.u32 $0x7D, v58;
	v34 =	vadd.s32 v23, v59;
	v25 =	vor.u32 v26, v25  }
0x2ab: {  	v60 =	vsub.s32 $0x16, v8;
	v19 =	vand.u32 $0x7F, v32;
	v45 =	vor.u32 v27, v28  }
0x2ac: {  	v53 =	vor.u32 v30, v31;
	v19 =	vor.u32 v19, v20;
	v20 =	vadd.s32 v23, v38;
	v17 =	vld.idx.msk [tilespmem:v17+s30+$0x0], $0xffff  }
0x2ad: {  	v8 =	vsub.s32 $0x17, v8;
	v27 =	vadd.s32 v23, v46;
	v20 =	vor.u32 v39, v20;
	v16 =	vld.idx.msk [tilespmem:v16+s30+$0x0], $0xffff  }
0x2ae: {  	v28 =	vadd.s32 v23, v49;
	v30 =	vadd.s32 v23, v54;
	v61 =	vor.u32 v33, v34;
	v15 =	vld.idx.msk [tilespmem:v15+s30+$0x0], $0xffff  }
0x2af: {  	v32 =	vand.u32 $0x7C, v56;
	v31 =	vadd.s32 v23, v57;
	v62 =	vand.u32 $0xFFFFFF80, v60;
	v25 =	vld.idx.msk [tilespmem:v25+s30+$0x0], $0xffff  }
0x2b0: {  	v63 =	vand.u32 $0x7E, v60;
	v36 =	vand.u32 $0xFFFFFF80, v8;
	v27 =	vor.u32 v47, v27;
	v26 =	vld.idx.msk [tilespmem:v45+s30+$0x0], $0xffff  }
0x2b1: {  	v8 =	vand.u32 $0x7F, v8;
	v28 =	vor.u32 v29, v28;
	v30 =	vor.u32 v55, v30;
	v38 =	vld.idx.msk [tilespmem:v53+s30+$0x0], $0xffff  }
0x2b2: {  	v31 =	vor.u32 v32, v31;
	v33 =	vadd.s32 v23, v62;
	v39 =	vshll.u32 v37, $0x7;
	v20 =	vld.idx.msk [tilespmem:v20+s30+$0x0], $0xffff  }
0x2b3: {  	v23 =	vadd.s32 v23, v36;
	v33 =	vor.u32 v63, v33;
	v41 =	vor.u32 v0, v39;
	v43 =	vld.idx.msk [tilespmem:v61+s30+$0x0], $0xffff  }
0x2b4: {  	v8 =	vor.u32 v8, v23;
	v29 =	vor.u32 $0x1, v41;
	v44 =	vor.u32 $0x2, v41;
	v19 =	vld.idx.msk [tilespmem:v19+s30+$0x0], $0xffff  }
0x2b5: {  	v47 =	vor.u32 $0x3, v41;
	v27 =	vld.idx.msk [tilespmem:v27+s30+$0x0], $0xffff;
	v17 =	vmul.f32 v17, v4;
	v16 =	vmul.f32 v16, v5  }
0x2b6: {  	v49 =	vor.u32 $0x4, v41;
	v28 =	vld.idx.msk [tilespmem:v28+s30+$0x0], $0xffff;
	v15 =	vmul.f32 v15, v4;
	v45 =	vmul.f32 v25, v5  }
0x2b7: {  	v51 =	vor.u32 $0x5, v41;
	v40 =	vld.idx.msk [tilespmem:v30+s30+$0x0], $0xffff;
	v48 =	vmul.f32 v26, v5;
	v20 =	vmul.f32 v20, v5  }
0x2b8: {  	v42 =	vld.idx.msk [tilespmem:v31+s30+$0x0], $0xffff;
	v23 =	vmul.f32 v38, v5;
	v58 =	vmul.f32 v43, v5;
	v11 =	vadd.f32 v16, v11  }
0x2b9: {  	v46 =	vld.idx.msk [tilespmem:v33+s30+$0x0], $0xffff;
	v4 =	vmul.f32 v19, v4;
	v17 =	vadd.f32 v17, v21;
	v12 =	vadd.f32 v20, v12  }
0x2ba: {  	v8 =	vld.idx.msk [tilespmem:v8+s30+$0x0], $0xffff;
	v50 =	vmul.f32 v27, v5;
	v13 =	vadd.f32 v45, v13;
	[tilespmem:v41+s25+$0x0] =	vst.idx.msk $0xffff, v11  }
0x2bb: {  	v53 =	vor.u32 $0x6, v41;
	v52 =	vmul.f32 v28, v5;
	v14 =	vadd.f32 v48, v14;
	[tilespmem:v29+s25+$0x0] =	vst.idx.msk $0xffff, v12  }
0x2bc: {  	v54 =	vor.u32 $0x7, v41;
	v15 =	vadd.f32 v15, v18;
	v16 =	vadd.f32 v50, v24;
	[tilespmem:v44+s25+$0x0] =	vst.idx.msk $0xffff, v13  }
0x2bd: {  	v55 =	vor.u32 $0x8, v41;
	v18 =	vmul.f32 v40, v5;
	v10 =	vadd.f32 v52, v10;
	[tilespmem:v47+s25+$0x0] =	vst.idx.msk $0xffff, v14  }
0x2be: {  	v57 =	vor.u32 $0x9, v41;
	v56 =	vmul.f32 v42, v5;
	v9 =	vadd.f32 v23, v9;
	[tilespmem:v49+s25+$0x0] =	vst.idx.msk $0xffff, v16  }
0x2bf: {  	v59 =	vor.u32 $0xA, v41;
	v60 =	vmul.f32 v46, v5;
	v7 =	vadd.f32 v18, v7;
	[tilespmem:v51+s25+$0x0] =	vst.idx.msk $0xffff, v10  }
0x2c0: {  	p1 =	por p0, p0;
	v61 =	vor.u32 $0xB, v41;
	v5 =	vmul.f32 v8, v5;
	v6 =	vadd.f32 v56, v6;
	[tilespmem:v53+s25+$0x0] =	vst.idx.msk $0xffff, v9  }
.Ltmp4:
0x2c1: {  	v4 =	vadd.f32 v4, v22;
	v62 =	vadd.f32 v58, v15;
	[tilespmem:v54+s25+$0x0] =	vst.idx.msk $0xffff, v7;
	(pc) =	sbr.rel @p1 .LBB2_9-.Ltmp4, $4  }
0x2c2: {  	v63 =	vadd.f32 v60, v17;
	[tilespmem:v55+s25+$0x0] =	vst.idx.msk $0xffff, v6  }
0x2c3: {  	v4 =	vadd.f32 v5, v4;
	[tilespmem:v57+s25+$0x0] =	vst.idx.msk $0xffff, v62  }
0x2c4: {  	[tilespmem:v59+s25+$0x0] =	vst.idx.msk $0xffff, v63  }
0x2c5: {  	p0 =	por $0x0, $0x0;
	s13 =	simm.s32 $0x10;
	[tilespmem:v61+s25+$0x0] =	vst.idx.msk $0xffff, v4  }
0x2c6: {  	s11 =	sadd.s32 $0x1, s11  }
0x2c7: {  	p0 =	sne.s32 s11, $0x200  }
.Ltmp5:
0x2c8: {  	_ = 	snop;
	(pc) =	sbr.rel @p0 .LBB2_2-.Ltmp5, $3  }
0x2c9: {  	_ =	sdelay $0x1  }
0x2ca: {  	s12 =	sadd.s32 s12, s20  }
0x2cb: {  	[hbm4b:s12+s3] =	stream.linear.scatter [tilespmem:s29], [sflag:$0x6], $0x1000, $0x38;
	[tilespmem:$0x12600] =	vst v63  }
0x2cc: {  	s10 =	sadd.s32 $0x1, s10  }
0x2cd: {  	_ =	swait.ge [sflag:s8], $0x1000;
	p0 =	sne.s32 s10, s21  }
.Ltmp6:
0x2ce: {  	[sflag:s8] =	ssyncset.done $0x0;
	(pc) =	sbr.rel @p0 .LBB2_1-.Ltmp6, $4  }
0x2cf: {  	[sflag:s8] =	ssyncadd.s32 $0xFFFFF000  }
0x2d0: {  	_ =	swait.ge [sflag:s9], $0x1000  }
0x2d1: {  	[sflag:s9] =	ssyncset.done $0x0  }
0x2d2: {  	[sflag:s9] =	ssyncadd.s32 $0xFFFFF000  }
0x2d3: {  	_ =	sfence.sel $0x180000  }
0x2d4: {  	[bflag:$0x0] =	sbarrier.arrive $0xFFFF  }
0x2d5: {  	_ =	strace $0x90000047  }
0x2d6: {  	s0 =	stileid.u32;
	[bflag:$0x2] =	sbarrier.arrive $0xFFFF  }
0x2d7: {  	p0 =	sne.s32 s0, $0x0;
	s0 =	rddreg [dreg:$0x2]  }
0x2d8: {  	s0 =	sadd.s32 @!p0 $0x100000, s0  }
0x2d9: {  	[sflag:s0] =	ssyncadd.tile.s32 @!p0 $0x1;
	_ =	shalt  }
.Lfunc_end2:
_tile_overlayer_lowered:
.L_overlay_start_2:
0x2da: {  	(tag) =	ssettag $0x2  }
0x2db: {  	s0 =	rddreg [dreg:$0x0];
	s2 =	stileid.u32  }
0x2dc: {  	s1 =	rddreg [dreg:$0x1];
	p0 =	sne.s32 s2, $0x0  }
0x2dd: {  	s3 =	rddreg [dreg:$0x2];
	[bflag:$0x3] =	sbarrier.arrive $0xFFFF;
	s2 =	simm.s32 @!p0 $0x1C07  }
0x2de: {  	[timem:s3], [sflag:s2] =	dma.local @!p0 [hbm:s0], s1  }
0x2df: {  	s0 =	simm.s32 @!p0 $0x7  }
0x2e0: {  	_ =	swait.ge @!p0 [sflag:s0], s1  }
0x2e1: {  	s1 =	ssub.s32 @!p0 $0x0, s1;
	[sflag:s0] =	ssyncset.done @!p0 $0x0  }
0x2e2: {  	[sflag:s0] =	ssyncadd.s32 @!p0 s1  }
0x2e3: {  	[bflag:$0x3] =	sbarrier.arrive $0xFFFF  }
0x2e4: {  	_ =	shalt  }

</sc_bundles>
